<compile_context>
chip_gen: v7x
topology: tpu7x:2x2x1
jax: 0.10.2.dev20260603
libtpu: 0.0.44.dev20260713+nightly
codegen_flags: <defaults>
</compile_context>

<pallas_src>
import jax
import jax.numpy as jnp
from jax import lax
from jax.experimental import pallas as pl
from jax.experimental.pallas import tpu as pltpu
from jax.experimental.pallas import tpu_sc as plsc

N_NODES = 10000
N_EDGES = 160000
F = 256
ALPHA = 0.2

N_PAD = 10240
TPR = N_PAD // 32
ROW_BLK = 512
E_PAD = 164352
WIN = 768
NWIN = E_PAD // WIN
CAPE = 6640
CHK = 128
NCHK = N_PAD // CHK
HW = F // 2


def _tc_body(x_ref, w_ref, a2_ref, wh_ref, sd_ref):
    xb = x_ref[...]
    whb = jnp.dot(xb, w_ref[...], preferred_element_type=jnp.float32)
    wh_ref[...] = whb
    sd_ref[...] = lax.dot_general(
        a2_ref[...], whb, (((1,), (1,)), ((), ())),
        preferred_element_type=jnp.float32)


def _sc_body(whp_hbm, s_hbm, d_hbm, src_hbm, dst_hbm, out_hbm,
             hacc, packedE, mlist, whb0, whb1, fbuf,
             sem0, sem1, sem2):
    DEN = 336
    SCH = 672
    WKO = 800
    IKO = CAPE + 16

    c = lax.axis_index("c")
    t = lax.axis_index("s")
    tg = c * 16 + t
    g0 = tg * TPR

    zv = jnp.zeros((16,), jnp.float32)
    lane = lax.iota(jnp.int32, 16)

    def zero_h(r, _):
        for k in range(F // 16):
            hacc[r, pl.ds(16 * k, 16)] = zv
        return 0
    lax.fori_loop(0, TPR + 1, zero_h, 0)

    def zero_den(i, _):
        fbuf[pl.ds(DEN + 16 * i, 16)] = zv
        return 0
    lax.fori_loop(0, 21, zero_den, 0)

    fbuf[pl.ds(TPR, 16)] = zv
    pltpu.sync_copy(d_hbm.at[pl.ds(g0, TPR)], fbuf.at[pl.ds(0, TPR)])

    def round_body(wstart):
        def self_fill(i, _):
            dl = 16 * i + lane
            packedE[pl.ds(16 * i, 16)] = ((g0 + dl) << 9) | dl
            return 0
        lax.fori_loop(0, TPR // 16, self_fill, 0)
        off0 = jnp.where(wstart == 0, TPR, 0)

        def stage(w, par):
            ebase = jnp.minimum(w, NWIN - 1) * WIN
            base = par * (2 * WIN)
            pltpu.make_async_copy(src_hbm.at[pl.ds(ebase, WIN)],
                                  mlist.at[pl.ds(base, WIN)], sem2).start()
            pltpu.make_async_copy(dst_hbm.at[pl.ds(ebase, WIN)],
                                  mlist.at[pl.ds(base + WIN, WIN)],
                                  sem2).start()

        def drain_stage():
            pltpu.make_async_copy(src_hbm.at[pl.ds(0, 2 * WIN)],
                                  mlist.at[pl.ds(0, 2 * WIN)], sem2).wait()

        def scan_cond(cw):
            w, off = cw
            return (w < NWIN) & (off <= CAPE - WIN)

        def scan_window(cw):
            w, off = cw
            drain_stage()
            stage(w + 1, (w + 1) & 1)
            base = (w & 1) * (2 * WIN)

            def scan_body(i, o):
                sv = mlist[pl.ds(base + i * 16, 16)]
                dv = mlist[pl.ds(base + WIN + i * 16, 16)]
                dl = dv - g0
                msk = (dl >= 0) & (dl < TPR)
                p = (sv << 9) | jnp.clip(dl, 0, TPR - 1)
                plsc.store_compressed(packedE.at[pl.ds(o, 16)], p, mask=msk)
                return o + jnp.sum(jnp.where(msk, 1, 0))

            off = lax.fori_loop(0, WIN // 16, scan_body, off)
            return w + 1, off

        stage(wstart, wstart & 1)
        wnext, off = lax.while_loop(scan_cond, scan_window, (wstart, off0))
        drain_stage()

        packedE[pl.ds(off, 16)] = jnp.full((16,), TPR, jnp.int32)
        ngrp = (off + 15) // 16

        def issue(cidx, buf, sem):
            pltpu.make_async_copy(
                whp_hbm.at[pl.ds(cidx * CHK, CHK), :], buf, sem).start()

        def wait(buf, sem):
            pltpu.make_async_copy(
                whp_hbm.at[pl.ds(0, CHK), :], buf, sem).wait()

        def process(cidx, buf):
            c0 = cidx * CHK
            pltpu.sync_copy(s_hbm.at[pl.ds(c0, CHK)],
                            fbuf.at[pl.ds(SCH, CHK)])

            def rescan(i, mo):
                p = packedE[pl.ds(i * 16, 16)]
                soff = lax.shift_right_logical(p, 9) - c0
                msk = (soff >= 0) & (soff < CHK)
                plsc.store_compressed(mlist.at[pl.ds(mo, 16)], p, mask=msk)
                return mo + jnp.sum(jnp.where(msk, 1, 0))

            moff = lax.fori_loop(0, ngrp, rescan, 0)
            mlist[pl.ds(moff, 16)] = jnp.full((16,), (c0 << 9) | TPR,
                                              jnp.int32)

            def group(gi, _):
                p = mlist[pl.ds(gi * 16, 16)]
                soff = lax.shift_right_logical(p, 9) - c0
                dl = p & (512 - 1)
                sval = plsc.load_gather(fbuf, [soff + SCH])
                dval = plsc.load_gather(fbuf, [dl])
                e = sval + dval
                e = jnp.where(e >= 0.0, e, ALPHA * e)
                w = jnp.exp(e)
                fbuf[pl.ds(WKO, 16)] = w
                plsc.addupdate_scatter(fbuf, [dl + DEN], w)
                mlist[pl.ds(IKO, 16)] = soff
                mlist[pl.ds(IKO + 16, 16)] = dl

                def edge(r, _):
                    rsplat = jnp.full((16,), r, jnp.int32)
                    wsp = plsc.load_gather(fbuf, [rsplat + WKO])
                    ssp = plsc.load_gather(mlist, [rsplat + IKO])
                    dsp = plsc.load_gather(mlist, [rsplat + IKO + 16])

                    @plsc.parallel_loop(0, HW // 16, unroll=HW // 16)
                    def _(k):
                        u = plsc.load_gather(buf, [ssp, lane + 16 * k])
                        ab = plsc.bitcast(u, jnp.bfloat16)
                        a, b = plsc.unpack(
                            ab, format=plsc.PackFormat.INTERLEAVED)
                        ca = lane + 16 * k
                        plsc.addupdate_scatter(hacc, [dsp, ca], wsp * a)
                        plsc.addupdate_scatter(hacc, [dsp, ca + 128], wsp * b)
                    return 0

                lax.fori_loop(0, 16, edge, 0)
                return 0

            lax.fori_loop(0, (moff + 15) // 16, group, 0)

        issue(0, whb0, sem0)
        issue(1, whb1, sem1)

        def pair(pi, _):
            wait(whb0, sem0)
            process(2 * pi, whb0)

            @pl.when(2 * pi + 2 < NCHK)
            def _():
                issue(2 * pi + 2, whb0, sem0)

            wait(whb1, sem1)
            process(2 * pi + 1, whb1)

            @pl.when(2 * pi + 3 < NCHK)
            def _():
                issue(2 * pi + 3, whb1, sem1)
            return 0

        lax.fori_loop(0, NCHK // 2, pair, 0)
        return wnext

    lax.while_loop(lambda w: w < NWIN, round_body, 0)

    def recip(i, _):
        fbuf[pl.ds(DEN + 16 * i, 16)] = 1.0 / fbuf[pl.ds(DEN + 16 * i, 16)]
        return 0
    lax.fori_loop(0, TPR // 16, recip, 0)

    def fin_row(r, _):
        inv = plsc.load_gather(fbuf, [jnp.full((16,), DEN + r, jnp.int32)])
        for k in range(F // 16):
            h = hacc[r, pl.ds(16 * k, 16)] * inv
            hacc[r, pl.ds(16 * k, 16)] = jnp.where(
                h > 0.0, h, jnp.exp(h) - 1.0)
        return 0
    lax.fori_loop(0, TPR, fin_row, 0)

    @pl.when(g0 + TPR <= N_NODES)
    def _():
        pltpu.sync_copy(hacc.at[pl.ds(0, TPR), :], out_hbm.at[pl.ds(g0, TPR)])

    @pl.when((g0 < N_NODES) & (g0 + TPR > N_NODES))
    def _():
        pltpu.sync_copy(hacc.at[pl.ds(0, N_NODES % TPR), :],
                        out_hbm.at[pl.ds(g0, N_NODES % TPR)])


@jax.jit
def kernel(x, edge_index, W, a):
    x_pad = jnp.pad(x, ((0, N_PAD - N_NODES), (0, 0)))
    a2 = a[:, 0].reshape(2, F)
    a8 = jnp.concatenate([a2, jnp.zeros((6, F), jnp.float32)], axis=0)

    wh, sd = pl.pallas_call(
        _tc_body,
        grid=(N_PAD // ROW_BLK,),
        in_specs=[
            pl.BlockSpec((ROW_BLK, F), lambda i: (i, 0)),
            pl.BlockSpec((F, F), lambda i: (0, 0)),
            pl.BlockSpec((8, F), lambda i: (0, 0)),
        ],
        out_specs=[
            pl.BlockSpec((ROW_BLK, F), lambda i: (i, 0)),
            pl.BlockSpec((8, ROW_BLK), lambda i: (0, i)),
        ],
        out_shape=[
            jax.ShapeDtypeStruct((N_PAD, F), jnp.float32),
            jax.ShapeDtypeStruct((8, N_PAD), jnp.float32),
        ],
    )(x_pad, W, a8)

    whbf = wh.astype(jnp.bfloat16)
    whp = jax.lax.bitcast_convert_type(
        jnp.stack([whbf[:, :HW], whbf[:, HW:]], axis=-1), jnp.int32)

    src = edge_index[0].astype(jnp.int32)
    dst = edge_index[1].astype(jnp.int32)
    src = jnp.concatenate([src, jnp.zeros((E_PAD - N_EDGES,), jnp.int32)])
    dst = jnp.concatenate(
        [dst, jnp.full((E_PAD - N_EDGES,), -1, jnp.int32)])

    sc = pl.kernel(
        _sc_body,
        out_type=jax.ShapeDtypeStruct((N_NODES, F), jnp.float32),
        mesh=plsc.VectorSubcoreMesh(core_axis_name="c", subcore_axis_name="s"),
        compiler_params=pltpu.CompilerParams(needs_layout_passes=False),
        scratch_types=[
            pltpu.VMEM((TPR + 1, F), jnp.float32),
            pltpu.VMEM((CAPE + 16,), jnp.int32),
            pltpu.VMEM((CAPE + 48,), jnp.int32),
            pltpu.VMEM((CHK, HW), jnp.int32),
            pltpu.VMEM((CHK, HW), jnp.int32),
            pltpu.VMEM((816,), jnp.float32),
            pltpu.SemaphoreType.DMA,
            pltpu.SemaphoreType.DMA,
            pltpu.SemaphoreType.DMA,
        ],
    )
    return sc(whp, sd[0], sd[1], src, dst)

# --- scband reference (transcript-rebuilt; emitter-appended) ---
"""Pipeline reference for scband-sparse-graph-attention-layer-36816459661413 (READ-ONLY COPY).

The authoritative reference and input builder live on the scoring server;
editing this copy changes nothing except your own understanding.
"""

import jax, jax.numpy as jnp
import numpy as np

N_NODES = 10000
N_EDGES = 160000
IN_FEATURES = 256
OUT_FEATURES = 256
ALPHA = 0.2


def setup_inputs(seed: int = 0) -> dict:
    key = jax.random.key(seed)
    k_x, k_ei, k_w, k_a = jax.random.split(key, 4)
    x = jax.random.normal(k_x, (N_NODES, IN_FEATURES), dtype=jnp.float32)
    edge_index = jax.random.randint(k_ei, (2, N_EDGES), 0, N_NODES, dtype=jnp.int64)
    # xavier_uniform init for W: gain=1, bound = sqrt(6/(fan_in+fan_out))
    bw = float(np.sqrt(6.0 / (IN_FEATURES + OUT_FEATURES)))
    W = jax.random.uniform(k_w, (IN_FEATURES, OUT_FEATURES), dtype=jnp.float32, minval=-bw, maxval=bw)
    ba = float(np.sqrt(6.0 / (2 * OUT_FEATURES + 1)))
    a = jax.random.uniform(k_a, (2 * OUT_FEATURES, 1), dtype=jnp.float32, minval=-ba, maxval=ba)
    return {"x": x, "edge_index": edge_index, "W": W, "a": a}


def reference(x, edge_index, W, a):
    N = x.shape[0]
    # add self loops
    loops = jnp.arange(N, dtype=edge_index.dtype)
    ei = jnp.concatenate([edge_index, jnp.stack([loops, loops], axis=0)], axis=1)
    Wh = x @ W  # (N, out)
    src = ei[0]
    dst = ei[1]
    Wh_src = jnp.take(Wh, src, axis=0)  # (E', out)
    Wh_dst = jnp.take(Wh, dst, axis=0)  # (E', out)
    a_input = jnp.concatenate([Wh_src, Wh_dst], axis=1)  # (E', 2*out)
    e = (a_input @ a).squeeze(-1)
    e = jnp.where(e >= 0, e, ALPHA * e)  # leaky relu
    # scatter softmax over edges grouped by dst node
    e_max = jax.ops.segment_max(e, dst, num_segments=N)
    e_max = jax.lax.stop_gradient(e_max)
    e_exp = jnp.exp(e - jnp.take(e_max, dst, axis=0))
    denom = jax.ops.segment_sum(e_exp, dst, num_segments=N)
    alpha_w = e_exp / jnp.take(denom, dst, axis=0)
    # dropout skipped (eval mode / training=False)
    m = Wh_src * alpha_w[:, None]
    h_prime = jax.ops.segment_sum(m, dst, num_segments=N)
    return jax.nn.elu(h_prime)  # concat=True

if __name__ == "__main__":
    import jax
    _d = setup_inputs()
    print(jax.jit(kernel)(*tuple(_d.values())))

</pallas_src>

<mosaic_0001>
#map = affine_map<(d0, d1) -> (0, 0)>
#map1 = affine_map<(d0, d1) -> (0)>
module attributes {stable_mosaic.version = 14 : i64} {
  func.func @_sc_body(%arg0: i32, %arg1: i32, %arg2: memref<10240x128xi32, #tpu.memory_space<hbm>>, %arg3: memref<10240xf32, #tpu.memory_space<hbm>>, %arg4: memref<10240xf32, #tpu.memory_space<hbm>>, %arg5: memref<164352xi32, #tpu.memory_space<hbm>>, %arg6: memref<164352xi32, #tpu.memory_space<hbm>>, %arg7: memref<10000x256xf32, #tpu.memory_space<hbm>>, %arg8: memref<321x256xf32, #tpu.memory_space<vmem>>, %arg9: memref<6656xi32, #tpu.memory_space<vmem>>, %arg10: memref<6688xi32, #tpu.memory_space<vmem>>, %arg11: memref<128x128xi32, #tpu.memory_space<vmem>>, %arg12: memref<128x128xi32, #tpu.memory_space<vmem>>, %arg13: memref<816xf32, #tpu.memory_space<vmem>>, %arg14: memref<!tpu.dma_semaphore, #tpu.memory_space<semaphore_mem>>, %arg15: memref<!tpu.dma_semaphore, #tpu.memory_space<semaphore_mem>>, %arg16: memref<!tpu.dma_semaphore, #tpu.memory_space<semaphore_mem>>) attributes {dimension_semantics = [#tpu.dimension_semantics<core_parallel>, #tpu.dimension_semantics<subcore_parallel>], iteration_bounds = array<i64: 2, 16>, scalar_prefetch = 0 : i64, scratch_operands = 9 : i64, tpu.core_type = #tpu.core_type<sc_vector_subcore>, window_params = [{transform_indices = #map}, {transform_indices = #map1}, {transform_indices = #map1}, {transform_indices = #map1}, {transform_indices = #map1}, {transform_indices = #map}]} {
    %mul3A = arith.constant 16 : i32
    %mul3A_0 = arith.muli %arg0, %mul3A : i32
    %add3A = arith.addi %mul3A_0, %arg1 : i32
    %mul3A_1 = arith.constant 320 : i32
    %mul3A_2 = arith.muli %add3A, %mul3A_1 : i32
    %broadcast_in_dim3A = arith.constant 0.000000e+00 : f32
    %broadcast_in_dim3A_3 = vector.broadcast %broadcast_in_dim3A : f32 to vector<16xf32>
    %iota3A = tpu.iota {dimensions = array<i32: 0>} : vector<16xi32>
    %scan3A = arith.constant 0 : i32
    %scan3A_4 = arith.constant 0 : i32
    %scan3A_5 = arith.constant 321 : i32
    %scan3A_6 = arith.addi %scan3A_4, %scan3A_5 : i32
    %scan3A_7 = arith.constant 1 : i32
    %scan3A_8 = scf.for %scan3A_44 = %scan3A_4 to %scan3A_6 step %scan3A_7 iter_args(%scan3A_45 = %scan3A) -> (i32)  : i32 {
      %swap3A_46 = arith.index_cast %scan3A_44 : i32 to index
      %swap3A_47 = arith.constant 0 : index
      %swap3A_48 = tpu.vector_load %arg8[%swap3A_46, %swap3A_47] {strides = array<i32>} : memref<321x256xf32, #tpu.memory_space<vmem>>, vector<16xf32>,
      tpu.vector_store %arg8[%swap3A_46, %swap3A_47], %broadcast_in_dim3A_3 {strides = array<i32>} : memref<321x256xf32, #tpu.memory_space<vmem>>, vector<16xf32>,
      %swap3A_49 = arith.index_cast %scan3A_44 : i32 to index
      %swap3A_50 = arith.constant 16 : index
      %swap3A_51 = tpu.vector_load %arg8[%swap3A_49, %swap3A_50] {strides = array<i32>} : memref<321x256xf32, #tpu.memory_space<vmem>>, vector<16xf32>,
      tpu.vector_store %arg8[%swap3A_49, %swap3A_50], %broadcast_in_dim3A_3 {strides = array<i32>} : memref<321x256xf32, #tpu.memory_space<vmem>>, vector<16xf32>,
      %swap3A_52 = arith.index_cast %scan3A_44 : i32 to index
      %swap3A_53 = arith.constant 32 : index
      %swap3A_54 = tpu.vector_load %arg8[%swap3A_52, %swap3A_53] {strides = array<i32>} : memref<321x256xf32, #tpu.memory_space<vmem>>, vector<16xf32>,
      tpu.vector_store %arg8[%swap3A_52, %swap3A_53], %broadcast_in_dim3A_3 {strides = array<i32>} : memref<321x256xf32, #tpu.memory_space<vmem>>, vector<16xf32>,
      %swap3A_55 = arith.index_cast %scan3A_44 : i32 to index
      %swap3A_56 = arith.constant 48 : index
      %swap3A_57 = tpu.vector_load %arg8[%swap3A_55, %swap3A_56] {strides = array<i32>} : memref<321x256xf32, #tpu.memory_space<vmem>>, vector<16xf32>,
      tpu.vector_store %arg8[%swap3A_55, %swap3A_56], %broadcast_in_dim3A_3 {strides = array<i32>} : memref<321x256xf32, #tpu.memory_space<vmem>>, vector<16xf32>,
      %swap3A_58 = arith.index_cast %scan3A_44 : i32 to index
      %swap3A_59 = arith.constant 64 : index
      %swap3A_60 = tpu.vector_load %arg8[%swap3A_58, %swap3A_59] {strides = array<i32>} : memref<321x256xf32, #tpu.memory_space<vmem>>, vector<16xf32>,
      tpu.vector_store %arg8[%swap3A_58, %swap3A_59], %broadcast_in_dim3A_3 {strides = array<i32>} : memref<321x256xf32, #tpu.memory_space<vmem>>, vector<16xf32>,
      %swap3A_61 = arith.index_cast %scan3A_44 : i32 to index
      %swap3A_62 = arith.constant 80 : index
      %swap3A_63 = tpu.vector_load %arg8[%swap3A_61, %swap3A_62] {strides = array<i32>} : memref<321x256xf32, #tpu.memory_space<vmem>>, vector<16xf32>,
      tpu.vector_store %arg8[%swap3A_61, %swap3A_62], %broadcast_in_dim3A_3 {strides = array<i32>} : memref<321x256xf32, #tpu.memory_space<vmem>>, vector<16xf32>,
      %swap3A_64 = arith.index_cast %scan3A_44 : i32 to index
      %swap3A_65 = arith.constant 96 : index
      %swap3A_66 = tpu.vector_load %arg8[%swap3A_64, %swap3A_65] {strides = array<i32>} : memref<321x256xf32, #tpu.memory_space<vmem>>, vector<16xf32>,
      tpu.vector_store %arg8[%swap3A_64, %swap3A_65], %broadcast_in_dim3A_3 {strides = array<i32>} : memref<321x256xf32, #tpu.memory_space<vmem>>, vector<16xf32>,
      %swap3A_67 = arith.index_cast %scan3A_44 : i32 to index
      %swap3A_68 = arith.constant 112 : index
      %swap3A_69 = tpu.vector_load %arg8[%swap3A_67, %swap3A_68] {strides = array<i32>} : memref<321x256xf32, #tpu.memory_space<vmem>>, vector<16xf32>,
      tpu.vector_store %arg8[%swap3A_67, %swap3A_68], %broadcast_in_dim3A_3 {strides = array<i32>} : memref<321x256xf32, #tpu.memory_space<vmem>>, vector<16xf32>,
      %swap3A_70 = arith.index_cast %scan3A_44 : i32 to index
      %swap3A_71 = arith.constant 128 : index
      %swap3A_72 = tpu.vector_load %arg8[%swap3A_70, %swap3A_71] {strides = array<i32>} : memref<321x256xf32, #tpu.memory_space<vmem>>, vector<16xf32>,
      tpu.vector_store %arg8[%swap3A_70, %swap3A_71], %broadcast_in_dim3A_3 {strides = array<i32>} : memref<321x256xf32, #tpu.memory_space<vmem>>, vector<16xf32>,
      %swap3A_73 = arith.index_cast %scan3A_44 : i32 to index
      %swap3A_74 = arith.constant 144 : index
      %swap3A_75 = tpu.vector_load %arg8[%swap3A_73, %swap3A_74] {strides = array<i32>} : memref<321x256xf32, #tpu.memory_space<vmem>>, vector<16xf32>,
      tpu.vector_store %arg8[%swap3A_73, %swap3A_74], %broadcast_in_dim3A_3 {strides = array<i32>} : memref<321x256xf32, #tpu.memory_space<vmem>>, vector<16xf32>,
      %swap3A_76 = arith.index_cast %scan3A_44 : i32 to index
      %swap3A_77 = arith.constant 160 : index
      %swap3A_78 = tpu.vector_load %arg8[%swap3A_76, %swap3A_77] {strides = array<i32>} : memref<321x256xf32, #tpu.memory_space<vmem>>, vector<16xf32>,
      tpu.vector_store %arg8[%swap3A_76, %swap3A_77], %broadcast_in_dim3A_3 {strides = array<i32>} : memref<321x256xf32, #tpu.memory_space<vmem>>, vector<16xf32>,
      %swap3A_79 = arith.index_cast %scan3A_44 : i32 to index
      %swap3A_80 = arith.constant 176 : index
      %swap3A_81 = tpu.vector_load %arg8[%swap3A_79, %swap3A_80] {strides = array<i32>} : memref<321x256xf32, #tpu.memory_space<vmem>>, vector<16xf32>,
      tpu.vector_store %arg8[%swap3A_79, %swap3A_80], %broadcast_in_dim3A_3 {strides = array<i32>} : memref<321x256xf32, #tpu.memory_space<vmem>>, vector<16xf32>,
      %swap3A_82 = arith.index_cast %scan3A_44 : i32 to index
      %swap3A_83 = arith.constant 192 : index
      %swap3A_84 = tpu.vector_load %arg8[%swap3A_82, %swap3A_83] {strides = array<i32>} : memref<321x256xf32, #tpu.memory_space<vmem>>, vector<16xf32>,
      tpu.vector_store %arg8[%swap3A_82, %swap3A_83], %broadcast_in_dim3A_3 {strides = array<i32>} : memref<321x256xf32, #tpu.memory_space<vmem>>, vector<16xf32>,
      %swap3A_85 = arith.index_cast %scan3A_44 : i32 to index
      %swap3A_86 = arith.constant 208 : index
      %swap3A_87 = tpu.vector_load %arg8[%swap3A_85, %swap3A_86] {strides = array<i32>} : memref<321x256xf32, #tpu.memory_space<vmem>>, vector<16xf32>,
      tpu.vector_store %arg8[%swap3A_85, %swap3A_86], %broadcast_in_dim3A_3 {strides = array<i32>} : memref<321x256xf32, #tpu.memory_space<vmem>>, vector<16xf32>,
      %swap3A_88 = arith.index_cast %scan3A_44 : i32 to index
      %swap3A_89 = arith.constant 224 : index
      %swap3A_90 = tpu.vector_load %arg8[%swap3A_88, %swap3A_89] {strides = array<i32>} : memref<321x256xf32, #tpu.memory_space<vmem>>, vector<16xf32>,
      tpu.vector_store %arg8[%swap3A_88, %swap3A_89], %broadcast_in_dim3A_3 {strides = array<i32>} : memref<321x256xf32, #tpu.memory_space<vmem>>, vector<16xf32>,
      %swap3A_91 = arith.index_cast %scan3A_44 : i32 to index
      %swap3A_92 = arith.constant 240 : index
      %swap3A_93 = tpu.vector_load %arg8[%swap3A_91, %swap3A_92] {strides = array<i32>} : memref<321x256xf32, #tpu.memory_space<vmem>>, vector<16xf32>,
      tpu.vector_store %arg8[%swap3A_91, %swap3A_92], %broadcast_in_dim3A_3 {strides = array<i32>} : memref<321x256xf32, #tpu.memory_space<vmem>>, vector<16xf32>,
      %scan3A_94 = arith.constant 0 : i32
      scf.yield %scan3A_94 : i32
    }
    %scan3A_9 = arith.constant 321 : i32
    %scan3A_10 = arith.constant 0 : i32
    %scan3A_11 = arith.constant 0 : i32
    %scan3A_12 = arith.constant 21 : i32
    %scan3A_13 = arith.addi %scan3A_11, %scan3A_12 : i32
    %scan3A_14 = arith.constant 1 : i32
    %scan3A_15 = scf.for %scan3A_44 = %scan3A_11 to %scan3A_13 step %scan3A_14 iter_args(%scan3A_45 = %scan3A_10) -> (i32)  : i32 {
      %mul3A_46 = arith.constant 16 : i32
      %mul3A_47 = arith.muli %mul3A_46, %scan3A_44 : i32
      %add3A_48 = arith.constant 336 : i32
      %add3A_49 = arith.addi %add3A_48, %mul3A_47 : i32
      %swap3A_50 = arith.index_cast %add3A_49 : i32 to index
      %swap3A_51 = tpu.vector_load %arg13[%swap3A_50] {strides = array<i32>} : memref<816xf32, #tpu.memory_space<vmem>>, vector<16xf32>,
      tpu.vector_store %arg13[%swap3A_50], %broadcast_in_dim3A_3 {strides = array<i32>} : memref<816xf32, #tpu.memory_space<vmem>>, vector<16xf32>,
      %scan3A_52 = arith.constant 0 : i32
      scf.yield %scan3A_52 : i32
    }
    %scan3A_16 = arith.constant 21 : i32
    %swap3A = arith.constant 320 : index
    %swap3A_17 = tpu.vector_load %arg13[%swap3A] {strides = array<i32>} : memref<816xf32, #tpu.memory_space<vmem>>, vector<16xf32>,
    tpu.vector_store %arg13[%swap3A], %broadcast_in_dim3A_3 {strides = array<i32>} : memref<816xf32, #tpu.memory_space<vmem>>, vector<16xf32>,
    "tpu.region"() ({
      %run_scoped3A = tpu.sem_alloc : memref<!tpu.dma_semaphore, #tpu.memory_space<semaphore_mem>>
      %dma_start3A = arith.constant 0 : i32
      %dma_start3A_44 = tpu.memref_slice %arg13[%dma_start3A] : memref<816xf32, #tpu.memory_space<vmem>> -> memref<320xf32, #tpu.memory_space<vmem>>
      %dma_start3A_45 = tpu.memref_slice %arg4[%mul3A_2] : memref<10240xf32, #tpu.memory_space<hbm>> -> memref<320xf32, #tpu.memory_space<hbm>>
      %dma_start3A_46 = arith.constant 0 : i32
      %dma_start3A_47 = tpu.memref_slice %arg13[%dma_start3A_46] : memref<816xf32, #tpu.memory_space<vmem>> -> memref<320xf32, #tpu.memory_space<vmem>>
      %dma_start3A_48 = tpu.memref_slice %arg4[%mul3A_2] : memref<10240xf32, #tpu.memory_space<hbm>> -> memref<320xf32, #tpu.memory_space<hbm>>
      tpu.enqueue_dma source(%dma_start3A_48 : memref<320xf32, #tpu.memory_space<hbm>>) target(%dma_start3A_47 : memref<320xf32, #tpu.memory_space<vmem>>) target_semaphore(%run_scoped3A : memref<!tpu.dma_semaphore, #tpu.memory_space<semaphore_mem>>)
      %dma_wait3A = arith.constant 0 : i32
      %dma_wait3A_49 = tpu.memref_slice %arg13[%dma_wait3A] : memref<816xf32, #tpu.memory_space<vmem>> -> memref<320xf32, #tpu.memory_space<vmem>>
      %dma_wait3A_50 = tpu.memref_slice %arg4[%mul3A_2] : memref<10240xf32, #tpu.memory_space<hbm>> -> memref<320xf32, #tpu.memory_space<hbm>>
      %dma_wait3A_51 = arith.constant 0 : i32
      %dma_wait3A_52 = tpu.memref_slice %arg13[%dma_wait3A_51] : memref<816xf32, #tpu.memory_space<vmem>> -> memref<320xf32, #tpu.memory_space<vmem>>
      %dma_wait3A_53 = tpu.memref_slice %arg4[%mul3A_2] : memref<10240xf32, #tpu.memory_space<hbm>> -> memref<320xf32, #tpu.memory_space<hbm>>
      tpu.wait_dma2 semaphore(%run_scoped3A : memref<!tpu.dma_semaphore, #tpu.memory_space<semaphore_mem>>) src(%dma_wait3A_53 : memref<320xf32, #tpu.memory_space<hbm>>) dst(%dma_wait3A_52 : memref<320xf32, #tpu.memory_space<vmem>>)
      tpu.yield
    }) : () -> ()
    %while3A = arith.constant 0 : i32
    %while3A_18 = scf.while (%while3A_44 = %while3A) : (i32) -> i32 {
      %lt3A_45 = arith.constant 214 : i32
      %lt3A_46 = arith.cmpi slt, %while3A_44, %lt3A_45 : i32
      scf.condition(%lt3A_46) %while3A_44 : i32
    } do {
    ^bb0(%while3A_44: i32):
      %scan3A_45 = arith.constant 0 : i32
      %scan3A_46 = arith.constant 0 : i32
      %scan3A_47 = arith.constant 20 : i32
      %scan3A_48 = arith.addi %scan3A_46, %scan3A_47 : i32
      %scan3A_49 = arith.constant 1 : i32
      %scan3A_50 = scf.for %scan3A_122 = %scan3A_46 to %scan3A_48 step %scan3A_49 iter_args(%scan3A_123 = %scan3A_45) -> (i32)  : i32 {
        %mul3A_124 = arith.constant 16 : i32
        %mul3A_125 = arith.muli %mul3A_124, %scan3A_122 : i32
        %add3A_126 = vector.broadcast %mul3A_125 : i32 to vector<16xi32>
        %add3A_127 = arith.addi %add3A_126, %iota3A : vector<16xi32>
        %add3A_128 = vector.broadcast %mul3A_2 : i32 to vector<16xi32>
        %add3A_129 = arith.addi %add3A_128, %add3A_127 : vector<16xi32>
        %shift_left3A = arith.constant 9 : i32
        %shift_left3A_130 = vector.broadcast %shift_left3A : i32 to vector<16xi32>
        %shift_left3A_131 = arith.shli %add3A_129, %shift_left3A_130 : vector<16xi32>
        %or3A = arith.ori %shift_left3A_131, %add3A_127 : vector<16xi32>
        %mul3A_132 = arith.constant 16 : i32
        %mul3A_133 = arith.muli %mul3A_132, %scan3A_122 : i32
        %swap3A_134 = arith.index_cast %mul3A_133 : i32 to index
        %swap3A_135 = tpu.vector_load %arg9[%swap3A_134] {strides = array<i32>} : memref<6656xi32, #tpu.memory_space<vmem>>, vector<16xi32>,
        tpu.vector_store %arg9[%swap3A_134], %or3A {strides = array<i32>} : memref<6656xi32, #tpu.memory_space<vmem>>, vector<16xi32>,
        %scan3A_136 = arith.constant 0 : i32
        scf.yield %scan3A_136 : i32
      }
      %scan3A_51 = arith.constant 20 : i32
      %eq3A = arith.constant 0 : i32
      %eq3A_52 = arith.cmpi eq, %while3A_44, %eq3A : i32
      %jit3A = arith.constant 320 : i32
      %jit3A_53 = arith.constant 0 : i32
      %select_n3A = arith.select %eq3A_52, %jit3A, %jit3A_53 : i32
      %and3A_54 = arith.constant 1 : i32
      %and3A_55 = arith.andi %while3A_44, %and3A_54 : i32
      %min3A = arith.constant 213 : i32
      %min3A_56 = arith.minsi %while3A_44, %min3A : i32
      %mul3A_57 = arith.constant 768 : i32
      %mul3A_58 = arith.muli %min3A_56, %mul3A_57 : i32
      %mul3A_59 = arith.constant 1536 : i32
      %mul3A_60 = arith.muli %and3A_55, %mul3A_59 : i32
      %dma_start3A = tpu.memref_slice %arg10[%mul3A_60] : memref<6688xi32, #tpu.memory_space<vmem>> -> memref<768xi32, #tpu.memory_space<vmem>>
      %dma_start3A_61 = tpu.memref_slice %arg5[%mul3A_58] : memref<164352xi32, #tpu.memory_space<hbm>> -> memref<768xi32, #tpu.memory_space<hbm>>
      %dma_start3A_62 = tpu.memref_slice %arg10[%mul3A_60] : memref<6688xi32, #tpu.memory_space<vmem>> -> memref<768xi32, #tpu.memory_space<vmem>>
      %dma_start3A_63 = tpu.memref_slice %arg5[%mul3A_58] : memref<164352xi32, #tpu.memory_space<hbm>> -> memref<768xi32, #tpu.memory_space<hbm>>
      tpu.enqueue_dma source(%dma_start3A_63 : memref<768xi32, #tpu.memory_space<hbm>>) target(%dma_start3A_62 : memref<768xi32, #tpu.memory_space<vmem>>) target_semaphore(%arg16 : memref<!tpu.dma_semaphore, #tpu.memory_space<semaphore_mem>>)
      %add3A_64 = arith.constant 768 : i32
      %add3A_65 = arith.addi %mul3A_60, %add3A_64 : i32
      %dma_start3A_66 = tpu.memref_slice %arg10[%add3A_65] : memref<6688xi32, #tpu.memory_space<vmem>> -> memref<768xi32, #tpu.memory_space<vmem>>
      %dma_start3A_67 = tpu.memref_slice %arg6[%mul3A_58] : memref<164352xi32, #tpu.memory_space<hbm>> -> memref<768xi32, #tpu.memory_space<hbm>>
      %dma_start3A_68 = tpu.memref_slice %arg10[%add3A_65] : memref<6688xi32, #tpu.memory_space<vmem>> -> memref<768xi32, #tpu.memory_space<vmem>>
      %dma_start3A_69 = tpu.memref_slice %arg6[%mul3A_58] : memref<164352xi32, #tpu.memory_space<hbm>> -> memref<768xi32, #tpu.memory_space<hbm>>
      tpu.enqueue_dma source(%dma_start3A_69 : memref<768xi32, #tpu.memory_space<hbm>>) target(%dma_start3A_68 : memref<768xi32, #tpu.memory_space<vmem>>) target_semaphore(%arg16 : memref<!tpu.dma_semaphore, #tpu.memory_space<semaphore_mem>>)
      %while3A_70:2 = scf.while (%while3A_122 = %while3A_44, %while3A_123 = %select_n3A) : (i32, i32) -> (i32, i32) {
        %lt3A_124 = arith.constant 214 : i32
        %lt3A_125 = arith.cmpi slt, %while3A_122, %lt3A_124 : i32
        %le3A_126 = arith.constant 5872 : i32
        %le3A_127 = arith.cmpi sle, %while3A_123, %le3A_126 : i32
        %and3A_128 = arith.andi %lt3A_125, %le3A_127 : i1
        scf.condition(%and3A_128) %while3A_122, %while3A_123 : i32, i32
      } do {
      ^bb0(%while3A_122: i32, %while3A_123: i32):
        %dma_wait3A_124 = arith.constant 0 : i32
        %dma_wait3A_125 = tpu.memref_slice %arg10[%dma_wait3A_124] : memref<6688xi32, #tpu.memory_space<vmem>> -> memref<1536xi32, #tpu.memory_space<vmem>>
        %dma_wait3A_126 = arith.constant 0 : i32
        %dma_wait3A_127 = tpu.memref_slice %arg5[%dma_wait3A_126] : memref<164352xi32, #tpu.memory_space<hbm>> -> memref<1536xi32, #tpu.memory_space<hbm>>
        %dma_wait3A_128 = arith.constant 0 : i32
        %dma_wait3A_129 = tpu.memref_slice %arg10[%dma_wait3A_128] : memref<6688xi32, #tpu.memory_space<vmem>> -> memref<1536xi32, #tpu.memory_space<vmem>>
        %dma_wait3A_130 = arith.constant 0 : i32
        %dma_wait3A_131 = tpu.memref_slice %arg5[%dma_wait3A_130] : memref<164352xi32, #tpu.memory_space<hbm>> -> memref<1536xi32, #tpu.memory_space<hbm>>
        tpu.wait_dma2 semaphore(%arg16 : memref<!tpu.dma_semaphore, #tpu.memory_space<semaphore_mem>>) src(%dma_wait3A_131 : memref<1536xi32, #tpu.memory_space<hbm>>) dst(%dma_wait3A_129 : memref<1536xi32, #tpu.memory_space<vmem>>)
        %add3A_132 = arith.constant 1 : i32
        %add3A_133 = arith.addi %while3A_122, %add3A_132 : i32
        %add3A_134 = arith.constant 1 : i32
        %add3A_135 = arith.addi %while3A_122, %add3A_134 : i32
        %and3A_136 = arith.constant 1 : i32
        %and3A_137 = arith.andi %add3A_135, %and3A_136 : i32
        %min3A_138 = arith.constant 213 : i32
        %min3A_139 = arith.minsi %add3A_133, %min3A_138 : i32
        %mul3A_140 = arith.constant 768 : i32
        %mul3A_141 = arith.muli %min3A_139, %mul3A_140 : i32
        %mul3A_142 = arith.constant 1536 : i32
        %mul3A_143 = arith.muli %and3A_137, %mul3A_142 : i32
        %dma_start3A_144 = tpu.memref_slice %arg10[%mul3A_143] : memref<6688xi32, #tpu.memory_space<vmem>> -> memref<768xi32, #tpu.memory_space<vmem>>
        %dma_start3A_145 = tpu.memref_slice %arg5[%mul3A_141] : memref<164352xi32, #tpu.memory_space<hbm>> -> memref<768xi32, #tpu.memory_space<hbm>>
        %dma_start3A_146 = tpu.memref_slice %arg10[%mul3A_143] : memref<6688xi32, #tpu.memory_space<vmem>> -> memref<768xi32, #tpu.memory_space<vmem>>
        %dma_start3A_147 = tpu.memref_slice %arg5[%mul3A_141] : memref<164352xi32, #tpu.memory_space<hbm>> -> memref<768xi32, #tpu.memory_space<hbm>>
        tpu.enqueue_dma source(%dma_start3A_147 : memref<768xi32, #tpu.memory_space<hbm>>) target(%dma_start3A_146 : memref<768xi32, #tpu.memory_space<vmem>>) target_semaphore(%arg16 : memref<!tpu.dma_semaphore, #tpu.memory_space<semaphore_mem>>)
        %add3A_148 = arith.constant 768 : i32
        %add3A_149 = arith.addi %mul3A_143, %add3A_148 : i32
        %dma_start3A_150 = tpu.memref_slice %arg10[%add3A_149] : memref<6688xi32, #tpu.memory_space<vmem>> -> memref<768xi32, #tpu.memory_space<vmem>>
        %dma_start3A_151 = tpu.memref_slice %arg6[%mul3A_141] : memref<164352xi32, #tpu.memory_space<hbm>> -> memref<768xi32, #tpu.memory_space<hbm>>
        %dma_start3A_152 = tpu.memref_slice %arg10[%add3A_149] : memref<6688xi32, #tpu.memory_space<vmem>> -> memref<768xi32, #tpu.memory_space<vmem>>
        %dma_start3A_153 = tpu.memref_slice %arg6[%mul3A_141] : memref<164352xi32, #tpu.memory_space<hbm>> -> memref<768xi32, #tpu.memory_space<hbm>>
        tpu.enqueue_dma source(%dma_start3A_153 : memref<768xi32, #tpu.memory_space<hbm>>) target(%dma_start3A_152 : memref<768xi32, #tpu.memory_space<vmem>>) target_semaphore(%arg16 : memref<!tpu.dma_semaphore, #tpu.memory_space<semaphore_mem>>)
        %and3A_154 = arith.constant 1 : i32
        %and3A_155 = arith.andi %while3A_122, %and3A_154 : i32
        %mul3A_156 = arith.constant 1536 : i32
        %mul3A_157 = arith.muli %and3A_155, %mul3A_156 : i32
        %scan3A_158 = arith.constant 0 : i32
        %scan3A_159 = arith.constant 48 : i32
        %scan3A_160 = arith.addi %scan3A_158, %scan3A_159 : i32
        %scan3A_161 = arith.constant 1 : i32
        %scan3A_162 = scf.for %scan3A_166 = %scan3A_158 to %scan3A_160 step %scan3A_161 iter_args(%scan3A_167 = %while3A_123) -> (i32)  : i32 {
          %mul3A_168 = arith.constant 16 : i32
          %mul3A_169 = arith.muli %scan3A_166, %mul3A_168 : i32
          %add3A_170 = arith.addi %mul3A_157, %mul3A_169 : i32
          %get3A = arith.index_cast %add3A_170 : i32 to index
          %get3A_171 = tpu.vector_load %arg10[%get3A] {strides = array<i32>} : memref<6688xi32, #tpu.memory_space<vmem>>, vector<16xi32>,
          %add3A_172 = arith.constant 768 : i32
          %add3A_173 = arith.addi %mul3A_157, %add3A_172 : i32
          %mul3A_174 = arith.constant 16 : i32
          %mul3A_175 = arith.muli %scan3A_166, %mul3A_174 : i32
          %add3A_176 = arith.addi %add3A_173, %mul3A_175 : i32
          %get3A_177 = arith.index_cast %add3A_176 : i32 to index
          %get3A_178 = tpu.vector_load %arg10[%get3A_177] {strides = array<i32>} : memref<6688xi32, #tpu.memory_space<vmem>>, vector<16xi32>,
          %sub3A_179 = vector.broadcast %mul3A_2 : i32 to vector<16xi32>
          %sub3A_180 = arith.subi %get3A_178, %sub3A_179 : vector<16xi32>
          %ge3A = arith.constant 0 : i32
          %ge3A_181 = vector.broadcast %ge3A : i32 to vector<16xi32>
          %ge3A_182 = arith.cmpi sge, %sub3A_180, %ge3A_181 : vector<16xi32>
          %lt3A_183 = arith.constant 320 : i32
          %lt3A_184 = vector.broadcast %lt3A_183 : i32 to vector<16xi32>
          %lt3A_185 = arith.cmpi slt, %sub3A_180, %lt3A_184 : vector<16xi32>
          %and3A_186 = arith.andi %ge3A_182, %lt3A_185 : vector<16xi1>
          %shift_left3A = arith.constant 9 : i32
          %shift_left3A_187 = vector.broadcast %shift_left3A : i32 to vector<16xi32>
          %shift_left3A_188 = arith.shli %get3A_171, %shift_left3A_187 : vector<16xi32>
          %jit3A_189 = arith.constant 0 : i32
          %jit3A_190 = arith.constant 319 : i32
          %max3A = vector.broadcast %jit3A_189 : i32 to vector<16xi32>
          %max3A_191 = arith.maxsi %max3A, %sub3A_180 : vector<16xi32>
          %min3A_192 = vector.broadcast %jit3A_190 : i32 to vector<16xi32>
          %min3A_193 = arith.minsi %min3A_192, %max3A_191 : vector<16xi32>
          %or3A = arith.ori %shift_left3A_188, %min3A_193 : vector<16xi32>
          %swap3A_194 = arith.index_cast %scan3A_167 : i32 to index
          %swap3A_195 = tpu.vector_load %arg9[%swap3A_194] masked %and3A_186 {strides = array<i32>} : memref<6656xi32, #tpu.memory_space<vmem>>, vector<16xi32>, vector<16xi1>
          tpu.vector_store %arg9[%swap3A_194], %or3A masked %and3A_186 {strides = array<i32>} : memref<6656xi32, #tpu.memory_space<vmem>>, vector<16xi32>, vector<16xi1>
          %jit3A_196 = arith.constant 1 : i32
          %jit3A_197 = arith.constant 0 : i32
          %broadcast_in_dim3A_198 = vector.broadcast %jit3A_196 : i32 to vector<16xi32>
          %broadcast_in_dim3A_199 = vector.broadcast %jit3A_197 : i32 to vector<16xi32>
          %select_n3A_200 = arith.select %and3A_186, %broadcast_in_dim3A_198, %broadcast_in_dim3A_199 : vector<16xi1>, vector<16xi32>
          %reduce_sum3A = arith.constant true
          %reduce_sum3A_201 = vector.broadcast %reduce_sum3A : i1 to vector<16xi1>
          %reduce_sum3A_202 = tpu.scan <sum>, %select_n3A_200 masked %reduce_sum3A_201 : vector<16xi32>, vector<16xi1> -> vector<16xi32>
          %reduce_sum3A_203 = vector.extract %reduce_sum3A_202[15] : i32 from vector<16xi32>
          %add3A_204 = arith.addi %scan3A_167, %reduce_sum3A_203 : i32
          scf.yield %add3A_204 : i32
        }
        %scan3A_163 = arith.constant 48 : i32
        %add3A_164 = arith.constant 1 : i32
        %add3A_165 = arith.addi %while3A_122, %add3A_164 : i32
        scf.yield %add3A_165, %scan3A_162 : i32, i32
      }
      %dma_wait3A = arith.constant 0 : i32
      %dma_wait3A_71 = tpu.memref_slice %arg10[%dma_wait3A] : memref<6688xi32, #tpu.memory_space<vmem>> -> memref<1536xi32, #tpu.memory_space<vmem>>
      %dma_wait3A_72 = arith.constant 0 : i32
      %dma_wait3A_73 = tpu.memref_slice %arg5[%dma_wait3A_72] : memref<164352xi32, #tpu.memory_space<hbm>> -> memref<1536xi32, #tpu.memory_space<hbm>>
      %dma_wait3A_74 = arith.constant 0 : i32
      %dma_wait3A_75 = tpu.memref_slice %arg10[%dma_wait3A_74] : memref<6688xi32, #tpu.memory_space<vmem>> -> memref<1536xi32, #tpu.memory_space<vmem>>
      %dma_wait3A_76 = arith.constant 0 : i32
      %dma_wait3A_77 = tpu.memref_slice %arg5[%dma_wait3A_76] : memref<164352xi32, #tpu.memory_space<hbm>> -> memref<1536xi32, #tpu.memory_space<hbm>>
      tpu.wait_dma2 semaphore(%arg16 : memref<!tpu.dma_semaphore, #tpu.memory_space<semaphore_mem>>) src(%dma_wait3A_77 : memref<1536xi32, #tpu.memory_space<hbm>>) dst(%dma_wait3A_75 : memref<1536xi32, #tpu.memory_space<vmem>>)
      %broadcast_in_dim3A_78 = arith.constant 320 : i32
      %broadcast_in_dim3A_79 = vector.broadcast %broadcast_in_dim3A_78 : i32 to vector<16xi32>
      %swap3A_80 = arith.index_cast %while3A_70#1 : i32 to index
      %swap3A_81 = tpu.vector_load %arg9[%swap3A_80] {strides = array<i32>} : memref<6656xi32, #tpu.memory_space<vmem>>, vector<16xi32>,
      tpu.vector_store %arg9[%swap3A_80], %broadcast_in_dim3A_79 {strides = array<i32>} : memref<6656xi32, #tpu.memory_space<vmem>>, vector<16xi32>,
      %add3A_82 = arith.constant 15 : i32
      %add3A_83 = arith.addi %while3A_70#1, %add3A_82 : i32
      %jit3A_84 = arith.constant 16 : i32
      %div3A = arith.divsi %add3A_83, %jit3A_84 : i32
      %sign3A = arith.constant 0 : i32
      %sign3A_85 = arith.cmpi sgt, %add3A_83, %sign3A : i32
      %sign3A_86 = arith.extui %sign3A_85 : i1 to i32
      %sign3A_87 = arith.constant 0 : i32
      %sign3A_88 = arith.cmpi slt, %add3A_83, %sign3A_87 : i32
      %sign3A_89 = arith.extui %sign3A_88 : i1 to i32
      %sign3A_90 = arith.subi %sign3A_86, %sign3A_89 : i32
      %sign3A_91 = arith.constant 0 : i32
      %sign3A_92 = arith.cmpi sgt, %jit3A_84, %sign3A_91 : i32
      %sign3A_93 = arith.extui %sign3A_92 : i1 to i32
      %sign3A_94 = arith.constant 0 : i32
      %sign3A_95 = arith.cmpi slt, %jit3A_84, %sign3A_94 : i32
      %sign3A_96 = arith.extui %sign3A_95 : i1 to i32
      %sign3A_97 = arith.subi %sign3A_93, %sign3A_96 : i32
      %ne3A = arith.cmpi ne, %sign3A_90, %sign3A_97 : i32
      %rem3A = arith.remsi %add3A_83, %jit3A_84 : i32
      %ne3A_98 = arith.constant 0 : i32
      %ne3A_99 = arith.cmpi ne, %rem3A, %ne3A_98 : i32
      %and3A_100 = arith.andi %ne3A, %ne3A_99 : i1
      %sub3A = arith.constant 1 : i32
      %sub3A_101 = arith.subi %div3A, %sub3A : i32
      %select_n3A_102 = arith.select %and3A_100, %sub3A_101, %div3A : i32
      %dma_start3A_103 = arith.constant 0 : i32
      %dma_start3A_104 = arith.constant 0 : i32
      %dma_start3A_105 = tpu.memref_slice %arg2[%dma_start3A_103, %dma_start3A_104] : memref<10240x128xi32, #tpu.memory_space<hbm>> -> memref<128x128xi32, #tpu.memory_space<hbm>>
      %dma_start3A_106 = arith.constant 0 : i32
      %dma_start3A_107 = arith.constant 0 : i32
      %dma_start3A_108 = tpu.memref_slice %arg2[%dma_start3A_106, %dma_start3A_107] : memref<10240x128xi32, #tpu.memory_space<hbm>> -> memref<128x128xi32, #tpu.memory_space<hbm>>
      tpu.enqueue_dma source(%dma_start3A_108 : memref<128x128xi32, #tpu.memory_space<hbm>>) target(%arg11 : memref<128x128xi32, #tpu.memory_space<vmem>>) target_semaphore(%arg14 : memref<!tpu.dma_semaphore, #tpu.memory_space<semaphore_mem>>)
      %dma_start3A_109 = arith.constant 128 : i32
      %dma_start3A_110 = arith.constant 0 : i32
      %dma_start3A_111 = tpu.memref_slice %arg2[%dma_start3A_109, %dma_start3A_110] : memref<10240x128xi32, #tpu.memory_space<hbm>> -> memref<128x128xi32, #tpu.memory_space<hbm>>
      %dma_start3A_112 = arith.constant 128 : i32
      %dma_start3A_113 = arith.constant 0 : i32
      %dma_start3A_114 = tpu.memref_slice %arg2[%dma_start3A_112, %dma_start3A_113] : memref<10240x128xi32, #tpu.memory_space<hbm>> -> memref<128x128xi32, #tpu.memory_space<hbm>>
      tpu.enqueue_dma source(%dma_start3A_114 : memref<128x128xi32, #tpu.memory_space<hbm>>) target(%arg12 : memref<128x128xi32, #tpu.memory_space<vmem>>) target_semaphore(%arg15 : memref<!tpu.dma_semaphore, #tpu.memory_space<semaphore_mem>>)
      %scan3A_115 = arith.constant 0 : i32
      %scan3A_116 = arith.constant 0 : i32
      %scan3A_117 = arith.constant 40 : i32
      %scan3A_118 = arith.addi %scan3A_116, %scan3A_117 : i32
      %scan3A_119 = arith.constant 1 : i32
      %scan3A_120 = scf.for %scan3A_122 = %scan3A_116 to %scan3A_118 step %scan3A_119 iter_args(%scan3A_123 = %scan3A_115) -> (i32)  : i32 {
        %dma_wait3A_124 = arith.constant 0 : i32
        %dma_wait3A_125 = arith.constant 0 : i32
        %dma_wait3A_126 = tpu.memref_slice %arg2[%dma_wait3A_124, %dma_wait3A_125] : memref<10240x128xi32, #tpu.memory_space<hbm>> -> memref<128x128xi32, #tpu.memory_space<hbm>>
        %dma_wait3A_127 = arith.constant 0 : i32
        %dma_wait3A_128 = arith.constant 0 : i32
        %dma_wait3A_129 = tpu.memref_slice %arg2[%dma_wait3A_127, %dma_wait3A_128] : memref<10240x128xi32, #tpu.memory_space<hbm>> -> memref<128x128xi32, #tpu.memory_space<hbm>>
        tpu.wait_dma2 semaphore(%arg14 : memref<!tpu.dma_semaphore, #tpu.memory_space<semaphore_mem>>) src(%dma_wait3A_129 : memref<128x128xi32, #tpu.memory_space<hbm>>) dst(%arg11 : memref<128x128xi32, #tpu.memory_space<vmem>>)
        %mul3A_130 = arith.constant 2 : i32
        %mul3A_131 = arith.muli %mul3A_130, %scan3A_122 : i32
        %mul3A_132 = arith.constant 128 : i32
        %mul3A_133 = arith.muli %mul3A_131, %mul3A_132 : i32
        "tpu.region"() ({
          %run_scoped3A = tpu.sem_alloc : memref<!tpu.dma_semaphore, #tpu.memory_space<semaphore_mem>>
          %dma_start3A_277 = arith.constant 672 : i32
          %dma_start3A_278 = tpu.memref_slice %arg13[%dma_start3A_277] : memref<816xf32, #tpu.memory_space<vmem>> -> memref<128xf32, #tpu.memory_space<vmem>>
          %dma_start3A_279 = tpu.memref_slice %arg3[%mul3A_133] : memref<10240xf32, #tpu.memory_space<hbm>> -> memref<128xf32, #tpu.memory_space<hbm>>
          %dma_start3A_280 = arith.constant 672 : i32
          %dma_start3A_281 = tpu.memref_slice %arg13[%dma_start3A_280] : memref<816xf32, #tpu.memory_space<vmem>> -> memref<128xf32, #tpu.memory_space<vmem>>
          %dma_start3A_282 = tpu.memref_slice %arg3[%mul3A_133] : memref<10240xf32, #tpu.memory_space<hbm>> -> memref<128xf32, #tpu.memory_space<hbm>>
          tpu.enqueue_dma source(%dma_start3A_282 : memref<128xf32, #tpu.memory_space<hbm>>) target(%dma_start3A_281 : memref<128xf32, #tpu.memory_space<vmem>>) target_semaphore(%run_scoped3A : memref<!tpu.dma_semaphore, #tpu.memory_space<semaphore_mem>>)
          %dma_wait3A_283 = arith.constant 672 : i32
          %dma_wait3A_284 = tpu.memref_slice %arg13[%dma_wait3A_283] : memref<816xf32, #tpu.memory_space<vmem>> -> memref<128xf32, #tpu.memory_space<vmem>>
          %dma_wait3A_285 = tpu.memref_slice %arg3[%mul3A_133] : memref<10240xf32, #tpu.memory_space<hbm>> -> memref<128xf32, #tpu.memory_space<hbm>>
          %dma_wait3A_286 = arith.constant 672 : i32
          %dma_wait3A_287 = tpu.memref_slice %arg13[%dma_wait3A_286] : memref<816xf32, #tpu.memory_space<vmem>> -> memref<128xf32, #tpu.memory_space<vmem>>
          %dma_wait3A_288 = tpu.memref_slice %arg3[%mul3A_133] : memref<10240xf32, #tpu.memory_space<hbm>> -> memref<128xf32, #tpu.memory_space<hbm>>
          tpu.wait_dma2 semaphore(%run_scoped3A : memref<!tpu.dma_semaphore, #tpu.memory_space<semaphore_mem>>) src(%dma_wait3A_288 : memref<128xf32, #tpu.memory_space<hbm>>) dst(%dma_wait3A_287 : memref<128xf32, #tpu.memory_space<vmem>>)
          tpu.yield
        }) : () -> ()
        %while3A_134 = arith.constant 0 : i32
        %while3A_135 = arith.constant 0 : i32
        %while3A_136 = arith.subi %select_n3A_102, %while3A_134 : i32
        %while3A_137 = arith.addi %while3A_134, %while3A_136 : i32
        %while3A_138 = arith.constant 1 : i32
        %while3A_139 = arith.divsi %while3A_136, %while3A_138 : i32
        %while3A_140 = arith.muli %while3A_139, %while3A_138 : i32
        %while3A_141 = arith.addi %while3A_134, %while3A_140 : i32
        %while3A_142 = arith.constant 1 : i32
        %while3A_143 = scf.for %while3A_277 = %while3A_134 to %while3A_141 step %while3A_142 iter_args(%while3A_278 = %while3A_135) -> (i32)  : i32 {
          %mul3A_279 = arith.constant 16 : i32
          %mul3A_280 = arith.muli %while3A_277, %mul3A_279 : i32
          %get3A = arith.index_cast %mul3A_280 : i32 to index
          %get3A_281 = tpu.vector_load %arg9[%get3A] {strides = array<i32>} : memref<6656xi32, #tpu.memory_space<vmem>>, vector<16xi32>,
          %shift_right_logical3A = arith.constant 9 : i32
          %shift_right_logical3A_282 = vector.broadcast %shift_right_logical3A : i32 to vector<16xi32>
          %shift_right_logical3A_283 = arith.shrui %get3A_281, %shift_right_logical3A_282 : vector<16xi32>
          %sub3A_284 = vector.broadcast %mul3A_133 : i32 to vector<16xi32>
          %sub3A_285 = arith.subi %shift_right_logical3A_283, %sub3A_284 : vector<16xi32>
          %ge3A = arith.constant 0 : i32
          %ge3A_286 = vector.broadcast %ge3A : i32 to vector<16xi32>
          %ge3A_287 = arith.cmpi sge, %sub3A_285, %ge3A_286 : vector<16xi32>
          %lt3A_288 = arith.constant 128 : i32
          %lt3A_289 = vector.broadcast %lt3A_288 : i32 to vector<16xi32>
          %lt3A_290 = arith.cmpi slt, %sub3A_285, %lt3A_289 : vector<16xi32>
          %and3A_291 = arith.andi %ge3A_287, %lt3A_290 : vector<16xi1>
          %swap3A_292 = arith.index_cast %while3A_278 : i32 to index
          %swap3A_293 = tpu.vector_load %arg10[%swap3A_292] masked %and3A_291 {strides = array<i32>} : memref<6688xi32, #tpu.memory_space<vmem>>, vector<16xi32>, vector<16xi1>
          tpu.vector_store %arg10[%swap3A_292], %get3A_281 masked %and3A_291 {strides = array<i32>} : memref<6688xi32, #tpu.memory_space<vmem>>, vector<16xi32>, vector<16xi1>
          %jit3A_294 = arith.constant 1 : i32
          %jit3A_295 = arith.constant 0 : i32
          %broadcast_in_dim3A_296 = vector.broadcast %jit3A_294 : i32 to vector<16xi32>
          %broadcast_in_dim3A_297 = vector.broadcast %jit3A_295 : i32 to vector<16xi32>
          %select_n3A_298 = arith.select %and3A_291, %broadcast_in_dim3A_296, %broadcast_in_dim3A_297 : vector<16xi1>, vector<16xi32>
          %reduce_sum3A = arith.constant true
          %reduce_sum3A_299 = vector.broadcast %reduce_sum3A : i1 to vector<16xi1>
          %reduce_sum3A_300 = tpu.scan <sum>, %select_n3A_298 masked %reduce_sum3A_299 : vector<16xi32>, vector<16xi1> -> vector<16xi32>
          %reduce_sum3A_301 = vector.extract %reduce_sum3A_300[15] : i32 from vector<16xi32>
          %add3A_302 = arith.addi %while3A_278, %reduce_sum3A_301 : i32
          scf.yield %add3A_302 : i32
        }
        %while3A_144 = arith.constant 1 : i32
        %while3A_145 = scf.for %while3A_277 = %while3A_141 to %while3A_137 step %while3A_144 iter_args(%while3A_278 = %while3A_143) -> (i32)  : i32 {
          %mul3A_279 = arith.constant 16 : i32
          %mul3A_280 = arith.muli %while3A_277, %mul3A_279 : i32
          %get3A = arith.index_cast %mul3A_280 : i32 to index
          %get3A_281 = tpu.vector_load %arg9[%get3A] {strides = array<i32>} : memref<6656xi32, #tpu.memory_space<vmem>>, vector<16xi32>,
          %shift_right_logical3A = arith.constant 9 : i32
          %shift_right_logical3A_282 = vector.broadcast %shift_right_logical3A : i32 to vector<16xi32>
          %shift_right_logical3A_283 = arith.shrui %get3A_281, %shift_right_logical3A_282 : vector<16xi32>
          %sub3A_284 = vector.broadcast %mul3A_133 : i32 to vector<16xi32>
          %sub3A_285 = arith.subi %shift_right_logical3A_283, %sub3A_284 : vector<16xi32>
          %ge3A = arith.constant 0 : i32
          %ge3A_286 = vector.broadcast %ge3A : i32 to vector<16xi32>
          %ge3A_287 = arith.cmpi sge, %sub3A_285, %ge3A_286 : vector<16xi32>
          %lt3A_288 = arith.constant 128 : i32
          %lt3A_289 = vector.broadcast %lt3A_288 : i32 to vector<16xi32>
          %lt3A_290 = arith.cmpi slt, %sub3A_285, %lt3A_289 : vector<16xi32>
          %and3A_291 = arith.andi %ge3A_287, %lt3A_290 : vector<16xi1>
          %swap3A_292 = arith.index_cast %while3A_278 : i32 to index
          %swap3A_293 = tpu.vector_load %arg10[%swap3A_292] masked %and3A_291 {strides = array<i32>} : memref<6688xi32, #tpu.memory_space<vmem>>, vector<16xi32>, vector<16xi1>
          tpu.vector_store %arg10[%swap3A_292], %get3A_281 masked %and3A_291 {strides = array<i32>} : memref<6688xi32, #tpu.memory_space<vmem>>, vector<16xi32>, vector<16xi1>
          %jit3A_294 = arith.constant 1 : i32
          %jit3A_295 = arith.constant 0 : i32
          %broadcast_in_dim3A_296 = vector.broadcast %jit3A_294 : i32 to vector<16xi32>
          %broadcast_in_dim3A_297 = vector.broadcast %jit3A_295 : i32 to vector<16xi32>
          %select_n3A_298 = arith.select %and3A_291, %broadcast_in_dim3A_296, %broadcast_in_dim3A_297 : vector<16xi1>, vector<16xi32>
          %reduce_sum3A = arith.constant true
          %reduce_sum3A_299 = vector.broadcast %reduce_sum3A : i1 to vector<16xi1>
          %reduce_sum3A_300 = tpu.scan <sum>, %select_n3A_298 masked %reduce_sum3A_299 : vector<16xi32>, vector<16xi1> -> vector<16xi32>
          %reduce_sum3A_301 = vector.extract %reduce_sum3A_300[15] : i32 from vector<16xi32>
          %add3A_302 = arith.addi %while3A_278, %reduce_sum3A_301 : i32
          scf.yield %add3A_302 : i32
        }
        %shift_left3A = arith.constant 9 : i32
        %shift_left3A_146 = arith.shli %mul3A_133, %shift_left3A : i32
        %or3A = arith.constant 320 : i32
        %or3A_147 = arith.ori %shift_left3A_146, %or3A : i32
        %broadcast_in_dim3A_148 = vector.broadcast %or3A_147 : i32 to vector<16xi32>
        %swap3A_149 = arith.index_cast %while3A_145 : i32 to index
        %swap3A_150 = tpu.vector_load %arg10[%swap3A_149] {strides = array<i32>} : memref<6688xi32, #tpu.memory_space<vmem>>, vector<16xi32>,
        tpu.vector_store %arg10[%swap3A_149], %broadcast_in_dim3A_148 {strides = array<i32>} : memref<6688xi32, #tpu.memory_space<vmem>>, vector<16xi32>,
        %add3A_151 = arith.constant 15 : i32
        %add3A_152 = arith.addi %while3A_145, %add3A_151 : i32
        %jit3A_153 = arith.constant 16 : i32
        %div3A_154 = arith.divsi %add3A_152, %jit3A_153 : i32
        %sign3A_155 = arith.constant 0 : i32
        %sign3A_156 = arith.cmpi sgt, %add3A_152, %sign3A_155 : i32
        %sign3A_157 = arith.extui %sign3A_156 : i1 to i32
        %sign3A_158 = arith.constant 0 : i32
        %sign3A_159 = arith.cmpi slt, %add3A_152, %sign3A_158 : i32
        %sign3A_160 = arith.extui %sign3A_159 : i1 to i32
        %sign3A_161 = arith.subi %sign3A_157, %sign3A_160 : i32
        %sign3A_162 = arith.constant 0 : i32
        %sign3A_163 = arith.cmpi sgt, %jit3A_153, %sign3A_162 : i32
        %sign3A_164 = arith.extui %sign3A_163 : i1 to i32
        %sign3A_165 = arith.constant 0 : i32
        %sign3A_166 = arith.cmpi slt, %jit3A_153, %sign3A_165 : i32
        %sign3A_167 = arith.extui %sign3A_166 : i1 to i32
        %sign3A_168 = arith.subi %sign3A_164, %sign3A_167 : i32
        %ne3A_169 = arith.cmpi ne, %sign3A_161, %sign3A_168 : i32
        %rem3A_170 = arith.remsi %add3A_152, %jit3A_153 : i32
        %ne3A_171 = arith.constant 0 : i32
        %ne3A_172 = arith.cmpi ne, %rem3A_170, %ne3A_171 : i32
        %and3A_173 = arith.andi %ne3A_169, %ne3A_172 : i1
        %sub3A_174 = arith.constant 1 : i32
        %sub3A_175 = arith.subi %div3A_154, %sub3A_174 : i32
        %select_n3A_176 = arith.select %and3A_173, %sub3A_175, %div3A_154 : i32
        %while3A_177 = arith.constant 0 : i32
        %while3A_178 = arith.constant 0 : i32
        %while3A_179 = arith.subi %select_n3A_176, %while3A_177 : i32
        %while3A_180 = arith.addi %while3A_177, %while3A_179 : i32
        %while3A_181 = arith.constant 1 : i32
        %while3A_182 = arith.divsi %while3A_179, %while3A_181 : i32
        %while3A_183 = arith.muli %while3A_182, %while3A_181 : i32
        %while3A_184 = arith.addi %while3A_177, %while3A_183 : i32
        %while3A_185 = arith.constant 1 : i32
        %while3A_186 = scf.for %while3A_277 = %while3A_177 to %while3A_184 step %while3A_185 iter_args(%while3A_278 = %while3A_178) -> (i32)  : i32 {
          %mul3A_279 = arith.constant 16 : i32
          %mul3A_280 = arith.muli %while3A_277, %mul3A_279 : i32
          %get3A = arith.index_cast %mul3A_280 : i32 to index
          %get3A_281 = tpu.vector_load %arg10[%get3A] {strides = array<i32>} : memref<6688xi32, #tpu.memory_space<vmem>>, vector<16xi32>,
          %shift_right_logical3A = arith.constant 9 : i32
          %shift_right_logical3A_282 = vector.broadcast %shift_right_logical3A : i32 to vector<16xi32>
          %shift_right_logical3A_283 = arith.shrui %get3A_281, %shift_right_logical3A_282 : vector<16xi32>
          %sub3A_284 = vector.broadcast %mul3A_133 : i32 to vector<16xi32>
          %sub3A_285 = arith.subi %shift_right_logical3A_283, %sub3A_284 : vector<16xi32>
          %and3A_286 = arith.constant 511 : i32
          %and3A_287 = vector.broadcast %and3A_286 : i32 to vector<16xi32>
          %and3A_288 = arith.andi %get3A_281, %and3A_287 : vector<16xi32>
          %add3A_289 = arith.constant 672 : i32
          %add3A_290 = vector.broadcast %add3A_289 : i32 to vector<16xi32>
          %add3A_291 = arith.addi %sub3A_285, %add3A_290 : vector<16xi32>
          %gather3A = tpu.vector_load_idx %arg13[%add3A_291] : memref<816xf32, #tpu.memory_space<vmem>>[vector<16xi32>], vector<16xf32>,
          %gather3A_292 = tpu.vector_load_idx %arg13[%and3A_288] : memref<816xf32, #tpu.memory_space<vmem>>[vector<16xi32>], vector<16xf32>,
          %add3A_293 = arith.addf %gather3A, %gather3A_292 : vector<16xf32>
          %ge3A = arith.constant 0.000000e+00 : f32
          %ge3A_294 = vector.broadcast %ge3A : f32 to vector<16xf32>
          %ge3A_295 = arith.cmpf oge, %add3A_293, %ge3A_294 : vector<16xf32>
          %mul3A_296 = arith.constant 2.000000e-01 : f32
          %mul3A_297 = vector.broadcast %mul3A_296 : f32 to vector<16xf32>
          %mul3A_298 = arith.mulf %mul3A_297, %add3A_293 : vector<16xf32>
          %select_n3A_299 = arith.select %ge3A_295, %add3A_293, %mul3A_298 : vector<16xi1>, vector<16xf32>
          %exp3A = math.exp %select_n3A_299 : vector<16xf32>
          %swap3A_300 = arith.constant 800 : index
          %swap3A_301 = tpu.vector_load %arg13[%swap3A_300] {strides = array<i32>} : memref<816xf32, #tpu.memory_space<vmem>>, vector<16xf32>,
          tpu.vector_store %arg13[%swap3A_300], %exp3A {strides = array<i32>} : memref<816xf32, #tpu.memory_space<vmem>>, vector<16xf32>,
          %add3A_302 = arith.constant 336 : i32
          %add3A_303 = vector.broadcast %add3A_302 : i32 to vector<16xi32>
          %add3A_304 = arith.addi %and3A_288, %add3A_303 : vector<16xi32>
          tpu.vector_store_idx %arg13[%add3A_304], %exp3A {add = true} : memref<816xf32, #tpu.memory_space<vmem>>[vector<16xi32>], vector<16xf32>,
          %swap3A_305 = arith.constant 6656 : index
          %swap3A_306 = tpu.vector_load %arg10[%swap3A_305] {strides = array<i32>} : memref<6688xi32, #tpu.memory_space<vmem>>, vector<16xi32>,
          tpu.vector_store %arg10[%swap3A_305], %sub3A_285 {strides = array<i32>} : memref<6688xi32, #tpu.memory_space<vmem>>, vector<16xi32>,
          %swap3A_307 = arith.constant 6672 : index
          %swap3A_308 = tpu.vector_load %arg10[%swap3A_307] {strides = array<i32>} : memref<6688xi32, #tpu.memory_space<vmem>>, vector<16xi32>,
          tpu.vector_store %arg10[%swap3A_307], %and3A_288 {strides = array<i32>} : memref<6688xi32, #tpu.memory_space<vmem>>, vector<16xi32>,
          %scan3A_309 = arith.constant 0 : i32
          %scan3A_310 = arith.constant 0 : i32
          %scan3A_311 = arith.constant 16 : i32
          %scan3A_312 = arith.addi %scan3A_310, %scan3A_311 : i32
          %scan3A_313 = arith.constant 1 : i32
          %scan3A_314 = scf.for %scan3A_317 = %scan3A_310 to %scan3A_312 step %scan3A_313 iter_args(%scan3A_318 = %scan3A_309) -> (i32)  : i32 {
            %broadcast_in_dim3A_319 = vector.broadcast %scan3A_317 : i32 to vector<16xi32>
            %add3A_320 = arith.constant 800 : i32
            %add3A_321 = vector.broadcast %add3A_320 : i32 to vector<16xi32>
            %add3A_322 = arith.addi %broadcast_in_dim3A_319, %add3A_321 : vector<16xi32>
            %gather3A_323 = tpu.vector_load_idx %arg13[%add3A_322] : memref<816xf32, #tpu.memory_space<vmem>>[vector<16xi32>], vector<16xf32>,
            %add3A_324 = arith.constant 6656 : i32
            %add3A_325 = vector.broadcast %add3A_324 : i32 to vector<16xi32>
            %add3A_326 = arith.addi %broadcast_in_dim3A_319, %add3A_325 : vector<16xi32>
            %gather3A_327 = tpu.vector_load_idx %arg10[%add3A_326] : memref<6688xi32, #tpu.memory_space<vmem>>[vector<16xi32>], vector<16xi32>,
            %add3A_328 = arith.constant 6656 : i32
            %add3A_329 = vector.broadcast %add3A_328 : i32 to vector<16xi32>
            %add3A_330 = arith.addi %broadcast_in_dim3A_319, %add3A_329 : vector<16xi32>
            %add3A_331 = arith.constant 16 : i32
            %add3A_332 = vector.broadcast %add3A_331 : i32 to vector<16xi32>
            %add3A_333 = arith.addi %add3A_330, %add3A_332 : vector<16xi32>
            %gather3A_334 = tpu.vector_load_idx %arg10[%add3A_333] : memref<6688xi32, #tpu.memory_space<vmem>>[vector<16xi32>], vector<16xi32>,
            %parallel_loop3A = arith.constant 0 : i32
            %parallel_loop3A_335 = arith.constant 8 : i32
            %parallel_loop3A_336 = arith.constant 1 : i32
            scf.for %parallel_loop3A_338 = %parallel_loop3A to %parallel_loop3A_335 step %parallel_loop3A_336  : i32 {
              %parallel_loop3A_339 = arith.constant 16 : i32
              %parallel_loop3A_340 = arith.muli %parallel_loop3A_339, %parallel_loop3A_338 : i32
              %parallel_loop3A_341 = vector.broadcast %parallel_loop3A_340 : i32 to vector<16xi32>
              %parallel_loop3A_342 = arith.addi %iota3A, %parallel_loop3A_341 : vector<16xi32>
              %parallel_loop3A_343 = tpu.vector_load_idx %arg11[%gather3A_327, %parallel_loop3A_342] : memref<128x128xi32, #tpu.memory_space<vmem>>[vector<16xi32>, vector<16xi32>], vector<16xi32>,
              %parallel_loop3A_344 = vector.bitcast %parallel_loop3A_343 : vector<16xi32> to vector<32xbf16>
              %parallel_loop3A_345 = tpu.unpack_subelements %parallel_loop3A_344, 0 {pack_format = #tpu.pack_format<interleaved>} : vector<32xbf16> -> vector<16xf32>
              %parallel_loop3A_346 = tpu.unpack_subelements %parallel_loop3A_344, 1 {pack_format = #tpu.pack_format<interleaved>} : vector<32xbf16> -> vector<16xf32>
              %parallel_loop3A_347 = arith.constant 16 : i32
              %parallel_loop3A_348 = arith.muli %parallel_loop3A_347, %parallel_loop3A_338 : i32
              %parallel_loop3A_349 = vector.broadcast %parallel_loop3A_348 : i32 to vector<16xi32>
              %parallel_loop3A_350 = arith.addi %iota3A, %parallel_loop3A_349 : vector<16xi32>
              %parallel_loop3A_351 = arith.mulf %gather3A_323, %parallel_loop3A_345 : vector<16xf32>
              tpu.vector_store_idx %arg8[%gather3A_334, %parallel_loop3A_350], %parallel_loop3A_351 {add = true} : memref<321x256xf32, #tpu.memory_space<vmem>>[vector<16xi32>, vector<16xi32>], vector<16xf32>,
              %parallel_loop3A_352 = arith.constant 128 : i32
              %parallel_loop3A_353 = vector.broadcast %parallel_loop3A_352 : i32 to vector<16xi32>
              %parallel_loop3A_354 = arith.addi %parallel_loop3A_350, %parallel_loop3A_353 : vector<16xi32>
              %parallel_loop3A_355 = arith.mulf %gather3A_323, %parallel_loop3A_346 : vector<16xf32>
              tpu.vector_store_idx %arg8[%gather3A_334, %parallel_loop3A_354], %parallel_loop3A_355 {add = true} : memref<321x256xf32, #tpu.memory_space<vmem>>[vector<16xi32>, vector<16xi32>], vector<16xf32>,
            } {sc.loop_unroll_factor = 8 : i64, sc.parallel_access}
            %scan3A_337 = arith.constant 0 : i32
            scf.yield %scan3A_337 : i32
          }
          %scan3A_315 = arith.constant 16 : i32
          %while3A_316 = arith.constant 0 : i32
          scf.yield %while3A_316 : i32
        }
        %while3A_187 = arith.constant 1 : i32
        %while3A_188 = scf.for %while3A_277 = %while3A_184 to %while3A_180 step %while3A_187 iter_args(%while3A_278 = %while3A_186) -> (i32)  : i32 {
          %mul3A_279 = arith.constant 16 : i32
          %mul3A_280 = arith.muli %while3A_277, %mul3A_279 : i32
          %get3A = arith.index_cast %mul3A_280 : i32 to index
          %get3A_281 = tpu.vector_load %arg10[%get3A] {strides = array<i32>} : memref<6688xi32, #tpu.memory_space<vmem>>, vector<16xi32>,
          %shift_right_logical3A = arith.constant 9 : i32
          %shift_right_logical3A_282 = vector.broadcast %shift_right_logical3A : i32 to vector<16xi32>
          %shift_right_logical3A_283 = arith.shrui %get3A_281, %shift_right_logical3A_282 : vector<16xi32>
          %sub3A_284 = vector.broadcast %mul3A_133 : i32 to vector<16xi32>
          %sub3A_285 = arith.subi %shift_right_logical3A_283, %sub3A_284 : vector<16xi32>
          %and3A_286 = arith.constant 511 : i32
          %and3A_287 = vector.broadcast %and3A_286 : i32 to vector<16xi32>
          %and3A_288 = arith.andi %get3A_281, %and3A_287 : vector<16xi32>
          %add3A_289 = arith.constant 672 : i32
          %add3A_290 = vector.broadcast %add3A_289 : i32 to vector<16xi32>
          %add3A_291 = arith.addi %sub3A_285, %add3A_290 : vector<16xi32>
          %gather3A = tpu.vector_load_idx %arg13[%add3A_291] : memref<816xf32, #tpu.memory_space<vmem>>[vector<16xi32>], vector<16xf32>,
          %gather3A_292 = tpu.vector_load_idx %arg13[%and3A_288] : memref<816xf32, #tpu.memory_space<vmem>>[vector<16xi32>], vector<16xf32>,
          %add3A_293 = arith.addf %gather3A, %gather3A_292 : vector<16xf32>
          %ge3A = arith.constant 0.000000e+00 : f32
          %ge3A_294 = vector.broadcast %ge3A : f32 to vector<16xf32>
          %ge3A_295 = arith.cmpf oge, %add3A_293, %ge3A_294 : vector<16xf32>
          %mul3A_296 = arith.constant 2.000000e-01 : f32
          %mul3A_297 = vector.broadcast %mul3A_296 : f32 to vector<16xf32>
          %mul3A_298 = arith.mulf %mul3A_297, %add3A_293 : vector<16xf32>
          %select_n3A_299 = arith.select %ge3A_295, %add3A_293, %mul3A_298 : vector<16xi1>, vector<16xf32>
          %exp3A = math.exp %select_n3A_299 : vector<16xf32>
          %swap3A_300 = arith.constant 800 : index
          %swap3A_301 = tpu.vector_load %arg13[%swap3A_300] {strides = array<i32>} : memref<816xf32, #tpu.memory_space<vmem>>, vector<16xf32>,
          tpu.vector_store %arg13[%swap3A_300], %exp3A {strides = array<i32>} : memref<816xf32, #tpu.memory_space<vmem>>, vector<16xf32>,
          %add3A_302 = arith.constant 336 : i32
          %add3A_303 = vector.broadcast %add3A_302 : i32 to vector<16xi32>
          %add3A_304 = arith.addi %and3A_288, %add3A_303 : vector<16xi32>
          tpu.vector_store_idx %arg13[%add3A_304], %exp3A {add = true} : memref<816xf32, #tpu.memory_space<vmem>>[vector<16xi32>], vector<16xf32>,
          %swap3A_305 = arith.constant 6656 : index
          %swap3A_306 = tpu.vector_load %arg10[%swap3A_305] {strides = array<i32>} : memref<6688xi32, #tpu.memory_space<vmem>>, vector<16xi32>,
          tpu.vector_store %arg10[%swap3A_305], %sub3A_285 {strides = array<i32>} : memref<6688xi32, #tpu.memory_space<vmem>>, vector<16xi32>,
          %swap3A_307 = arith.constant 6672 : index
          %swap3A_308 = tpu.vector_load %arg10[%swap3A_307] {strides = array<i32>} : memref<6688xi32, #tpu.memory_space<vmem>>, vector<16xi32>,
          tpu.vector_store %arg10[%swap3A_307], %and3A_288 {strides = array<i32>} : memref<6688xi32, #tpu.memory_space<vmem>>, vector<16xi32>,
          %scan3A_309 = arith.constant 0 : i32
          %scan3A_310 = arith.constant 0 : i32
          %scan3A_311 = arith.constant 16 : i32
          %scan3A_312 = arith.addi %scan3A_310, %scan3A_311 : i32
          %scan3A_313 = arith.constant 1 : i32
          %scan3A_314 = scf.for %scan3A_317 = %scan3A_310 to %scan3A_312 step %scan3A_313 iter_args(%scan3A_318 = %scan3A_309) -> (i32)  : i32 {
            %broadcast_in_dim3A_319 = vector.broadcast %scan3A_317 : i32 to vector<16xi32>
            %add3A_320 = arith.constant 800 : i32
            %add3A_321 = vector.broadcast %add3A_320 : i32 to vector<16xi32>
            %add3A_322 = arith.addi %broadcast_in_dim3A_319, %add3A_321 : vector<16xi32>
            %gather3A_323 = tpu.vector_load_idx %arg13[%add3A_322] : memref<816xf32, #tpu.memory_space<vmem>>[vector<16xi32>], vector<16xf32>,
            %add3A_324 = arith.constant 6656 : i32
            %add3A_325 = vector.broadcast %add3A_324 : i32 to vector<16xi32>
            %add3A_326 = arith.addi %broadcast_in_dim3A_319, %add3A_325 : vector<16xi32>
            %gather3A_327 = tpu.vector_load_idx %arg10[%add3A_326] : memref<6688xi32, #tpu.memory_space<vmem>>[vector<16xi32>], vector<16xi32>,
            %add3A_328 = arith.constant 6656 : i32
            %add3A_329 = vector.broadcast %add3A_328 : i32 to vector<16xi32>
            %add3A_330 = arith.addi %broadcast_in_dim3A_319, %add3A_329 : vector<16xi32>
            %add3A_331 = arith.constant 16 : i32
            %add3A_332 = vector.broadcast %add3A_331 : i32 to vector<16xi32>
            %add3A_333 = arith.addi %add3A_330, %add3A_332 : vector<16xi32>
            %gather3A_334 = tpu.vector_load_idx %arg10[%add3A_333] : memref<6688xi32, #tpu.memory_space<vmem>>[vector<16xi32>], vector<16xi32>,
            %parallel_loop3A = arith.constant 0 : i32
            %parallel_loop3A_335 = arith.constant 8 : i32
            %parallel_loop3A_336 = arith.constant 1 : i32
            scf.for %parallel_loop3A_338 = %parallel_loop3A to %parallel_loop3A_335 step %parallel_loop3A_336  : i32 {
              %parallel_loop3A_339 = arith.constant 16 : i32
              %parallel_loop3A_340 = arith.muli %parallel_loop3A_339, %parallel_loop3A_338 : i32
              %parallel_loop3A_341 = vector.broadcast %parallel_loop3A_340 : i32 to vector<16xi32>
              %parallel_loop3A_342 = arith.addi %iota3A, %parallel_loop3A_341 : vector<16xi32>
              %parallel_loop3A_343 = tpu.vector_load_idx %arg11[%gather3A_327, %parallel_loop3A_342] : memref<128x128xi32, #tpu.memory_space<vmem>>[vector<16xi32>, vector<16xi32>], vector<16xi32>,
              %parallel_loop3A_344 = vector.bitcast %parallel_loop3A_343 : vector<16xi32> to vector<32xbf16>
              %parallel_loop3A_345 = tpu.unpack_subelements %parallel_loop3A_344, 0 {pack_format = #tpu.pack_format<interleaved>} : vector<32xbf16> -> vector<16xf32>
              %parallel_loop3A_346 = tpu.unpack_subelements %parallel_loop3A_344, 1 {pack_format = #tpu.pack_format<interleaved>} : vector<32xbf16> -> vector<16xf32>
              %parallel_loop3A_347 = arith.constant 16 : i32
              %parallel_loop3A_348 = arith.muli %parallel_loop3A_347, %parallel_loop3A_338 : i32
              %parallel_loop3A_349 = vector.broadcast %parallel_loop3A_348 : i32 to vector<16xi32>
              %parallel_loop3A_350 = arith.addi %iota3A, %parallel_loop3A_349 : vector<16xi32>
              %parallel_loop3A_351 = arith.mulf %gather3A_323, %parallel_loop3A_345 : vector<16xf32>
              tpu.vector_store_idx %arg8[%gather3A_334, %parallel_loop3A_350], %parallel_loop3A_351 {add = true} : memref<321x256xf32, #tpu.memory_space<vmem>>[vector<16xi32>, vector<16xi32>], vector<16xf32>,
              %parallel_loop3A_352 = arith.constant 128 : i32
              %parallel_loop3A_353 = vector.broadcast %parallel_loop3A_352 : i32 to vector<16xi32>
              %parallel_loop3A_354 = arith.addi %parallel_loop3A_350, %parallel_loop3A_353 : vector<16xi32>
              %parallel_loop3A_355 = arith.mulf %gather3A_323, %parallel_loop3A_346 : vector<16xf32>
              tpu.vector_store_idx %arg8[%gather3A_334, %parallel_loop3A_354], %parallel_loop3A_355 {add = true} : memref<321x256xf32, #tpu.memory_space<vmem>>[vector<16xi32>, vector<16xi32>], vector<16xf32>,
            } {sc.loop_unroll_factor = 8 : i64, sc.parallel_access}
            %scan3A_337 = arith.constant 0 : i32
            scf.yield %scan3A_337 : i32
          }
          %scan3A_315 = arith.constant 16 : i32
          %while3A_316 = arith.constant 0 : i32
          scf.yield %while3A_316 : i32
        }
        %mul3A_189 = arith.constant 2 : i32
        %mul3A_190 = arith.muli %mul3A_189, %scan3A_122 : i32
        %add3A_191 = arith.constant 2 : i32
        %add3A_192 = arith.addi %mul3A_190, %add3A_191 : i32
        %lt3A_193 = arith.constant 80 : i32
        %lt3A_194 = arith.cmpi slt, %add3A_192, %lt3A_193 : i32
        %convert_element_type3A_195 = arith.extui %lt3A_194 : i1 to i32
        %cond3A_196 = arith.constant 0 : i32
        %cond3A_197 = arith.cmpi ne, %convert_element_type3A_195, %cond3A_196 : i32
        scf.if %cond3A_197 {
          %mul3A_277 = arith.constant 2 : i32
          %mul3A_278 = arith.muli %mul3A_277, %scan3A_122 : i32
          %add3A_279 = arith.constant 2 : i32
          %add3A_280 = arith.addi %mul3A_278, %add3A_279 : i32
          %mul3A_281 = arith.constant 128 : i32
          %mul3A_282 = arith.muli %add3A_280, %mul3A_281 : i32
          %dma_start3A_283 = arith.constant 0 : i32
          %dma_start3A_284 = tpu.memref_slice %arg2[%mul3A_282, %dma_start3A_283] : memref<10240x128xi32, #tpu.memory_space<hbm>> -> memref<128x128xi32, #tpu.memory_space<hbm>>
          %dma_start3A_285 = arith.constant 0 : i32
          %dma_start3A_286 = tpu.memref_slice %arg2[%mul3A_282, %dma_start3A_285] : memref<10240x128xi32, #tpu.memory_space<hbm>> -> memref<128x128xi32, #tpu.memory_space<hbm>>
          tpu.enqueue_dma source(%dma_start3A_286 : memref<128x128xi32, #tpu.memory_space<hbm>>) target(%arg11 : memref<128x128xi32, #tpu.memory_space<vmem>>) target_semaphore(%arg14 : memref<!tpu.dma_semaphore, #tpu.memory_space<semaphore_mem>>)
        } else {
        }
        %dma_wait3A_198 = arith.constant 0 : i32
        %dma_wait3A_199 = arith.constant 0 : i32
        %dma_wait3A_200 = tpu.memref_slice %arg2[%dma_wait3A_198, %dma_wait3A_199] : memref<10240x128xi32, #tpu.memory_space<hbm>> -> memref<128x128xi32, #tpu.memory_space<hbm>>
        %dma_wait3A_201 = arith.constant 0 : i32
        %dma_wait3A_202 = arith.constant 0 : i32
        %dma_wait3A_203 = tpu.memref_slice %arg2[%dma_wait3A_201, %dma_wait3A_202] : memref<10240x128xi32, #tpu.memory_space<hbm>> -> memref<128x128xi32, #tpu.memory_space<hbm>>
        tpu.wait_dma2 semaphore(%arg15 : memref<!tpu.dma_semaphore, #tpu.memory_space<semaphore_mem>>) src(%dma_wait3A_203 : memref<128x128xi32, #tpu.memory_space<hbm>>) dst(%arg12 : memref<128x128xi32, #tpu.memory_space<vmem>>)
        %mul3A_204 = arith.constant 2 : i32
        %mul3A_205 = arith.muli %mul3A_204, %scan3A_122 : i32
        %add3A_206 = arith.constant 1 : i32
        %add3A_207 = arith.addi %mul3A_205, %add3A_206 : i32
        %mul3A_208 = arith.constant 128 : i32
        %mul3A_209 = arith.muli %add3A_207, %mul3A_208 : i32
        "tpu.region"() ({
          %run_scoped3A = tpu.sem_alloc : memref<!tpu.dma_semaphore, #tpu.memory_space<semaphore_mem>>
          %dma_start3A_277 = arith.constant 672 : i32
          %dma_start3A_278 = tpu.memref_slice %arg13[%dma_start3A_277] : memref<816xf32, #tpu.memory_space<vmem>> -> memref<128xf32, #tpu.memory_space<vmem>>
          %dma_start3A_279 = tpu.memref_slice %arg3[%mul3A_209] : memref<10240xf32, #tpu.memory_space<hbm>> -> memref<128xf32, #tpu.memory_space<hbm>>
          %dma_start3A_280 = arith.constant 672 : i32
          %dma_start3A_281 = tpu.memref_slice %arg13[%dma_start3A_280] : memref<816xf32, #tpu.memory_space<vmem>> -> memref<128xf32, #tpu.memory_space<vmem>>
          %dma_start3A_282 = tpu.memref_slice %arg3[%mul3A_209] : memref<10240xf32, #tpu.memory_space<hbm>> -> memref<128xf32, #tpu.memory_space<hbm>>
          tpu.enqueue_dma source(%dma_start3A_282 : memref<128xf32, #tpu.memory_space<hbm>>) target(%dma_start3A_281 : memref<128xf32, #tpu.memory_space<vmem>>) target_semaphore(%run_scoped3A : memref<!tpu.dma_semaphore, #tpu.memory_space<semaphore_mem>>)
          %dma_wait3A_283 = arith.constant 672 : i32
          %dma_wait3A_284 = tpu.memref_slice %arg13[%dma_wait3A_283] : memref<816xf32, #tpu.memory_space<vmem>> -> memref<128xf32, #tpu.memory_space<vmem>>
          %dma_wait3A_285 = tpu.memref_slice %arg3[%mul3A_209] : memref<10240xf32, #tpu.memory_space<hbm>> -> memref<128xf32, #tpu.memory_space<hbm>>
          %dma_wait3A_286 = arith.constant 672 : i32
          %dma_wait3A_287 = tpu.memref_slice %arg13[%dma_wait3A_286] : memref<816xf32, #tpu.memory_space<vmem>> -> memref<128xf32, #tpu.memory_space<vmem>>
          %dma_wait3A_288 = tpu.memref_slice %arg3[%mul3A_209] : memref<10240xf32, #tpu.memory_space<hbm>> -> memref<128xf32, #tpu.memory_space<hbm>>
          tpu.wait_dma2 semaphore(%run_scoped3A : memref<!tpu.dma_semaphore, #tpu.memory_space<semaphore_mem>>) src(%dma_wait3A_288 : memref<128xf32, #tpu.memory_space<hbm>>) dst(%dma_wait3A_287 : memref<128xf32, #tpu.memory_space<vmem>>)
          tpu.yield
        }) : () -> ()
        %while3A_210 = arith.constant 0 : i32
        %while3A_211 = arith.constant 0 : i32
        %while3A_212 = arith.subi %select_n3A_102, %while3A_210 : i32
        %while3A_213 = arith.addi %while3A_210, %while3A_212 : i32
        %while3A_214 = arith.constant 1 : i32
        %while3A_215 = arith.divsi %while3A_212, %while3A_214 : i32
        %while3A_216 = arith.muli %while3A_215, %while3A_214 : i32
        %while3A_217 = arith.addi %while3A_210, %while3A_216 : i32
        %while3A_218 = arith.constant 1 : i32
        %while3A_219 = scf.for %while3A_277 = %while3A_210 to %while3A_217 step %while3A_218 iter_args(%while3A_278 = %while3A_211) -> (i32)  : i32 {
          %mul3A_279 = arith.constant 16 : i32
          %mul3A_280 = arith.muli %while3A_277, %mul3A_279 : i32
          %get3A = arith.index_cast %mul3A_280 : i32 to index
          %get3A_281 = tpu.vector_load %arg9[%get3A] {strides = array<i32>} : memref<6656xi32, #tpu.memory_space<vmem>>, vector<16xi32>,
          %shift_right_logical3A = arith.constant 9 : i32
          %shift_right_logical3A_282 = vector.broadcast %shift_right_logical3A : i32 to vector<16xi32>
          %shift_right_logical3A_283 = arith.shrui %get3A_281, %shift_right_logical3A_282 : vector<16xi32>
          %sub3A_284 = vector.broadcast %mul3A_209 : i32 to vector<16xi32>
          %sub3A_285 = arith.subi %shift_right_logical3A_283, %sub3A_284 : vector<16xi32>
          %ge3A = arith.constant 0 : i32
          %ge3A_286 = vector.broadcast %ge3A : i32 to vector<16xi32>
          %ge3A_287 = arith.cmpi sge, %sub3A_285, %ge3A_286 : vector<16xi32>
          %lt3A_288 = arith.constant 128 : i32
          %lt3A_289 = vector.broadcast %lt3A_288 : i32 to vector<16xi32>
          %lt3A_290 = arith.cmpi slt, %sub3A_285, %lt3A_289 : vector<16xi32>
          %and3A_291 = arith.andi %ge3A_287, %lt3A_290 : vector<16xi1>
          %swap3A_292 = arith.index_cast %while3A_278 : i32 to index
          %swap3A_293 = tpu.vector_load %arg10[%swap3A_292] masked %and3A_291 {strides = array<i32>} : memref<6688xi32, #tpu.memory_space<vmem>>, vector<16xi32>, vector<16xi1>
          tpu.vector_store %arg10[%swap3A_292], %get3A_281 masked %and3A_291 {strides = array<i32>} : memref<6688xi32, #tpu.memory_space<vmem>>, vector<16xi32>, vector<16xi1>
          %jit3A_294 = arith.constant 1 : i32
          %jit3A_295 = arith.constant 0 : i32
          %broadcast_in_dim3A_296 = vector.broadcast %jit3A_294 : i32 to vector<16xi32>
          %broadcast_in_dim3A_297 = vector.broadcast %jit3A_295 : i32 to vector<16xi32>
          %select_n3A_298 = arith.select %and3A_291, %broadcast_in_dim3A_296, %broadcast_in_dim3A_297 : vector<16xi1>, vector<16xi32>
          %reduce_sum3A = arith.constant true
          %reduce_sum3A_299 = vector.broadcast %reduce_sum3A : i1 to vector<16xi1>
          %reduce_sum3A_300 = tpu.scan <sum>, %select_n3A_298 masked %reduce_sum3A_299 : vector<16xi32>, vector<16xi1> -> vector<16xi32>
          %reduce_sum3A_301 = vector.extract %reduce_sum3A_300[15] : i32 from vector<16xi32>
          %add3A_302 = arith.addi %while3A_278, %reduce_sum3A_301 : i32
          scf.yield %add3A_302 : i32
        }
        %while3A_220 = arith.constant 1 : i32
        %while3A_221 = scf.for %while3A_277 = %while3A_217 to %while3A_213 step %while3A_220 iter_args(%while3A_278 = %while3A_219) -> (i32)  : i32 {
          %mul3A_279 = arith.constant 16 : i32
          %mul3A_280 = arith.muli %while3A_277, %mul3A_279 : i32
          %get3A = arith.index_cast %mul3A_280 : i32 to index
          %get3A_281 = tpu.vector_load %arg9[%get3A] {strides = array<i32>} : memref<6656xi32, #tpu.memory_space<vmem>>, vector<16xi32>,
          %shift_right_logical3A = arith.constant 9 : i32
          %shift_right_logical3A_282 = vector.broadcast %shift_right_logical3A : i32 to vector<16xi32>
          %shift_right_logical3A_283 = arith.shrui %get3A_281, %shift_right_logical3A_282 : vector<16xi32>
          %sub3A_284 = vector.broadcast %mul3A_209 : i32 to vector<16xi32>
          %sub3A_285 = arith.subi %shift_right_logical3A_283, %sub3A_284 : vector<16xi32>
          %ge3A = arith.constant 0 : i32
          %ge3A_286 = vector.broadcast %ge3A : i32 to vector<16xi32>
          %ge3A_287 = arith.cmpi sge, %sub3A_285, %ge3A_286 : vector<16xi32>
          %lt3A_288 = arith.constant 128 : i32
          %lt3A_289 = vector.broadcast %lt3A_288 : i32 to vector<16xi32>
          %lt3A_290 = arith.cmpi slt, %sub3A_285, %lt3A_289 : vector<16xi32>
          %and3A_291 = arith.andi %ge3A_287, %lt3A_290 : vector<16xi1>
          %swap3A_292 = arith.index_cast %while3A_278 : i32 to index
          %swap3A_293 = tpu.vector_load %arg10[%swap3A_292] masked %and3A_291 {strides = array<i32>} : memref<6688xi32, #tpu.memory_space<vmem>>, vector<16xi32>, vector<16xi1>
          tpu.vector_store %arg10[%swap3A_292], %get3A_281 masked %and3A_291 {strides = array<i32>} : memref<6688xi32, #tpu.memory_space<vmem>>, vector<16xi32>, vector<16xi1>
          %jit3A_294 = arith.constant 1 : i32
          %jit3A_295 = arith.constant 0 : i32
          %broadcast_in_dim3A_296 = vector.broadcast %jit3A_294 : i32 to vector<16xi32>
          %broadcast_in_dim3A_297 = vector.broadcast %jit3A_295 : i32 to vector<16xi32>
          %select_n3A_298 = arith.select %and3A_291, %broadcast_in_dim3A_296, %broadcast_in_dim3A_297 : vector<16xi1>, vector<16xi32>
          %reduce_sum3A = arith.constant true
          %reduce_sum3A_299 = vector.broadcast %reduce_sum3A : i1 to vector<16xi1>
          %reduce_sum3A_300 = tpu.scan <sum>, %select_n3A_298 masked %reduce_sum3A_299 : vector<16xi32>, vector<16xi1> -> vector<16xi32>
          %reduce_sum3A_301 = vector.extract %reduce_sum3A_300[15] : i32 from vector<16xi32>
          %add3A_302 = arith.addi %while3A_278, %reduce_sum3A_301 : i32
          scf.yield %add3A_302 : i32
        }
        %shift_left3A_222 = arith.constant 9 : i32
        %shift_left3A_223 = arith.shli %mul3A_209, %shift_left3A_222 : i32
        %or3A_224 = arith.constant 320 : i32
        %or3A_225 = arith.ori %shift_left3A_223, %or3A_224 : i32
        %broadcast_in_dim3A_226 = vector.broadcast %or3A_225 : i32 to vector<16xi32>
        %swap3A_227 = arith.index_cast %while3A_221 : i32 to index
        %swap3A_228 = tpu.vector_load %arg10[%swap3A_227] {strides = array<i32>} : memref<6688xi32, #tpu.memory_space<vmem>>, vector<16xi32>,
        tpu.vector_store %arg10[%swap3A_227], %broadcast_in_dim3A_226 {strides = array<i32>} : memref<6688xi32, #tpu.memory_space<vmem>>, vector<16xi32>,
        %add3A_229 = arith.constant 15 : i32
        %add3A_230 = arith.addi %while3A_221, %add3A_229 : i32
        %jit3A_231 = arith.constant 16 : i32
        %div3A_232 = arith.divsi %add3A_230, %jit3A_231 : i32
        %sign3A_233 = arith.constant 0 : i32
        %sign3A_234 = arith.cmpi sgt, %add3A_230, %sign3A_233 : i32
        %sign3A_235 = arith.extui %sign3A_234 : i1 to i32
        %sign3A_236 = arith.constant 0 : i32
        %sign3A_237 = arith.cmpi slt, %add3A_230, %sign3A_236 : i32
        %sign3A_238 = arith.extui %sign3A_237 : i1 to i32
        %sign3A_239 = arith.subi %sign3A_235, %sign3A_238 : i32
        %sign3A_240 = arith.constant 0 : i32
        %sign3A_241 = arith.cmpi sgt, %jit3A_231, %sign3A_240 : i32
        %sign3A_242 = arith.extui %sign3A_241 : i1 to i32
        %sign3A_243 = arith.constant 0 : i32
        %sign3A_244 = arith.cmpi slt, %jit3A_231, %sign3A_243 : i32
        %sign3A_245 = arith.extui %sign3A_244 : i1 to i32
        %sign3A_246 = arith.subi %sign3A_242, %sign3A_245 : i32
        %ne3A_247 = arith.cmpi ne, %sign3A_239, %sign3A_246 : i32
        %rem3A_248 = arith.remsi %add3A_230, %jit3A_231 : i32
        %ne3A_249 = arith.constant 0 : i32
        %ne3A_250 = arith.cmpi ne, %rem3A_248, %ne3A_249 : i32
        %and3A_251 = arith.andi %ne3A_247, %ne3A_250 : i1
        %sub3A_252 = arith.constant 1 : i32
        %sub3A_253 = arith.subi %div3A_232, %sub3A_252 : i32
        %select_n3A_254 = arith.select %and3A_251, %sub3A_253, %div3A_232 : i32
        %while3A_255 = arith.constant 0 : i32
        %while3A_256 = arith.constant 0 : i32
        %while3A_257 = arith.subi %select_n3A_254, %while3A_255 : i32
        %while3A_258 = arith.addi %while3A_255, %while3A_257 : i32
        %while3A_259 = arith.constant 1 : i32
        %while3A_260 = arith.divsi %while3A_257, %while3A_259 : i32
        %while3A_261 = arith.muli %while3A_260, %while3A_259 : i32
        %while3A_262 = arith.addi %while3A_255, %while3A_261 : i32
        %while3A_263 = arith.constant 1 : i32
        %while3A_264 = scf.for %while3A_277 = %while3A_255 to %while3A_262 step %while3A_263 iter_args(%while3A_278 = %while3A_256) -> (i32)  : i32 {
          %mul3A_279 = arith.constant 16 : i32
          %mul3A_280 = arith.muli %while3A_277, %mul3A_279 : i32
          %get3A = arith.index_cast %mul3A_280 : i32 to index
          %get3A_281 = tpu.vector_load %arg10[%get3A] {strides = array<i32>} : memref<6688xi32, #tpu.memory_space<vmem>>, vector<16xi32>,
          %shift_right_logical3A = arith.constant 9 : i32
          %shift_right_logical3A_282 = vector.broadcast %shift_right_logical3A : i32 to vector<16xi32>
          %shift_right_logical3A_283 = arith.shrui %get3A_281, %shift_right_logical3A_282 : vector<16xi32>
          %sub3A_284 = vector.broadcast %mul3A_209 : i32 to vector<16xi32>
          %sub3A_285 = arith.subi %shift_right_logical3A_283, %sub3A_284 : vector<16xi32>
          %and3A_286 = arith.constant 511 : i32
          %and3A_287 = vector.broadcast %and3A_286 : i32 to vector<16xi32>
          %and3A_288 = arith.andi %get3A_281, %and3A_287 : vector<16xi32>
          %add3A_289 = arith.constant 672 : i32
          %add3A_290 = vector.broadcast %add3A_289 : i32 to vector<16xi32>
          %add3A_291 = arith.addi %sub3A_285, %add3A_290 : vector<16xi32>
          %gather3A = tpu.vector_load_idx %arg13[%add3A_291] : memref<816xf32, #tpu.memory_space<vmem>>[vector<16xi32>], vector<16xf32>,
          %gather3A_292 = tpu.vector_load_idx %arg13[%and3A_288] : memref<816xf32, #tpu.memory_space<vmem>>[vector<16xi32>], vector<16xf32>,
          %add3A_293 = arith.addf %gather3A, %gather3A_292 : vector<16xf32>
          %ge3A = arith.constant 0.000000e+00 : f32
          %ge3A_294 = vector.broadcast %ge3A : f32 to vector<16xf32>
          %ge3A_295 = arith.cmpf oge, %add3A_293, %ge3A_294 : vector<16xf32>
          %mul3A_296 = arith.constant 2.000000e-01 : f32
          %mul3A_297 = vector.broadcast %mul3A_296 : f32 to vector<16xf32>
          %mul3A_298 = arith.mulf %mul3A_297, %add3A_293 : vector<16xf32>
          %select_n3A_299 = arith.select %ge3A_295, %add3A_293, %mul3A_298 : vector<16xi1>, vector<16xf32>
          %exp3A = math.exp %select_n3A_299 : vector<16xf32>
          %swap3A_300 = arith.constant 800 : index
          %swap3A_301 = tpu.vector_load %arg13[%swap3A_300] {strides = array<i32>} : memref<816xf32, #tpu.memory_space<vmem>>, vector<16xf32>,
          tpu.vector_store %arg13[%swap3A_300], %exp3A {strides = array<i32>} : memref<816xf32, #tpu.memory_space<vmem>>, vector<16xf32>,
          %add3A_302 = arith.constant 336 : i32
          %add3A_303 = vector.broadcast %add3A_302 : i32 to vector<16xi32>
          %add3A_304 = arith.addi %and3A_288, %add3A_303 : vector<16xi32>
          tpu.vector_store_idx %arg13[%add3A_304], %exp3A {add = true} : memref<816xf32, #tpu.memory_space<vmem>>[vector<16xi32>], vector<16xf32>,
          %swap3A_305 = arith.constant 6656 : index
          %swap3A_306 = tpu.vector_load %arg10[%swap3A_305] {strides = array<i32>} : memref<6688xi32, #tpu.memory_space<vmem>>, vector<16xi32>,
          tpu.vector_store %arg10[%swap3A_305], %sub3A_285 {strides = array<i32>} : memref<6688xi32, #tpu.memory_space<vmem>>, vector<16xi32>,
          %swap3A_307 = arith.constant 6672 : index
          %swap3A_308 = tpu.vector_load %arg10[%swap3A_307] {strides = array<i32>} : memref<6688xi32, #tpu.memory_space<vmem>>, vector<16xi32>,
          tpu.vector_store %arg10[%swap3A_307], %and3A_288 {strides = array<i32>} : memref<6688xi32, #tpu.memory_space<vmem>>, vector<16xi32>,
          %scan3A_309 = arith.constant 0 : i32
          %scan3A_310 = arith.constant 0 : i32
          %scan3A_311 = arith.constant 16 : i32
          %scan3A_312 = arith.addi %scan3A_310, %scan3A_311 : i32
          %scan3A_313 = arith.constant 1 : i32
          %scan3A_314 = scf.for %scan3A_317 = %scan3A_310 to %scan3A_312 step %scan3A_313 iter_args(%scan3A_318 = %scan3A_309) -> (i32)  : i32 {
            %broadcast_in_dim3A_319 = vector.broadcast %scan3A_317 : i32 to vector<16xi32>
            %add3A_320 = arith.constant 800 : i32
            %add3A_321 = vector.broadcast %add3A_320 : i32 to vector<16xi32>
            %add3A_322 = arith.addi %broadcast_in_dim3A_319, %add3A_321 : vector<16xi32>
            %gather3A_323 = tpu.vector_load_idx %arg13[%add3A_322] : memref<816xf32, #tpu.memory_space<vmem>>[vector<16xi32>], vector<16xf32>,
            %add3A_324 = arith.constant 6656 : i32
            %add3A_325 = vector.broadcast %add3A_324 : i32 to vector<16xi32>
            %add3A_326 = arith.addi %broadcast_in_dim3A_319, %add3A_325 : vector<16xi32>
            %gather3A_327 = tpu.vector_load_idx %arg10[%add3A_326] : memref<6688xi32, #tpu.memory_space<vmem>>[vector<16xi32>], vector<16xi32>,
            %add3A_328 = arith.constant 6656 : i32
            %add3A_329 = vector.broadcast %add3A_328 : i32 to vector<16xi32>
            %add3A_330 = arith.addi %broadcast_in_dim3A_319, %add3A_329 : vector<16xi32>
            %add3A_331 = arith.constant 16 : i32
            %add3A_332 = vector.broadcast %add3A_331 : i32 to vector<16xi32>
            %add3A_333 = arith.addi %add3A_330, %add3A_332 : vector<16xi32>
            %gather3A_334 = tpu.vector_load_idx %arg10[%add3A_333] : memref<6688xi32, #tpu.memory_space<vmem>>[vector<16xi32>], vector<16xi32>,
            %parallel_loop3A = arith.constant 0 : i32
            %parallel_loop3A_335 = arith.constant 8 : i32
            %parallel_loop3A_336 = arith.constant 1 : i32
            scf.for %parallel_loop3A_338 = %parallel_loop3A to %parallel_loop3A_335 step %parallel_loop3A_336  : i32 {
              %parallel_loop3A_339 = arith.constant 16 : i32
              %parallel_loop3A_340 = arith.muli %parallel_loop3A_339, %parallel_loop3A_338 : i32
              %parallel_loop3A_341 = vector.broadcast %parallel_loop3A_340 : i32 to vector<16xi32>
              %parallel_loop3A_342 = arith.addi %iota3A, %parallel_loop3A_341 : vector<16xi32>
              %parallel_loop3A_343 = tpu.vector_load_idx %arg12[%gather3A_327, %parallel_loop3A_342] : memref<128x128xi32, #tpu.memory_space<vmem>>[vector<16xi32>, vector<16xi32>], vector<16xi32>,
              %parallel_loop3A_344 = vector.bitcast %parallel_loop3A_343 : vector<16xi32> to vector<32xbf16>
              %parallel_loop3A_345 = tpu.unpack_subelements %parallel_loop3A_344, 0 {pack_format = #tpu.pack_format<interleaved>} : vector<32xbf16> -> vector<16xf32>
              %parallel_loop3A_346 = tpu.unpack_subelements %parallel_loop3A_344, 1 {pack_format = #tpu.pack_format<interleaved>} : vector<32xbf16> -> vector<16xf32>
              %parallel_loop3A_347 = arith.constant 16 : i32
              %parallel_loop3A_348 = arith.muli %parallel_loop3A_347, %parallel_loop3A_338 : i32
              %parallel_loop3A_349 = vector.broadcast %parallel_loop3A_348 : i32 to vector<16xi32>
              %parallel_loop3A_350 = arith.addi %iota3A, %parallel_loop3A_349 : vector<16xi32>
              %parallel_loop3A_351 = arith.mulf %gather3A_323, %parallel_loop3A_345 : vector<16xf32>
              tpu.vector_store_idx %arg8[%gather3A_334, %parallel_loop3A_350], %parallel_loop3A_351 {add = true} : memref<321x256xf32, #tpu.memory_space<vmem>>[vector<16xi32>, vector<16xi32>], vector<16xf32>,
              %parallel_loop3A_352 = arith.constant 128 : i32
              %parallel_loop3A_353 = vector.broadcast %parallel_loop3A_352 : i32 to vector<16xi32>
              %parallel_loop3A_354 = arith.addi %parallel_loop3A_350, %parallel_loop3A_353 : vector<16xi32>
              %parallel_loop3A_355 = arith.mulf %gather3A_323, %parallel_loop3A_346 : vector<16xf32>
              tpu.vector_store_idx %arg8[%gather3A_334, %parallel_loop3A_354], %parallel_loop3A_355 {add = true} : memref<321x256xf32, #tpu.memory_space<vmem>>[vector<16xi32>, vector<16xi32>], vector<16xf32>,
            } {sc.loop_unroll_factor = 8 : i64, sc.parallel_access}
            %scan3A_337 = arith.constant 0 : i32
            scf.yield %scan3A_337 : i32
          }
          %scan3A_315 = arith.constant 16 : i32
          %while3A_316 = arith.constant 0 : i32
          scf.yield %while3A_316 : i32
        }
        %while3A_265 = arith.constant 1 : i32
        %while3A_266 = scf.for %while3A_277 = %while3A_262 to %while3A_258 step %while3A_265 iter_args(%while3A_278 = %while3A_264) -> (i32)  : i32 {
          %mul3A_279 = arith.constant 16 : i32
          %mul3A_280 = arith.muli %while3A_277, %mul3A_279 : i32
          %get3A = arith.index_cast %mul3A_280 : i32 to index
          %get3A_281 = tpu.vector_load %arg10[%get3A] {strides = array<i32>} : memref<6688xi32, #tpu.memory_space<vmem>>, vector<16xi32>,
          %shift_right_logical3A = arith.constant 9 : i32
          %shift_right_logical3A_282 = vector.broadcast %shift_right_logical3A : i32 to vector<16xi32>
          %shift_right_logical3A_283 = arith.shrui %get3A_281, %shift_right_logical3A_282 : vector<16xi32>
          %sub3A_284 = vector.broadcast %mul3A_209 : i32 to vector<16xi32>
          %sub3A_285 = arith.subi %shift_right_logical3A_283, %sub3A_284 : vector<16xi32>
          %and3A_286 = arith.constant 511 : i32
          %and3A_287 = vector.broadcast %and3A_286 : i32 to vector<16xi32>
          %and3A_288 = arith.andi %get3A_281, %and3A_287 : vector<16xi32>
          %add3A_289 = arith.constant 672 : i32
          %add3A_290 = vector.broadcast %add3A_289 : i32 to vector<16xi32>
          %add3A_291 = arith.addi %sub3A_285, %add3A_290 : vector<16xi32>
          %gather3A = tpu.vector_load_idx %arg13[%add3A_291] : memref<816xf32, #tpu.memory_space<vmem>>[vector<16xi32>], vector<16xf32>,
          %gather3A_292 = tpu.vector_load_idx %arg13[%and3A_288] : memref<816xf32, #tpu.memory_space<vmem>>[vector<16xi32>], vector<16xf32>,
          %add3A_293 = arith.addf %gather3A, %gather3A_292 : vector<16xf32>
          %ge3A = arith.constant 0.000000e+00 : f32
          %ge3A_294 = vector.broadcast %ge3A : f32 to vector<16xf32>
          %ge3A_295 = arith.cmpf oge, %add3A_293, %ge3A_294 : vector<16xf32>
          %mul3A_296 = arith.constant 2.000000e-01 : f32
          %mul3A_297 = vector.broadcast %mul3A_296 : f32 to vector<16xf32>
          %mul3A_298 = arith.mulf %mul3A_297, %add3A_293 : vector<16xf32>
          %select_n3A_299 = arith.select %ge3A_295, %add3A_293, %mul3A_298 : vector<16xi1>, vector<16xf32>
          %exp3A = math.exp %select_n3A_299 : vector<16xf32>
          %swap3A_300 = arith.constant 800 : index
          %swap3A_301 = tpu.vector_load %arg13[%swap3A_300] {strides = array<i32>} : memref<816xf32, #tpu.memory_space<vmem>>, vector<16xf32>,
          tpu.vector_store %arg13[%swap3A_300], %exp3A {strides = array<i32>} : memref<816xf32, #tpu.memory_space<vmem>>, vector<16xf32>,
          %add3A_302 = arith.constant 336 : i32
          %add3A_303 = vector.broadcast %add3A_302 : i32 to vector<16xi32>
          %add3A_304 = arith.addi %and3A_288, %add3A_303 : vector<16xi32>
          tpu.vector_store_idx %arg13[%add3A_304], %exp3A {add = true} : memref<816xf32, #tpu.memory_space<vmem>>[vector<16xi32>], vector<16xf32>,
          %swap3A_305 = arith.constant 6656 : index
          %swap3A_306 = tpu.vector_load %arg10[%swap3A_305] {strides = array<i32>} : memref<6688xi32, #tpu.memory_space<vmem>>, vector<16xi32>,
          tpu.vector_store %arg10[%swap3A_305], %sub3A_285 {strides = array<i32>} : memref<6688xi32, #tpu.memory_space<vmem>>, vector<16xi32>,
          %swap3A_307 = arith.constant 6672 : index
          %swap3A_308 = tpu.vector_load %arg10[%swap3A_307] {strides = array<i32>} : memref<6688xi32, #tpu.memory_space<vmem>>, vector<16xi32>,
          tpu.vector_store %arg10[%swap3A_307], %and3A_288 {strides = array<i32>} : memref<6688xi32, #tpu.memory_space<vmem>>, vector<16xi32>,
          %scan3A_309 = arith.constant 0 : i32
          %scan3A_310 = arith.constant 0 : i32
          %scan3A_311 = arith.constant 16 : i32
          %scan3A_312 = arith.addi %scan3A_310, %scan3A_311 : i32
          %scan3A_313 = arith.constant 1 : i32
          %scan3A_314 = scf.for %scan3A_317 = %scan3A_310 to %scan3A_312 step %scan3A_313 iter_args(%scan3A_318 = %scan3A_309) -> (i32)  : i32 {
            %broadcast_in_dim3A_319 = vector.broadcast %scan3A_317 : i32 to vector<16xi32>
            %add3A_320 = arith.constant 800 : i32
            %add3A_321 = vector.broadcast %add3A_320 : i32 to vector<16xi32>
            %add3A_322 = arith.addi %broadcast_in_dim3A_319, %add3A_321 : vector<16xi32>
            %gather3A_323 = tpu.vector_load_idx %arg13[%add3A_322] : memref<816xf32, #tpu.memory_space<vmem>>[vector<16xi32>], vector<16xf32>,
            %add3A_324 = arith.constant 6656 : i32
            %add3A_325 = vector.broadcast %add3A_324 : i32 to vector<16xi32>
            %add3A_326 = arith.addi %broadcast_in_dim3A_319, %add3A_325 : vector<16xi32>
            %gather3A_327 = tpu.vector_load_idx %arg10[%add3A_326] : memref<6688xi32, #tpu.memory_space<vmem>>[vector<16xi32>], vector<16xi32>,
            %add3A_328 = arith.constant 6656 : i32
            %add3A_329 = vector.broadcast %add3A_328 : i32 to vector<16xi32>
            %add3A_330 = arith.addi %broadcast_in_dim3A_319, %add3A_329 : vector<16xi32>
            %add3A_331 = arith.constant 16 : i32
            %add3A_332 = vector.broadcast %add3A_331 : i32 to vector<16xi32>
            %add3A_333 = arith.addi %add3A_330, %add3A_332 : vector<16xi32>
            %gather3A_334 = tpu.vector_load_idx %arg10[%add3A_333] : memref<6688xi32, #tpu.memory_space<vmem>>[vector<16xi32>], vector<16xi32>,
            %parallel_loop3A = arith.constant 0 : i32
            %parallel_loop3A_335 = arith.constant 8 : i32
            %parallel_loop3A_336 = arith.constant 1 : i32
            scf.for %parallel_loop3A_338 = %parallel_loop3A to %parallel_loop3A_335 step %parallel_loop3A_336  : i32 {
              %parallel_loop3A_339 = arith.constant 16 : i32
              %parallel_loop3A_340 = arith.muli %parallel_loop3A_339, %parallel_loop3A_338 : i32
              %parallel_loop3A_341 = vector.broadcast %parallel_loop3A_340 : i32 to vector<16xi32>
              %parallel_loop3A_342 = arith.addi %iota3A, %parallel_loop3A_341 : vector<16xi32>
              %parallel_loop3A_343 = tpu.vector_load_idx %arg12[%gather3A_327, %parallel_loop3A_342] : memref<128x128xi32, #tpu.memory_space<vmem>>[vector<16xi32>, vector<16xi32>], vector<16xi32>,
              %parallel_loop3A_344 = vector.bitcast %parallel_loop3A_343 : vector<16xi32> to vector<32xbf16>
              %parallel_loop3A_345 = tpu.unpack_subelements %parallel_loop3A_344, 0 {pack_format = #tpu.pack_format<interleaved>} : vector<32xbf16> -> vector<16xf32>
              %parallel_loop3A_346 = tpu.unpack_subelements %parallel_loop3A_344, 1 {pack_format = #tpu.pack_format<interleaved>} : vector<32xbf16> -> vector<16xf32>
              %parallel_loop3A_347 = arith.constant 16 : i32
              %parallel_loop3A_348 = arith.muli %parallel_loop3A_347, %parallel_loop3A_338 : i32
              %parallel_loop3A_349 = vector.broadcast %parallel_loop3A_348 : i32 to vector<16xi32>
              %parallel_loop3A_350 = arith.addi %iota3A, %parallel_loop3A_349 : vector<16xi32>
              %parallel_loop3A_351 = arith.mulf %gather3A_323, %parallel_loop3A_345 : vector<16xf32>
              tpu.vector_store_idx %arg8[%gather3A_334, %parallel_loop3A_350], %parallel_loop3A_351 {add = true} : memref<321x256xf32, #tpu.memory_space<vmem>>[vector<16xi32>, vector<16xi32>], vector<16xf32>,
              %parallel_loop3A_352 = arith.constant 128 : i32
              %parallel_loop3A_353 = vector.broadcast %parallel_loop3A_352 : i32 to vector<16xi32>
              %parallel_loop3A_354 = arith.addi %parallel_loop3A_350, %parallel_loop3A_353 : vector<16xi32>
              %parallel_loop3A_355 = arith.mulf %gather3A_323, %parallel_loop3A_346 : vector<16xf32>
              tpu.vector_store_idx %arg8[%gather3A_334, %parallel_loop3A_354], %parallel_loop3A_355 {add = true} : memref<321x256xf32, #tpu.memory_space<vmem>>[vector<16xi32>, vector<16xi32>], vector<16xf32>,
            } {sc.loop_unroll_factor = 8 : i64, sc.parallel_access}
            %scan3A_337 = arith.constant 0 : i32
            scf.yield %scan3A_337 : i32
          }
          %scan3A_315 = arith.constant 16 : i32
          %while3A_316 = arith.constant 0 : i32
          scf.yield %while3A_316 : i32
        }
        %mul3A_267 = arith.constant 2 : i32
        %mul3A_268 = arith.muli %mul3A_267, %scan3A_122 : i32
        %add3A_269 = arith.constant 3 : i32
        %add3A_270 = arith.addi %mul3A_268, %add3A_269 : i32
        %lt3A_271 = arith.constant 80 : i32
        %lt3A_272 = arith.cmpi slt, %add3A_270, %lt3A_271 : i32
        %convert_element_type3A_273 = arith.extui %lt3A_272 : i1 to i32
        %cond3A_274 = arith.constant 0 : i32
        %cond3A_275 = arith.cmpi ne, %convert_element_type3A_273, %cond3A_274 : i32
        scf.if %cond3A_275 {
          %mul3A_277 = arith.constant 2 : i32
          %mul3A_278 = arith.muli %mul3A_277, %scan3A_122 : i32
          %add3A_279 = arith.constant 3 : i32
          %add3A_280 = arith.addi %mul3A_278, %add3A_279 : i32
          %mul3A_281 = arith.constant 128 : i32
          %mul3A_282 = arith.muli %add3A_280, %mul3A_281 : i32
          %dma_start3A_283 = arith.constant 0 : i32
          %dma_start3A_284 = tpu.memref_slice %arg2[%mul3A_282, %dma_start3A_283] : memref<10240x128xi32, #tpu.memory_space<hbm>> -> memref<128x128xi32, #tpu.memory_space<hbm>>
          %dma_start3A_285 = arith.constant 0 : i32
          %dma_start3A_286 = tpu.memref_slice %arg2[%mul3A_282, %dma_start3A_285] : memref<10240x128xi32, #tpu.memory_space<hbm>> -> memref<128x128xi32, #tpu.memory_space<hbm>>
          tpu.enqueue_dma source(%dma_start3A_286 : memref<128x128xi32, #tpu.memory_space<hbm>>) target(%arg12 : memref<128x128xi32, #tpu.memory_space<vmem>>) target_semaphore(%arg15 : memref<!tpu.dma_semaphore, #tpu.memory_space<semaphore_mem>>)
        } else {
        }
        %scan3A_276 = arith.constant 0 : i32
        scf.yield %scan3A_276 : i32
      }
      %scan3A_121 = arith.constant 40 : i32
      scf.yield %while3A_70#0 : i32
    }
    %scan3A_19 = arith.constant 0 : i32
    %scan3A_20 = arith.constant 0 : i32
    %scan3A_21 = arith.constant 20 : i32
    %scan3A_22 = arith.addi %scan3A_20, %scan3A_21 : i32
    %scan3A_23 = arith.constant 1 : i32
    %scan3A_24 = scf.for %scan3A_44 = %scan3A_20 to %scan3A_22 step %scan3A_23 iter_args(%scan3A_45 = %scan3A_19) -> (i32)  : i32 {
      %mul3A_46 = arith.constant 16 : i32
      %mul3A_47 = arith.muli %mul3A_46, %scan3A_44 : i32
      %add3A_48 = arith.constant 336 : i32
      %add3A_49 = arith.addi %add3A_48, %mul3A_47 : i32
      %get3A = arith.index_cast %add3A_49 : i32 to index
      %get3A_50 = tpu.vector_load %arg13[%get3A] {strides = array<i32>} : memref<816xf32, #tpu.memory_space<vmem>>, vector<16xf32>,
      %div3A = arith.constant 1.000000e+00 : f32
      %div3A_51 = vector.broadcast %div3A : f32 to vector<16xf32>
      %div3A_52 = arith.divf %div3A_51, %get3A_50 : vector<16xf32>
      %mul3A_53 = arith.constant 16 : i32
      %mul3A_54 = arith.muli %mul3A_53, %scan3A_44 : i32
      %add3A_55 = arith.constant 336 : i32
      %add3A_56 = arith.addi %add3A_55, %mul3A_54 : i32
      %swap3A_57 = arith.index_cast %add3A_56 : i32 to index
      %swap3A_58 = tpu.vector_load %arg13[%swap3A_57] {strides = array<i32>} : memref<816xf32, #tpu.memory_space<vmem>>, vector<16xf32>,
      tpu.vector_store %arg13[%swap3A_57], %div3A_52 {strides = array<i32>} : memref<816xf32, #tpu.memory_space<vmem>>, vector<16xf32>,
      %scan3A_59 = arith.constant 0 : i32
      scf.yield %scan3A_59 : i32
    }
    %scan3A_25 = arith.constant 20 : i32
    %scan3A_26 = arith.constant 0 : i32
    %scan3A_27 = arith.constant 0 : i32
    %scan3A_28 = arith.constant 320 : i32
    %scan3A_29 = arith.addi %scan3A_27, %scan3A_28 : i32
    %scan3A_30 = arith.constant 1 : i32
    %scan3A_31 = scf.for %scan3A_44 = %scan3A_27 to %scan3A_29 step %scan3A_30 iter_args(%scan3A_45 = %scan3A_26) -> (i32)  : i32 {
      %add3A_46 = arith.constant 336 : i32
      %add3A_47 = arith.addi %add3A_46, %scan3A_44 : i32
      %broadcast_in_dim3A_48 = vector.broadcast %add3A_47 : i32 to vector<16xi32>
      %gather3A = tpu.vector_load_idx %arg13[%broadcast_in_dim3A_48] : memref<816xf32, #tpu.memory_space<vmem>>[vector<16xi32>], vector<16xf32>,
      %get3A = arith.index_cast %scan3A_44 : i32 to index
      %get3A_49 = arith.constant 0 : index
      %get3A_50 = tpu.vector_load %arg8[%get3A, %get3A_49] {strides = array<i32>} : memref<321x256xf32, #tpu.memory_space<vmem>>, vector<16xf32>,
      %mul3A_51 = arith.mulf %get3A_50, %gather3A : vector<16xf32>
      %gt3A_52 = arith.constant 0.000000e+00 : f32
      %gt3A_53 = vector.broadcast %gt3A_52 : f32 to vector<16xf32>
      %gt3A_54 = arith.cmpf ogt, %mul3A_51, %gt3A_53 : vector<16xf32>
      %exp3A = math.exp %mul3A_51 : vector<16xf32>
      %sub3A = arith.constant 1.000000e+00 : f32
      %sub3A_55 = vector.broadcast %sub3A : f32 to vector<16xf32>
      %sub3A_56 = arith.subf %exp3A, %sub3A_55 : vector<16xf32>
      %select_n3A = arith.select %gt3A_54, %mul3A_51, %sub3A_56 : vector<16xi1>, vector<16xf32>
      %swap3A_57 = arith.index_cast %scan3A_44 : i32 to index
      %swap3A_58 = arith.constant 0 : index
      %swap3A_59 = tpu.vector_load %arg8[%swap3A_57, %swap3A_58] {strides = array<i32>} : memref<321x256xf32, #tpu.memory_space<vmem>>, vector<16xf32>,
      tpu.vector_store %arg8[%swap3A_57, %swap3A_58], %select_n3A {strides = array<i32>} : memref<321x256xf32, #tpu.memory_space<vmem>>, vector<16xf32>,
      %get3A_60 = arith.index_cast %scan3A_44 : i32 to index
      %get3A_61 = arith.constant 16 : index
      %get3A_62 = tpu.vector_load %arg8[%get3A_60, %get3A_61] {strides = array<i32>} : memref<321x256xf32, #tpu.memory_space<vmem>>, vector<16xf32>,
      %mul3A_63 = arith.mulf %get3A_62, %gather3A : vector<16xf32>
      %gt3A_64 = arith.constant 0.000000e+00 : f32
      %gt3A_65 = vector.broadcast %gt3A_64 : f32 to vector<16xf32>
      %gt3A_66 = arith.cmpf ogt, %mul3A_63, %gt3A_65 : vector<16xf32>
      %exp3A_67 = math.exp %mul3A_63 : vector<16xf32>
      %sub3A_68 = arith.constant 1.000000e+00 : f32
      %sub3A_69 = vector.broadcast %sub3A_68 : f32 to vector<16xf32>
      %sub3A_70 = arith.subf %exp3A_67, %sub3A_69 : vector<16xf32>
      %select_n3A_71 = arith.select %gt3A_66, %mul3A_63, %sub3A_70 : vector<16xi1>, vector<16xf32>
      %swap3A_72 = arith.index_cast %scan3A_44 : i32 to index
      %swap3A_73 = arith.constant 16 : index
      %swap3A_74 = tpu.vector_load %arg8[%swap3A_72, %swap3A_73] {strides = array<i32>} : memref<321x256xf32, #tpu.memory_space<vmem>>, vector<16xf32>,
      tpu.vector_store %arg8[%swap3A_72, %swap3A_73], %select_n3A_71 {strides = array<i32>} : memref<321x256xf32, #tpu.memory_space<vmem>>, vector<16xf32>,
      %get3A_75 = arith.index_cast %scan3A_44 : i32 to index
      %get3A_76 = arith.constant 32 : index
      %get3A_77 = tpu.vector_load %arg8[%get3A_75, %get3A_76] {strides = array<i32>} : memref<321x256xf32, #tpu.memory_space<vmem>>, vector<16xf32>,
      %mul3A_78 = arith.mulf %get3A_77, %gather3A : vector<16xf32>
      %gt3A_79 = arith.constant 0.000000e+00 : f32
      %gt3A_80 = vector.broadcast %gt3A_79 : f32 to vector<16xf32>
      %gt3A_81 = arith.cmpf ogt, %mul3A_78, %gt3A_80 : vector<16xf32>
      %exp3A_82 = math.exp %mul3A_78 : vector<16xf32>
      %sub3A_83 = arith.constant 1.000000e+00 : f32
      %sub3A_84 = vector.broadcast %sub3A_83 : f32 to vector<16xf32>
      %sub3A_85 = arith.subf %exp3A_82, %sub3A_84 : vector<16xf32>
      %select_n3A_86 = arith.select %gt3A_81, %mul3A_78, %sub3A_85 : vector<16xi1>, vector<16xf32>
      %swap3A_87 = arith.index_cast %scan3A_44 : i32 to index
      %swap3A_88 = arith.constant 32 : index
      %swap3A_89 = tpu.vector_load %arg8[%swap3A_87, %swap3A_88] {strides = array<i32>} : memref<321x256xf32, #tpu.memory_space<vmem>>, vector<16xf32>,
      tpu.vector_store %arg8[%swap3A_87, %swap3A_88], %select_n3A_86 {strides = array<i32>} : memref<321x256xf32, #tpu.memory_space<vmem>>, vector<16xf32>,
      %get3A_90 = arith.index_cast %scan3A_44 : i32 to index
      %get3A_91 = arith.constant 48 : index
      %get3A_92 = tpu.vector_load %arg8[%get3A_90, %get3A_91] {strides = array<i32>} : memref<321x256xf32, #tpu.memory_space<vmem>>, vector<16xf32>,
      %mul3A_93 = arith.mulf %get3A_92, %gather3A : vector<16xf32>
      %gt3A_94 = arith.constant 0.000000e+00 : f32
      %gt3A_95 = vector.broadcast %gt3A_94 : f32 to vector<16xf32>
      %gt3A_96 = arith.cmpf ogt, %mul3A_93, %gt3A_95 : vector<16xf32>
      %exp3A_97 = math.exp %mul3A_93 : vector<16xf32>
      %sub3A_98 = arith.constant 1.000000e+00 : f32
      %sub3A_99 = vector.broadcast %sub3A_98 : f32 to vector<16xf32>
      %sub3A_100 = arith.subf %exp3A_97, %sub3A_99 : vector<16xf32>
      %select_n3A_101 = arith.select %gt3A_96, %mul3A_93, %sub3A_100 : vector<16xi1>, vector<16xf32>
      %swap3A_102 = arith.index_cast %scan3A_44 : i32 to index
      %swap3A_103 = arith.constant 48 : index
      %swap3A_104 = tpu.vector_load %arg8[%swap3A_102, %swap3A_103] {strides = array<i32>} : memref<321x256xf32, #tpu.memory_space<vmem>>, vector<16xf32>,
      tpu.vector_store %arg8[%swap3A_102, %swap3A_103], %select_n3A_101 {strides = array<i32>} : memref<321x256xf32, #tpu.memory_space<vmem>>, vector<16xf32>,
      %get3A_105 = arith.index_cast %scan3A_44 : i32 to index
      %get3A_106 = arith.constant 64 : index
      %get3A_107 = tpu.vector_load %arg8[%get3A_105, %get3A_106] {strides = array<i32>} : memref<321x256xf32, #tpu.memory_space<vmem>>, vector<16xf32>,
      %mul3A_108 = arith.mulf %get3A_107, %gather3A : vector<16xf32>
      %gt3A_109 = arith.constant 0.000000e+00 : f32
      %gt3A_110 = vector.broadcast %gt3A_109 : f32 to vector<16xf32>
      %gt3A_111 = arith.cmpf ogt, %mul3A_108, %gt3A_110 : vector<16xf32>
      %exp3A_112 = math.exp %mul3A_108 : vector<16xf32>
      %sub3A_113 = arith.constant 1.000000e+00 : f32
      %sub3A_114 = vector.broadcast %sub3A_113 : f32 to vector<16xf32>
      %sub3A_115 = arith.subf %exp3A_112, %sub3A_114 : vector<16xf32>
      %select_n3A_116 = arith.select %gt3A_111, %mul3A_108, %sub3A_115 : vector<16xi1>, vector<16xf32>
      %swap3A_117 = arith.index_cast %scan3A_44 : i32 to index
      %swap3A_118 = arith.constant 64 : index
      %swap3A_119 = tpu.vector_load %arg8[%swap3A_117, %swap3A_118] {strides = array<i32>} : memref<321x256xf32, #tpu.memory_space<vmem>>, vector<16xf32>,
      tpu.vector_store %arg8[%swap3A_117, %swap3A_118], %select_n3A_116 {strides = array<i32>} : memref<321x256xf32, #tpu.memory_space<vmem>>, vector<16xf32>,
      %get3A_120 = arith.index_cast %scan3A_44 : i32 to index
      %get3A_121 = arith.constant 80 : index
      %get3A_122 = tpu.vector_load %arg8[%get3A_120, %get3A_121] {strides = array<i32>} : memref<321x256xf32, #tpu.memory_space<vmem>>, vector<16xf32>,
      %mul3A_123 = arith.mulf %get3A_122, %gather3A : vector<16xf32>
      %gt3A_124 = arith.constant 0.000000e+00 : f32
      %gt3A_125 = vector.broadcast %gt3A_124 : f32 to vector<16xf32>
      %gt3A_126 = arith.cmpf ogt, %mul3A_123, %gt3A_125 : vector<16xf32>
      %exp3A_127 = math.exp %mul3A_123 : vector<16xf32>
      %sub3A_128 = arith.constant 1.000000e+00 : f32
      %sub3A_129 = vector.broadcast %sub3A_128 : f32 to vector<16xf32>
      %sub3A_130 = arith.subf %exp3A_127, %sub3A_129 : vector<16xf32>
      %select_n3A_131 = arith.select %gt3A_126, %mul3A_123, %sub3A_130 : vector<16xi1>, vector<16xf32>
      %swap3A_132 = arith.index_cast %scan3A_44 : i32 to index
      %swap3A_133 = arith.constant 80 : index
      %swap3A_134 = tpu.vector_load %arg8[%swap3A_132, %swap3A_133] {strides = array<i32>} : memref<321x256xf32, #tpu.memory_space<vmem>>, vector<16xf32>,
      tpu.vector_store %arg8[%swap3A_132, %swap3A_133], %select_n3A_131 {strides = array<i32>} : memref<321x256xf32, #tpu.memory_space<vmem>>, vector<16xf32>,
      %get3A_135 = arith.index_cast %scan3A_44 : i32 to index
      %get3A_136 = arith.constant 96 : index
      %get3A_137 = tpu.vector_load %arg8[%get3A_135, %get3A_136] {strides = array<i32>} : memref<321x256xf32, #tpu.memory_space<vmem>>, vector<16xf32>,
      %mul3A_138 = arith.mulf %get3A_137, %gather3A : vector<16xf32>
      %gt3A_139 = arith.constant 0.000000e+00 : f32
      %gt3A_140 = vector.broadcast %gt3A_139 : f32 to vector<16xf32>
      %gt3A_141 = arith.cmpf ogt, %mul3A_138, %gt3A_140 : vector<16xf32>
      %exp3A_142 = math.exp %mul3A_138 : vector<16xf32>
      %sub3A_143 = arith.constant 1.000000e+00 : f32
      %sub3A_144 = vector.broadcast %sub3A_143 : f32 to vector<16xf32>
      %sub3A_145 = arith.subf %exp3A_142, %sub3A_144 : vector<16xf32>
      %select_n3A_146 = arith.select %gt3A_141, %mul3A_138, %sub3A_145 : vector<16xi1>, vector<16xf32>
      %swap3A_147 = arith.index_cast %scan3A_44 : i32 to index
      %swap3A_148 = arith.constant 96 : index
      %swap3A_149 = tpu.vector_load %arg8[%swap3A_147, %swap3A_148] {strides = array<i32>} : memref<321x256xf32, #tpu.memory_space<vmem>>, vector<16xf32>,
      tpu.vector_store %arg8[%swap3A_147, %swap3A_148], %select_n3A_146 {strides = array<i32>} : memref<321x256xf32, #tpu.memory_space<vmem>>, vector<16xf32>,
      %get3A_150 = arith.index_cast %scan3A_44 : i32 to index
      %get3A_151 = arith.constant 112 : index
      %get3A_152 = tpu.vector_load %arg8[%get3A_150, %get3A_151] {strides = array<i32>} : memref<321x256xf32, #tpu.memory_space<vmem>>, vector<16xf32>,
      %mul3A_153 = arith.mulf %get3A_152, %gather3A : vector<16xf32>
      %gt3A_154 = arith.constant 0.000000e+00 : f32
      %gt3A_155 = vector.broadcast %gt3A_154 : f32 to vector<16xf32>
      %gt3A_156 = arith.cmpf ogt, %mul3A_153, %gt3A_155 : vector<16xf32>
      %exp3A_157 = math.exp %mul3A_153 : vector<16xf32>
      %sub3A_158 = arith.constant 1.000000e+00 : f32
      %sub3A_159 = vector.broadcast %sub3A_158 : f32 to vector<16xf32>
      %sub3A_160 = arith.subf %exp3A_157, %sub3A_159 : vector<16xf32>
      %select_n3A_161 = arith.select %gt3A_156, %mul3A_153, %sub3A_160 : vector<16xi1>, vector<16xf32>
      %swap3A_162 = arith.index_cast %scan3A_44 : i32 to index
      %swap3A_163 = arith.constant 112 : index
      %swap3A_164 = tpu.vector_load %arg8[%swap3A_162, %swap3A_163] {strides = array<i32>} : memref<321x256xf32, #tpu.memory_space<vmem>>, vector<16xf32>,
      tpu.vector_store %arg8[%swap3A_162, %swap3A_163], %select_n3A_161 {strides = array<i32>} : memref<321x256xf32, #tpu.memory_space<vmem>>, vector<16xf32>,
      %get3A_165 = arith.index_cast %scan3A_44 : i32 to index
      %get3A_166 = arith.constant 128 : index
      %get3A_167 = tpu.vector_load %arg8[%get3A_165, %get3A_166] {strides = array<i32>} : memref<321x256xf32, #tpu.memory_space<vmem>>, vector<16xf32>,
      %mul3A_168 = arith.mulf %get3A_167, %gather3A : vector<16xf32>
      %gt3A_169 = arith.constant 0.000000e+00 : f32
      %gt3A_170 = vector.broadcast %gt3A_169 : f32 to vector<16xf32>
      %gt3A_171 = arith.cmpf ogt, %mul3A_168, %gt3A_170 : vector<16xf32>
      %exp3A_172 = math.exp %mul3A_168 : vector<16xf32>
      %sub3A_173 = arith.constant 1.000000e+00 : f32
      %sub3A_174 = vector.broadcast %sub3A_173 : f32 to vector<16xf32>
      %sub3A_175 = arith.subf %exp3A_172, %sub3A_174 : vector<16xf32>
      %select_n3A_176 = arith.select %gt3A_171, %mul3A_168, %sub3A_175 : vector<16xi1>, vector<16xf32>
      %swap3A_177 = arith.index_cast %scan3A_44 : i32 to index
      %swap3A_178 = arith.constant 128 : index
      %swap3A_179 = tpu.vector_load %arg8[%swap3A_177, %swap3A_178] {strides = array<i32>} : memref<321x256xf32, #tpu.memory_space<vmem>>, vector<16xf32>,
      tpu.vector_store %arg8[%swap3A_177, %swap3A_178], %select_n3A_176 {strides = array<i32>} : memref<321x256xf32, #tpu.memory_space<vmem>>, vector<16xf32>,
      %get3A_180 = arith.index_cast %scan3A_44 : i32 to index
      %get3A_181 = arith.constant 144 : index
      %get3A_182 = tpu.vector_load %arg8[%get3A_180, %get3A_181] {strides = array<i32>} : memref<321x256xf32, #tpu.memory_space<vmem>>, vector<16xf32>,
      %mul3A_183 = arith.mulf %get3A_182, %gather3A : vector<16xf32>
      %gt3A_184 = arith.constant 0.000000e+00 : f32
      %gt3A_185 = vector.broadcast %gt3A_184 : f32 to vector<16xf32>
      %gt3A_186 = arith.cmpf ogt, %mul3A_183, %gt3A_185 : vector<16xf32>
      %exp3A_187 = math.exp %mul3A_183 : vector<16xf32>
      %sub3A_188 = arith.constant 1.000000e+00 : f32
      %sub3A_189 = vector.broadcast %sub3A_188 : f32 to vector<16xf32>
      %sub3A_190 = arith.subf %exp3A_187, %sub3A_189 : vector<16xf32>
      %select_n3A_191 = arith.select %gt3A_186, %mul3A_183, %sub3A_190 : vector<16xi1>, vector<16xf32>
      %swap3A_192 = arith.index_cast %scan3A_44 : i32 to index
      %swap3A_193 = arith.constant 144 : index
      %swap3A_194 = tpu.vector_load %arg8[%swap3A_192, %swap3A_193] {strides = array<i32>} : memref<321x256xf32, #tpu.memory_space<vmem>>, vector<16xf32>,
      tpu.vector_store %arg8[%swap3A_192, %swap3A_193], %select_n3A_191 {strides = array<i32>} : memref<321x256xf32, #tpu.memory_space<vmem>>, vector<16xf32>,
      %get3A_195 = arith.index_cast %scan3A_44 : i32 to index
      %get3A_196 = arith.constant 160 : index
      %get3A_197 = tpu.vector_load %arg8[%get3A_195, %get3A_196] {strides = array<i32>} : memref<321x256xf32, #tpu.memory_space<vmem>>, vector<16xf32>,
      %mul3A_198 = arith.mulf %get3A_197, %gather3A : vector<16xf32>
      %gt3A_199 = arith.constant 0.000000e+00 : f32
      %gt3A_200 = vector.broadcast %gt3A_199 : f32 to vector<16xf32>
      %gt3A_201 = arith.cmpf ogt, %mul3A_198, %gt3A_200 : vector<16xf32>
      %exp3A_202 = math.exp %mul3A_198 : vector<16xf32>
      %sub3A_203 = arith.constant 1.000000e+00 : f32
      %sub3A_204 = vector.broadcast %sub3A_203 : f32 to vector<16xf32>
      %sub3A_205 = arith.subf %exp3A_202, %sub3A_204 : vector<16xf32>
      %select_n3A_206 = arith.select %gt3A_201, %mul3A_198, %sub3A_205 : vector<16xi1>, vector<16xf32>
      %swap3A_207 = arith.index_cast %scan3A_44 : i32 to index
      %swap3A_208 = arith.constant 160 : index
      %swap3A_209 = tpu.vector_load %arg8[%swap3A_207, %swap3A_208] {strides = array<i32>} : memref<321x256xf32, #tpu.memory_space<vmem>>, vector<16xf32>,
      tpu.vector_store %arg8[%swap3A_207, %swap3A_208], %select_n3A_206 {strides = array<i32>} : memref<321x256xf32, #tpu.memory_space<vmem>>, vector<16xf32>,
      %get3A_210 = arith.index_cast %scan3A_44 : i32 to index
      %get3A_211 = arith.constant 176 : index
      %get3A_212 = tpu.vector_load %arg8[%get3A_210, %get3A_211] {strides = array<i32>} : memref<321x256xf32, #tpu.memory_space<vmem>>, vector<16xf32>,
      %mul3A_213 = arith.mulf %get3A_212, %gather3A : vector<16xf32>
      %gt3A_214 = arith.constant 0.000000e+00 : f32
      %gt3A_215 = vector.broadcast %gt3A_214 : f32 to vector<16xf32>
      %gt3A_216 = arith.cmpf ogt, %mul3A_213, %gt3A_215 : vector<16xf32>
      %exp3A_217 = math.exp %mul3A_213 : vector<16xf32>
      %sub3A_218 = arith.constant 1.000000e+00 : f32
      %sub3A_219 = vector.broadcast %sub3A_218 : f32 to vector<16xf32>
      %sub3A_220 = arith.subf %exp3A_217, %sub3A_219 : vector<16xf32>
      %select_n3A_221 = arith.select %gt3A_216, %mul3A_213, %sub3A_220 : vector<16xi1>, vector<16xf32>
      %swap3A_222 = arith.index_cast %scan3A_44 : i32 to index
      %swap3A_223 = arith.constant 176 : index
      %swap3A_224 = tpu.vector_load %arg8[%swap3A_222, %swap3A_223] {strides = array<i32>} : memref<321x256xf32, #tpu.memory_space<vmem>>, vector<16xf32>,
      tpu.vector_store %arg8[%swap3A_222, %swap3A_223], %select_n3A_221 {strides = array<i32>} : memref<321x256xf32, #tpu.memory_space<vmem>>, vector<16xf32>,
      %get3A_225 = arith.index_cast %scan3A_44 : i32 to index
      %get3A_226 = arith.constant 192 : index
      %get3A_227 = tpu.vector_load %arg8[%get3A_225, %get3A_226] {strides = array<i32>} : memref<321x256xf32, #tpu.memory_space<vmem>>, vector<16xf32>,
      %mul3A_228 = arith.mulf %get3A_227, %gather3A : vector<16xf32>
      %gt3A_229 = arith.constant 0.000000e+00 : f32
      %gt3A_230 = vector.broadcast %gt3A_229 : f32 to vector<16xf32>
      %gt3A_231 = arith.cmpf ogt, %mul3A_228, %gt3A_230 : vector<16xf32>
      %exp3A_232 = math.exp %mul3A_228 : vector<16xf32>
      %sub3A_233 = arith.constant 1.000000e+00 : f32
      %sub3A_234 = vector.broadcast %sub3A_233 : f32 to vector<16xf32>
      %sub3A_235 = arith.subf %exp3A_232, %sub3A_234 : vector<16xf32>
      %select_n3A_236 = arith.select %gt3A_231, %mul3A_228, %sub3A_235 : vector<16xi1>, vector<16xf32>
      %swap3A_237 = arith.index_cast %scan3A_44 : i32 to index
      %swap3A_238 = arith.constant 192 : index
      %swap3A_239 = tpu.vector_load %arg8[%swap3A_237, %swap3A_238] {strides = array<i32>} : memref<321x256xf32, #tpu.memory_space<vmem>>, vector<16xf32>,
      tpu.vector_store %arg8[%swap3A_237, %swap3A_238], %select_n3A_236 {strides = array<i32>} : memref<321x256xf32, #tpu.memory_space<vmem>>, vector<16xf32>,
      %get3A_240 = arith.index_cast %scan3A_44 : i32 to index
      %get3A_241 = arith.constant 208 : index
      %get3A_242 = tpu.vector_load %arg8[%get3A_240, %get3A_241] {strides = array<i32>} : memref<321x256xf32, #tpu.memory_space<vmem>>, vector<16xf32>,
      %mul3A_243 = arith.mulf %get3A_242, %gather3A : vector<16xf32>
      %gt3A_244 = arith.constant 0.000000e+00 : f32
      %gt3A_245 = vector.broadcast %gt3A_244 : f32 to vector<16xf32>
      %gt3A_246 = arith.cmpf ogt, %mul3A_243, %gt3A_245 : vector<16xf32>
      %exp3A_247 = math.exp %mul3A_243 : vector<16xf32>
      %sub3A_248 = arith.constant 1.000000e+00 : f32
      %sub3A_249 = vector.broadcast %sub3A_248 : f32 to vector<16xf32>
      %sub3A_250 = arith.subf %exp3A_247, %sub3A_249 : vector<16xf32>
      %select_n3A_251 = arith.select %gt3A_246, %mul3A_243, %sub3A_250 : vector<16xi1>, vector<16xf32>
      %swap3A_252 = arith.index_cast %scan3A_44 : i32 to index
      %swap3A_253 = arith.constant 208 : index
      %swap3A_254 = tpu.vector_load %arg8[%swap3A_252, %swap3A_253] {strides = array<i32>} : memref<321x256xf32, #tpu.memory_space<vmem>>, vector<16xf32>,
      tpu.vector_store %arg8[%swap3A_252, %swap3A_253], %select_n3A_251 {strides = array<i32>} : memref<321x256xf32, #tpu.memory_space<vmem>>, vector<16xf32>,
      %get3A_255 = arith.index_cast %scan3A_44 : i32 to index
      %get3A_256 = arith.constant 224 : index
      %get3A_257 = tpu.vector_load %arg8[%get3A_255, %get3A_256] {strides = array<i32>} : memref<321x256xf32, #tpu.memory_space<vmem>>, vector<16xf32>,
      %mul3A_258 = arith.mulf %get3A_257, %gather3A : vector<16xf32>
      %gt3A_259 = arith.constant 0.000000e+00 : f32
      %gt3A_260 = vector.broadcast %gt3A_259 : f32 to vector<16xf32>
      %gt3A_261 = arith.cmpf ogt, %mul3A_258, %gt3A_260 : vector<16xf32>
      %exp3A_262 = math.exp %mul3A_258 : vector<16xf32>
      %sub3A_263 = arith.constant 1.000000e+00 : f32
      %sub3A_264 = vector.broadcast %sub3A_263 : f32 to vector<16xf32>
      %sub3A_265 = arith.subf %exp3A_262, %sub3A_264 : vector<16xf32>
      %select_n3A_266 = arith.select %gt3A_261, %mul3A_258, %sub3A_265 : vector<16xi1>, vector<16xf32>
      %swap3A_267 = arith.index_cast %scan3A_44 : i32 to index
      %swap3A_268 = arith.constant 224 : index
      %swap3A_269 = tpu.vector_load %arg8[%swap3A_267, %swap3A_268] {strides = array<i32>} : memref<321x256xf32, #tpu.memory_space<vmem>>, vector<16xf32>,
      tpu.vector_store %arg8[%swap3A_267, %swap3A_268], %select_n3A_266 {strides = array<i32>} : memref<321x256xf32, #tpu.memory_space<vmem>>, vector<16xf32>,
      %get3A_270 = arith.index_cast %scan3A_44 : i32 to index
      %get3A_271 = arith.constant 240 : index
      %get3A_272 = tpu.vector_load %arg8[%get3A_270, %get3A_271] {strides = array<i32>} : memref<321x256xf32, #tpu.memory_space<vmem>>, vector<16xf32>,
      %mul3A_273 = arith.mulf %get3A_272, %gather3A : vector<16xf32>
      %gt3A_274 = arith.constant 0.000000e+00 : f32
      %gt3A_275 = vector.broadcast %gt3A_274 : f32 to vector<16xf32>
      %gt3A_276 = arith.cmpf ogt, %mul3A_273, %gt3A_275 : vector<16xf32>
      %exp3A_277 = math.exp %mul3A_273 : vector<16xf32>
      %sub3A_278 = arith.constant 1.000000e+00 : f32
      %sub3A_279 = vector.broadcast %sub3A_278 : f32 to vector<16xf32>
      %sub3A_280 = arith.subf %exp3A_277, %sub3A_279 : vector<16xf32>
      %select_n3A_281 = arith.select %gt3A_276, %mul3A_273, %sub3A_280 : vector<16xi1>, vector<16xf32>
      %swap3A_282 = arith.index_cast %scan3A_44 : i32 to index
      %swap3A_283 = arith.constant 240 : index
      %swap3A_284 = tpu.vector_load %arg8[%swap3A_282, %swap3A_283] {strides = array<i32>} : memref<321x256xf32, #tpu.memory_space<vmem>>, vector<16xf32>,
      tpu.vector_store %arg8[%swap3A_282, %swap3A_283], %select_n3A_281 {strides = array<i32>} : memref<321x256xf32, #tpu.memory_space<vmem>>, vector<16xf32>,
      %scan3A_285 = arith.constant 0 : i32
      scf.yield %scan3A_285 : i32
    }
    %scan3A_32 = arith.constant 320 : i32
    %add3A_33 = arith.constant 320 : i32
    %add3A_34 = arith.addi %mul3A_2, %add3A_33 : i32
    %le3A = arith.constant 10000 : i32
    %le3A_35 = arith.cmpi sle, %add3A_34, %le3A : i32
    %convert_element_type3A = arith.extui %le3A_35 : i1 to i32
    %cond3A = arith.constant 0 : i32
    %cond3A_36 = arith.cmpi ne, %convert_element_type3A, %cond3A : i32
    scf.if %cond3A_36 {
      "tpu.region"() ({
        %run_scoped3A = tpu.sem_alloc : memref<!tpu.dma_semaphore, #tpu.memory_space<semaphore_mem>>
        %dma_start3A = arith.constant 0 : i32
        %dma_start3A_44 = arith.constant 0 : i32
        %dma_start3A_45 = tpu.memref_slice %arg8[%dma_start3A, %dma_start3A_44] : memref<321x256xf32, #tpu.memory_space<vmem>> -> memref<320x256xf32, #tpu.memory_space<vmem>>
        %dma_start3A_46 = arith.constant 0 : i32
        %dma_start3A_47 = tpu.memref_slice %arg7[%mul3A_2, %dma_start3A_46] : memref<10000x256xf32, #tpu.memory_space<hbm>> -> memref<320x256xf32, #tpu.memory_space<hbm>>
        %dma_start3A_48 = arith.constant 0 : i32
        %dma_start3A_49 = tpu.memref_slice %arg7[%mul3A_2, %dma_start3A_48] : memref<10000x256xf32, #tpu.memory_space<hbm>> -> memref<320x256xf32, #tpu.memory_space<hbm>>
        %dma_start3A_50 = arith.constant 0 : i32
        %dma_start3A_51 = arith.constant 0 : i32
        %dma_start3A_52 = tpu.memref_slice %arg8[%dma_start3A_50, %dma_start3A_51] : memref<321x256xf32, #tpu.memory_space<vmem>> -> memref<320x256xf32, #tpu.memory_space<vmem>>
        tpu.enqueue_dma source(%dma_start3A_52 : memref<320x256xf32, #tpu.memory_space<vmem>>) target(%dma_start3A_49 : memref<320x256xf32, #tpu.memory_space<hbm>>) target_semaphore(%run_scoped3A : memref<!tpu.dma_semaphore, #tpu.memory_space<semaphore_mem>>)
        %dma_wait3A = arith.constant 0 : i32
        %dma_wait3A_53 = arith.constant 0 : i32
        %dma_wait3A_54 = tpu.memref_slice %arg8[%dma_wait3A, %dma_wait3A_53] : memref<321x256xf32, #tpu.memory_space<vmem>> -> memref<320x256xf32, #tpu.memory_space<vmem>>
        %dma_wait3A_55 = arith.constant 0 : i32
        %dma_wait3A_56 = tpu.memref_slice %arg7[%mul3A_2, %dma_wait3A_55] : memref<10000x256xf32, #tpu.memory_space<hbm>> -> memref<320x256xf32, #tpu.memory_space<hbm>>
        %dma_wait3A_57 = arith.constant 0 : i32
        %dma_wait3A_58 = tpu.memref_slice %arg7[%mul3A_2, %dma_wait3A_57] : memref<10000x256xf32, #tpu.memory_space<hbm>> -> memref<320x256xf32, #tpu.memory_space<hbm>>
        %dma_wait3A_59 = arith.constant 0 : i32
        %dma_wait3A_60 = arith.constant 0 : i32
        %dma_wait3A_61 = tpu.memref_slice %arg8[%dma_wait3A_59, %dma_wait3A_60] : memref<321x256xf32, #tpu.memory_space<vmem>> -> memref<320x256xf32, #tpu.memory_space<vmem>>
        tpu.wait_dma2 semaphore(%run_scoped3A : memref<!tpu.dma_semaphore, #tpu.memory_space<semaphore_mem>>) src(%dma_wait3A_61 : memref<320x256xf32, #tpu.memory_space<vmem>>) dst(%dma_wait3A_58 : memref<320x256xf32, #tpu.memory_space<hbm>>)
        tpu.yield
      }) : () -> ()
    } else {
    }
    %lt3A = arith.constant 10000 : i32
    %lt3A_37 = arith.cmpi slt, %mul3A_2, %lt3A : i32
    %add3A_38 = arith.constant 320 : i32
    %add3A_39 = arith.addi %mul3A_2, %add3A_38 : i32
    %gt3A = arith.constant 10000 : i32
    %gt3A_40 = arith.cmpi sgt, %add3A_39, %gt3A : i32
    %and3A = arith.andi %lt3A_37, %gt3A_40 : i1
    %convert_element_type3A_41 = arith.extui %and3A : i1 to i32
    %cond3A_42 = arith.constant 0 : i32
    %cond3A_43 = arith.cmpi ne, %convert_element_type3A_41, %cond3A_42 : i32
    scf.if %cond3A_43 {
      "tpu.region"() ({
        %run_scoped3A = tpu.sem_alloc : memref<!tpu.dma_semaphore, #tpu.memory_space<semaphore_mem>>
        %dma_start3A = arith.constant 0 : i32
        %dma_start3A_44 = arith.constant 0 : i32
        %dma_start3A_45 = tpu.memref_slice %arg8[%dma_start3A, %dma_start3A_44] : memref<321x256xf32, #tpu.memory_space<vmem>> -> memref<80x256xf32, #tpu.memory_space<vmem>>
        %dma_start3A_46 = arith.constant 0 : i32
        %dma_start3A_47 = tpu.memref_slice %arg7[%mul3A_2, %dma_start3A_46] : memref<10000x256xf32, #tpu.memory_space<hbm>> -> memref<80x256xf32, #tpu.memory_space<hbm>>
        %dma_start3A_48 = arith.constant 0 : i32
        %dma_start3A_49 = tpu.memref_slice %arg7[%mul3A_2, %dma_start3A_48] : memref<10000x256xf32, #tpu.memory_space<hbm>> -> memref<80x256xf32, #tpu.memory_space<hbm>>
        %dma_start3A_50 = arith.constant 0 : i32
        %dma_start3A_51 = arith.constant 0 : i32
        %dma_start3A_52 = tpu.memref_slice %arg8[%dma_start3A_50, %dma_start3A_51] : memref<321x256xf32, #tpu.memory_space<vmem>> -> memref<80x256xf32, #tpu.memory_space<vmem>>
        tpu.enqueue_dma source(%dma_start3A_52 : memref<80x256xf32, #tpu.memory_space<vmem>>) target(%dma_start3A_49 : memref<80x256xf32, #tpu.memory_space<hbm>>) target_semaphore(%run_scoped3A : memref<!tpu.dma_semaphore, #tpu.memory_space<semaphore_mem>>)
        %dma_wait3A = arith.constant 0 : i32
        %dma_wait3A_53 = arith.constant 0 : i32
        %dma_wait3A_54 = tpu.memref_slice %arg8[%dma_wait3A, %dma_wait3A_53] : memref<321x256xf32, #tpu.memory_space<vmem>> -> memref<80x256xf32, #tpu.memory_space<vmem>>
        %dma_wait3A_55 = arith.constant 0 : i32
        %dma_wait3A_56 = tpu.memref_slice %arg7[%mul3A_2, %dma_wait3A_55] : memref<10000x256xf32, #tpu.memory_space<hbm>> -> memref<80x256xf32, #tpu.memory_space<hbm>>
        %dma_wait3A_57 = arith.constant 0 : i32
        %dma_wait3A_58 = tpu.memref_slice %arg7[%mul3A_2, %dma_wait3A_57] : memref<10000x256xf32, #tpu.memory_space<hbm>> -> memref<80x256xf32, #tpu.memory_space<hbm>>
        %dma_wait3A_59 = arith.constant 0 : i32
        %dma_wait3A_60 = arith.constant 0 : i32
        %dma_wait3A_61 = tpu.memref_slice %arg8[%dma_wait3A_59, %dma_wait3A_60] : memref<321x256xf32, #tpu.memory_space<vmem>> -> memref<80x256xf32, #tpu.memory_space<vmem>>
        tpu.wait_dma2 semaphore(%run_scoped3A : memref<!tpu.dma_semaphore, #tpu.memory_space<semaphore_mem>>) src(%dma_wait3A_61 : memref<80x256xf32, #tpu.memory_space<vmem>>) dst(%dma_wait3A_58 : memref<80x256xf32, #tpu.memory_space<hbm>>)
        tpu.yield
      }) : () -> ()
    } else {
    }
    return
  }
}

module attributes {stable_mosaic.version = 14 : i64} {
  func.func @_tc_body(%arg0: i32, %arg1: memref<512x256xf32, #tpu.memory_space<vmem>>, %arg2: memref<256x256xf32, #tpu.memory_space<vmem>>, %arg3: memref<8x256xf32, #tpu.memory_space<vmem>>, %arg4: memref<512x256xf32, #tpu.memory_space<vmem>>, %arg5: memref<8x512xf32, #tpu.memory_space<vmem>>) attributes {dimension_semantics = [#tpu.dimension_semantics<arbitrary>], iteration_bounds = array<i64: 20>, scalar_prefetch = 0 : i64, scratch_operands = 0 : i64, tpu.core_type = #tpu.core_type<tc>, window_params = [{transform_indices = @transform_0, window_bounds = array<i64: 512, 256>}, {pipeline_mode = #tpu.pipeline_mode<synchronous>, transform_indices = @transform_1, window_bounds = array<i64: 256, 256>}, {pipeline_mode = #tpu.pipeline_mode<synchronous>, transform_indices = @transform_2, window_bounds = array<i64: 8, 256>}, {transform_indices = @transform_3, window_bounds = array<i64: 512, 256>}, {transform_indices = @transform_4, window_bounds = array<i64: 8, 512>}]} {
    %get3A = arith.constant 0 : index
    %get3A_0 = arith.constant 0 : index
    %get3A_1 = vector.load %arg1[%get3A, %get3A_0] : memref<512x256xf32, #tpu.memory_space<vmem>>, vector<512x256xf32>
    %get3A_2 = arith.constant 0 : index
    %get3A_3 = arith.constant 0 : index
    %get3A_4 = vector.load %arg2[%get3A_2, %get3A_3] : memref<256x256xf32, #tpu.memory_space<vmem>>, vector<256x256xf32>
    %dot_general3A = arith.constant dense<0.000000e+00> : vector<512x256xf32>
    %dot_general3A_5 = tpu.matmul %get3A_1, %get3A_4, %dot_general3A {dimension_numbers = #tpu.dot_dimension_numbers<[1], [0], [0], [1], [0, 0, 1, 1], [], []>, transpose_lhs_hint = false} : vector<512x256xf32>, vector<256x256xf32>, vector<512x256xf32> -> vector<512x256xf32>
    %swap3A = arith.constant 0 : index
    %swap3A_6 = arith.constant 0 : index
    %swap3A_7 = vector.load %arg4[%swap3A, %swap3A_6] : memref<512x256xf32, #tpu.memory_space<vmem>>, vector<512x256xf32>
    tpu.vector_store %arg4[%swap3A, %swap3A_6], %dot_general3A_5 {strides = array<i32>} : memref<512x256xf32, #tpu.memory_space<vmem>>, vector<512x256xf32>,
    %get3A_8 = arith.constant 0 : index
    %get3A_9 = arith.constant 0 : index
    %get3A_10 = vector.load %arg3[%get3A_8, %get3A_9] : memref<8x256xf32, #tpu.memory_space<vmem>>, vector<8x256xf32>
    %dot_general3A_11 = arith.constant dense<0.000000e+00> : vector<8x512xf32>
    %dot_general3A_12 = tpu.matmul %get3A_10, %dot_general3A_5, %dot_general3A_11 {dimension_numbers = #tpu.dot_dimension_numbers<[1], [1], [0], [0], [0, 0, 1, 0], [], []>, transpose_lhs_hint = false} : vector<8x256xf32>, vector<512x256xf32>, vector<8x512xf32> -> vector<8x512xf32>
    %swap3A_13 = arith.constant 0 : index
    %swap3A_14 = arith.constant 0 : index
    %swap3A_15 = vector.load %arg5[%swap3A_13, %swap3A_14] : memref<8x512xf32, #tpu.memory_space<vmem>>, vector<8x512xf32>
    tpu.vector_store %arg5[%swap3A_13, %swap3A_14], %dot_general3A_12 {strides = array<i32>} : memref<8x512xf32, #tpu.memory_space<vmem>>, vector<8x512xf32>,
    return
  }
  func.func @transform_0(%arg0: i32) -> (i32, i32) {
    %c0_i32 = arith.constant 0 : i32
    %c0_i32_0 = arith.constant 0 : i32
    return %arg0, %c0_i32 : i32, i32
  }
  func.func @transform_1(%arg0: i32) -> (i32, i32) {
    %c0_i32 = arith.constant 0 : i32
    %c0_i32_0 = arith.constant 0 : i32
    %c0_i32_1 = arith.constant 0 : i32
    return %c0_i32, %c0_i32_0 : i32, i32
  }
  func.func @transform_2(%arg0: i32) -> (i32, i32) {
    %c0_i32 = arith.constant 0 : i32
    %c0_i32_0 = arith.constant 0 : i32
    %c0_i32_1 = arith.constant 0 : i32
    return %c0_i32, %c0_i32_0 : i32, i32
  }
  func.func @transform_3(%arg0: i32) -> (i32, i32) {
    %c0_i32 = arith.constant 0 : i32
    %c0_i32_0 = arith.constant 0 : i32
    return %arg0, %c0_i32 : i32, i32
  }
  func.func @transform_4(%arg0: i32) -> (i32, i32) {
    %c0_i32 = arith.constant 0 : i32
    %c0_i32_0 = arith.constant 0 : i32
    return %c0_i32, %arg0 : i32, i32
  }
}

</mosaic_0001>

<sc_bundles>
// kernel: kernel.4.cloned.1.call-start
scs
__scs_entry_jumppad:
0x0: {  	(pc) =	sbr.rel $0x88, $3  }
0x1: {  	(tag) =	ssettag $0x0;
	lr =	simm.s32 $0x1  }
0x2: {  	[smem:$0x3F9D] =	sst lr;
	_ =	strace $0xD0000000  }
0x3: {  	_ = 	snop  }
0x4: {  	_ = 	snop  }
0x5: {  	_ = 	snop  }
0x6: {  	_ = 	snop  }
0x7: {  	_ = 	snop  }
__scs_overlays_trampoline_lowered:
0x8: {  	[smem:$0x3FAC] =	sst s0  }
0x9: {  	[smem:$0x3FAD] =	sst s1  }
0xa: {  	[smem:$0x3FAE] =	sst s2  }
0xb: {  	[smem:$0x3FAF] =	sst s3  }
0xc: {  	[smem:$0x3FB0] =	sst s4  }
0xd: {  	[smem:$0x3FB1] =	sst s5  }
0xe: {  	[smem:$0x3FB2] =	sst s6  }
0xf: {  	[smem:$0x3FB3] =	sst s7  }
0x10: {  	[smem:$0x3FB4] =	sst s8  }
0x11: {  	[smem:$0x3FB5] =	sst s9;
	s0 =	simm.s32 @!p0 $0x0  }
0x12: {  	s1 =	sld [smem:$0x3F9B];
	s0 =	simm.s32 @p0 $0x1  }
0x13: {  	[smem:$0x3FB6] =	sst s0;
	s0 =	simm.s32 @!p1 $0x0  }
0x14: {  	s2 =	sld [smem:$0x3F9A];
	s0 =	simm.s32 @p1 $0x1  }
0x15: {  	[smem:$0x3FB7] =	sst s0;
	s0 =	simm.s32 @!p2 $0x0  }
0x16: {  	s3 =	sld [smem:$0x3FDB];
	s0 =	simm.s32 @p2 $0x1  }
0x17: {  	s4 =	simm.s32 $0x1BF5;
	[smem:$0x3FB9] =	sst s0  }
0x18: {  	s0 =	sld [smem:$0x3F9C];
	_ =	swait.ge [sflag:s4], $0x0  }
0x19: {  	s7 =	sld [smem:$0x3F9D]  }
0x1a: {  	s8 =	sadd.s32 $0xFFFFE003, lr  }
0x1b: {  	s9 =	sadd.s32 $0xFFFFFEF7, lr;
	s5 =	simm.s32 $0xFFFFFFFF;
	p2 =	slt.u32 s8, $0xFFFFF086  }
0x1c: {  	p1 =	slt.u32 s9, $0xF7A;
	s5 =	simm.s32 @!p2 $0x0  }
0x1d: {  	s5 =	simm.s32 @p1 $0x1;
	p0 =	seq.s32 s7, s2  }
0x1e: {  	s7 =	smul.u32 @!p0 $0xF7A, s2;
	p2 =	seq.s32 @!p0 s5, $0x0  }
0x1f: {  	s9 =	smul.u32 $0xF7A, s1;
	s8 =	simm.s32 @!p0 $0x1BF5;
	p2 =	por !p2, p0  }
0x20: {  	[sflag:s8] =	ssyncset.s32 @!p0 $0xFFFFF086;
	s6 =	sadd.s32 @!p0 s3, s7;
	s7 =	simm.s32 @!p0 $0x108  }
0x21: {  	s3 =	sadd.s32 s3, s9;
	s6 =	sadd.s32 @!p0 $0x88, s6;
	s7 =	simm.s32 @p2 $0x1082  }
0x22: {  	[simem:s7], [sflag:s8] =	dma.local @!p0 [hbm:s6], $0xF7A  }
0x23: {  	s9 =	sor.u32 $0xD0000000, s2;
	s6 =	simm.s32 $0x108;
	_ =	swait.ge @!p0 [sflag:s8], $0x0  }
0x24: {  	s3 =	sadd.s32 $0x88, s3;
	s6 =	simm.s32 @!p1 $0x1082;
	[sflag:s4] =	ssyncset.s32 $0xFFFFF086  }
0x25: {  	[simem:s6], [sflag:s4] =	dma.local [hbm:s3], $0xF7A  }
0x26: {  	[smem:$0x3F9D] =	sst s1;
	(tag) =	ssettag s2;
	_ =	strace s9  }
0x27: {  	s1 =	sld [smem:$0x3FAD]  }
0x28: {  	s2 =	sld [smem:$0x3FAE]  }
0x29: {  	s4 =	sld [smem:$0x3FB0]  }
0x2a: {  	p0 =	seq.s32 s5, $0x0;
	s5 =	sld [smem:$0x3FB1]  }
0x2b: {  	s6 =	sld [smem:$0x3FB2]  }
0x2c: {  	s7 =	sld [smem:$0x3FB3]  }
0x2d: {  	s3 =	simm.s32 $0x108;
	s8 =	sld [smem:$0x3FB4]  }
0x2e: {  	s3 =	simm.s32 @!p0 $0x1082;
	s9 =	sld [smem:$0x3FB5]  }
0x2f: {  	lr =	sadd.s32 s0, s3;
	s0 =	sld [smem:$0x3FAC]  }
0x30: {  	s3 =	sld [smem:$0x3FAF]  }
0x31: {  	[smem:$0x3FB8] =	sst s10  }
0x32: {  	s10 =	sld [smem:$0x3FB6];
	_ =	sdelay $0x3  }
0x33: {  	p0 =	seq.s32 s10, $0x1;
	s10 =	sld [smem:$0x3FB8];
	_ =	sdelay $0x3  }
0x34: {  	[smem:$0x3FB8] =	sst s10  }
0x35: {  	s10 =	sld [smem:$0x3FB7];
	_ =	sdelay $0x3  }
0x36: {  	p1 =	seq.s32 s10, $0x1;
	s10 =	sld [smem:$0x3FB8];
	_ =	sdelay $0x3  }
0x37: {  	[smem:$0x3FB8] =	sst s10  }
0x38: {  	s10 =	sld [smem:$0x3FB9]  }
0x39: {  	_ = 	snop;
	(pc) =	sbr.ind lr, $3  }
0x3a: {  	_ = 	snop  }
0x3b: {  	_ = 	snop  }
0x3c: {  	p2 =	seq.s32 s10, $0x1;
	s10 =	sld [smem:$0x3FB8]  }
0x3d: {  	_ =	shalt  }
0x3e: {  	_ =	shalt  }
0x3f: {  	_ =	shalt  }
0x40: {  	_ =	shalt  }
0x41: {  	_ =	shalt  }
0x42: {  	_ =	shalt  }
0x43: {  	_ =	shalt  }
0x44: {  	_ =	shalt  }
0x45: {  	_ =	shalt  }
0x46: {  	_ =	shalt  }
0x47: {  	_ =	shalt  }
0x48: {  	_ =	shalt  }
0x49: {  	_ =	shalt  }
0x4a: {  	_ =	shalt  }
0x4b: {  	_ =	shalt  }
0x4c: {  	_ =	shalt  }
0x4d: {  	_ =	shalt  }
0x4e: {  	_ =	shalt  }
0x4f: {  	_ =	shalt  }
0x50: {  	_ =	shalt  }
0x51: {  	_ =	shalt  }
0x52: {  	_ =	shalt  }
0x53: {  	_ =	shalt  }
0x54: {  	_ =	shalt  }
0x55: {  	_ =	shalt  }
0x56: {  	_ =	shalt  }
0x57: {  	_ =	shalt  }
0x58: {  	_ =	shalt  }
0x59: {  	_ =	shalt  }
0x5a: {  	_ =	shalt  }
0x5b: {  	_ =	shalt  }
0x5c: {  	_ =	shalt  }
0x5d: {  	_ =	shalt  }
0x5e: {  	_ =	shalt  }
0x5f: {  	_ =	shalt  }
0x60: {  	_ =	shalt  }
0x61: {  	_ =	shalt  }
0x62: {  	_ =	shalt  }
0x63: {  	_ =	shalt  }
0x64: {  	_ =	shalt  }
0x65: {  	_ =	shalt  }
0x66: {  	_ =	shalt  }
0x67: {  	_ =	shalt  }
0x68: {  	_ =	shalt  }
0x69: {  	_ =	shalt  }
0x6a: {  	_ =	shalt  }
0x6b: {  	_ =	shalt  }
0x6c: {  	_ =	shalt  }
0x6d: {  	_ =	shalt  }
0x6e: {  	_ =	shalt  }
0x6f: {  	_ =	shalt  }
0x70: {  	_ =	shalt  }
0x71: {  	_ =	shalt  }
0x72: {  	_ =	shalt  }
0x73: {  	_ =	shalt  }
0x74: {  	_ =	shalt  }
0x75: {  	_ =	shalt  }
0x76: {  	_ =	shalt  }
0x77: {  	_ =	shalt  }
0x78: {  	_ =	shalt  }
0x79: {  	_ =	shalt  }
0x7a: {  	_ =	shalt  }
0x7b: {  	_ =	shalt  }
0x7c: {  	_ =	shalt  }
0x7d: {  	_ =	shalt  }
0x7e: {  	_ =	shalt  }
0x7f: {  	_ =	shalt  }
0x80: {  	_ =	shalt  }
0x81: {  	_ =	shalt  }
0x82: {  	_ =	shalt  }
0x83: {  	_ =	shalt  }
0x84: {  	_ =	shalt  }
0x85: {  	_ =	shalt  }
0x86: {  	_ =	shalt  }
0x87: {  	_ =	shalt  }
.Lfunc_end0:
.L_simem_size_0:
called_computation_lowered:
.L_overlay_start_0:
0x88: {  	s2 =	sld [smem:$0x3FD9]  }
0x89: {  	s3 =	sld [smem:$0x3FFE];
	_ =	sdelay $0x1  }
0x8a: {  	s1 =	srdreg.scid  }
0x8b: {  	s0 =	sand.u32 $0x1, s1  }
0x8c: {  	s17 =	sshll.u32 s0, $0xA;
	s2 =	sadd.s32 s3, s2  }
0x8d: {  	s2 =	sadd.s32 s2, s17  }
0x8e: {  	[smem:$0x3FC4] =	sst s2  }
0x8f: {  	_ = 	snop  }
0x90: {  	s2 =	sld [smem:$0x3FD0];
	(tm) =	ssettm $0x1  }
0x91: {  	s18 =	sld [smem:$0x3FFB];
	_ =	sdelay $0x3  }
0x92: {  	_ =	strace s18  }
0x93: {  	s3 =	sld [smem:$0x3FFC];
	_ =	sdelay $0x3  }
0x94: {  	_ =	strace s3  }
0x95: {  	s3 =	sld [smem:$0x3FFD];
	_ =	sdelay $0x3  }
0x96: {  	_ =	strace s3  }
0x97: {  	_ =	strace $0x8FFFFFFF  }
0x98: {  	s19 =	sld [smem:$0x3FDB];
	_ =	sdelay $0x1  }
0x99: {  	s4 =	simm.s32 $_scs_section_size  }
0x9a: {  	s5 =	simm.s32 $_size__tile_overlayer_lowered;
	s6 =	simm.s32 $_tile_overlayer_lowered  }
0x9b: {  	s22 =	simm.s32 $0x1BFF;
	s21 =	sshll.u32 s6, $0x1;
	s3 =	sadd.s32 s4, s19  }
0x9c: {  	s7 =	simm.s32 $0x0;
	s20 =	sshll.u32 s5, $0x1;
	s5 =	sadd.s32 s21, s3  }
0x9d: {  	[timem:s7], [sflag:s22] =	dma.local [hbm:s5], s20  }
0x9e: {  	_ =	swait.ge [sflag:s22], s20  }
0x9f: {  	s4 =	ssub.s32 $0x0, s20;
	[sflag:s22] =	ssyncset.done $0x0  }
0xa0: {  	[sflag:s22] =	ssyncadd.s32 s4;
	_ =	sdelay $0x1  }
0xa1: {  	s23 =	simm.s32 $0x1B8B  }
0xa2: {  	_ =	swait.ge [sflag:s23], $0x1  }
0xa3: {  	[sflag:s23] =	ssyncset.done $0x0  }
0xa4: {  	s25 =	simm.s32 $0x1B8E;
	s24 =	sld [smem:$0x3FFE];
	[sflag:s23] =	ssyncadd.s32 $0xFFFFFFFF  }
0xa5: {  	s26 =	simm.s32 $execute0_lowered;
	[smem:$0x3FD2] =	sst s25  }
0xa6: {  	s5 =	sshll.u32 s26, $0x1;
	_ =	strace $0x80000046;
	[dreg:$0x1] =	wrdreg $0xFFFFFFFF  }
0xa7: {  	s28 =	simm.s32 $_size_execute0_lowered;
	s3 =	sadd.s32 s3, s5;
	[dreg:$0x0] =	wrdreg $0x0  }
0xa8: {  	s5 =	sshll.u32 s28, $0x1;
	[dreg:$0x2] =	wrdreg s3  }
0xa9: {  	[dreg:$0x3] =	wrdreg s5  }
0xaa: {  	[dreg:$0x4] =	wrdreg $0xC0  }
0xab: {  	_ =	task [dreg:s7], $0x5FFFF  }
0xac: {  	[dreg:$0x1] =	wrdreg $0xFFFFFFFF  }
0xad: {  	[dreg:$0x0] =	wrdreg $0x60  }
0xae: {  	[dreg:$0x2] =	wrdreg s24  }
0xaf: {  	[dreg:$0x3] =	wrdreg s2  }
0xb0: {  	[dreg:$0x4] =	wrdreg $0x9  }
0xb1: {  	_ =	task.clear_ibuf [dreg:s7], $0x5FFFF;
	_ =	strace $0x90000046  }
0xb2: {  	s29 =	simm.s32 $0x9;
	_ =	strace $0x80000048  }
0xb3: {  	_ =	swait.ge [sflag:s29], $0x1  }
0xb4: {  	[sflag:s29] =	ssyncadd.s32 $0xFFFFFFFF  }
0xb5: {  	_ =	strace $0x90000048  }
0xb6: {  	_ =	sfence  }
0xb7: {  	s30 =	sld [smem:$0x0];
	_ =	sdelay $0x2  }
0xb8: {  	s31 =	sshll.u32 s1, $0xD;
	s1 =	sshrl.u32 s1, $0x2  }
0xb9: {  	s3 =	sand.u32 $0x4000, s31;
	s1 =	sadd.s32 s1, s30  }
0xba: {  	s0 =	sor.u32 s3, s0;
	s1 =	sshll.u32 s1, $0x11  }
0xbb: {  	s0 =	sor.u32 s1, s0  }
0xbc: {  	s0 =	sadd.s32 $0x8F2B, s0  }
0xbd: {  	[sflag:s0] =	ssyncadd.remote.s32 $0x1  }
0xbe: {  	_ =	sfence.sel $0xFFFF  }
0xbf: {  	[dreg:$0x0] =	wrdreg $0xFFFFFFFF;
	(pc) =	sbr.abs _section_cstart, $3  }
0xc0: {  	[dreg:$0x1] =	wrdreg $0xFFFFFFFF  }
0xc1: {  	_ =	task.clear_ibuf [dreg:s7], $0x2FFFF;
	_ =	strace $0x9FFFFFFF  }
0xc2: {  	(tm) =	ssettm $0x7FFFFFFF  }
0xc3: {  	_ =	shalt  }
tec
execute0_lowered:
.L_overlay_start_1:
0x0: {  	(tag) =	ssettag $0x1  }
0x1: {  	s0 =	srdreg.scid;
	s2 =	rddreg [dreg:$0x0]  }
0x2: {  	s3 =	stileid.u32;
	s7 =	rddreg [dreg:$0x1]  }
0x3: {  	s13 =	simm.s32 $0x1FC80;
	s14 =	simm.s32 $0x4;
	s15 =	simm.s32 $0x3  }
0x4: {  	s16 =	simm.s32 $0x1;
	s17 =	simm.s32 $0x17C80;
	s18 =	simm.s32 $0x1BC80  }
0x5: {  	s19 =	simm.s32 $0x1FF20;
	s20 =	simm.s32 $0x16200;
	s0 =	sand.u32 $0x1, s0  }
0x6: {  	s21 =	simm.s32 $0x2;
	s22 =	simm.s32 $0x0;
	s1 =	sshll.u32 s0, $0x4  }
0x7: {  	s4 =	sadd.s32 $0x28600, s2;
	s6 =	sadd.s32 $0x2DE00, s2;
	s1 =	sor.u32 s3, s1  }
0x8: {  	v1 =	vimm.f32 $0.0e+00;
	v2 =	vlaneseq.u32;
	s0 =	ssub.s32 $0x2, s0;
	s3 =	simm.s32 $0x0;
	s8 =	smul.u32 $0x140, s1  }
0x9: {  	v3 =	vimm.s32 $0x0;
	v4 =	vimm.s32 $0x140;
	v5 =	vor.u32 $0x400, v2;
	s10 =	sshrl.u32 s0, $0x1;
	[smem:$0x7FF] =	sst s3;
	s11 =	smul.u32 $0x2800, s1  }
0xa: {  	v6 =	vor.u32 $0x10, v2;
	v7 =	vor.u32 $0x410, v2;
	v8 =	vor.u32 $0x20, v2;
	s0 =	ssub.s32 s0, s10;
	s10 =	sadd.s32 $0x1800, s2;
	p0 =	seq.s32 s1, $0x1F  }
0xb: {  	v9 =	vor.u32 $0x420, v2;
	v10 =	vor.u32 $0x30, v2;
	v11 =	vor.u32 $0x430, v2;
	_ =	strace $0x80000047;
	s0 =	smax.u32 s0, $0x1;
	s5 =	sshrl.u32 s8, $0x3  }
0xc: {  	v12 =	vor.u32 $0x40, v2;
	v13 =	vor.u32 $0x440, v2;
	v14 =	vor.u32 $0x50, v2;
	s7 =	sadd.s32 s7, s11;
	[dreg:$0x5] =	wrdreg s0;
	s9 =	sadd.s32 s5, s2  }
0xd: {  	v15 =	vor.u32 $0x450, v2;
	v16 =	vor.u32 $0x60, v2;
	v0 =	vmov s8;
	s8 =	sadd.s32 $0x800, s2;
	[dreg:$0x4] =	wrdreg s7;
	s31 =	sadd.s32 $0x28000, s9  }
0xe: {  	v17 =	vor.u32 $0x460, v2;
	v18 =	vor.u32 $0x70, v2;
	v19 =	vor.u32 $0x470, v2;
	s5 =	sadd.s32 $0x28C00, s2;
	s9 =	sadd.s32 $0x1000, s2;
	[dreg:$0x3] =	wrdreg s31  }
.LBB2_1:
0xf: {  	s0 =	sand.u32 $0x1F800, s3;
	s1 =	sand.u32 $0x380, s3  }
0x10: {  	s0 =	sor.u32 s1, s0  }
0x11: {  	[tilespmem:s0+$0x470] =	vst v1  }
0x12: {  	[tilespmem:s0+$0x0] =	vst v1  }
0x13: {  	[tilespmem:s0+$0x10] =	vst v1  }
0x14: {  	[tilespmem:s0+$0x20] =	vst v1  }
0x15: {  	[tilespmem:s0+$0x30] =	vst v1  }
0x16: {  	[tilespmem:s0+$0x40] =	vst v1  }
0x17: {  	[tilespmem:s0+$0x50] =	vst v1  }
0x18: {  	[tilespmem:s0+$0x60] =	vst v1  }
0x19: {  	[tilespmem:s0+$0x70] =	vst v1  }
0x1a: {  	[tilespmem:s0+$0x400] =	vst v1  }
0x1b: {  	[tilespmem:s0+$0x410] =	vst v1  }
0x1c: {  	[tilespmem:s0+$0x420] =	vst v1  }
0x1d: {  	[tilespmem:s0+$0x430] =	vst v1  }
0x1e: {  	s7 =	simm.s32 $0x100;
	s1 =	simm.s32 $0x80;
	[tilespmem:s0+$0x440] =	vst v1  }
0x1f: {  	s12 =	sand.u32 $0x1F800, s7;
	s7 =	simm.s32 $0x200;
	s23 =	sand.u32 $0x380, s1;
	[tilespmem:s0+$0x450] =	vst v1  }
.LBB2_2:
0x20: {  	p1 =	sne.s32 s7, $0x14000;
	[tilespmem:s0+$0x460] =	vst v1;
	s0 =	sor.u32 s23, s12  }
0x21: {  	[tilespmem:s0+$0x470] =	vst v1  }
0x22: {  	[tilespmem:s0+$0x0] =	vst v1  }
0x23: {  	[tilespmem:s0+$0x10] =	vst v1  }
0x24: {  	[tilespmem:s0+$0x20] =	vst v1  }
0x25: {  	[tilespmem:s0+$0x30] =	vst v1  }
0x26: {  	[tilespmem:s0+$0x40] =	vst v1  }
0x27: {  	[tilespmem:s0+$0x50] =	vst v1  }
0x28: {  	[tilespmem:s0+$0x60] =	vst v1  }
0x29: {  	[tilespmem:s0+$0x70] =	vst v1  }
0x2a: {  	[tilespmem:s0+$0x400] =	vst v1  }
.Ltmp0:
0x2b: {  	[tilespmem:s0+$0x410] =	vst v1;
	(pc) =	sbr.rel @p1 .LBB2_2-.Ltmp0, $4  }
0x2c: {  	[tilespmem:s0+$0x420] =	vst v1  }
0x2d: {  	[tilespmem:s0+$0x430] =	vst v1  }
0x2e: {  	s1 =	sadd.s32 $0x80, s1;
	[tilespmem:s0+$0x440] =	vst v1  }
0x2f: {  	s12 =	sand.u32 $0x1F800, s7;
	s7 =	sadd.s32 $0x100, s7;
	s23 =	sand.u32 $0x380, s1;
	[tilespmem:s0+$0x450] =	vst v1  }
0x30: {  	s1 =	sor.u32 s23, s12;
	[tilespmem:s0+$0x460] =	vst v1  }
0x31: {  	[tilespmem:s1+$0x470] =	vst v1  }
0x32: {  	[tilespmem:s1+$0x0] =	vst v1  }
0x33: {  	[tilespmem:s1+$0x10] =	vst v1  }
0x34: {  	[tilespmem:s1+$0x20] =	vst v1  }
0x35: {  	[tilespmem:s1+$0x30] =	vst v1  }
0x36: {  	[tilespmem:s1+$0x40] =	vst v1  }
0x37: {  	[tilespmem:s1+$0x50] =	vst v1  }
0x38: {  	[tilespmem:s1+$0x60] =	vst v1  }
0x39: {  	[tilespmem:s1+$0x70] =	vst v1  }
0x3a: {  	[tilespmem:s1+$0x400] =	vst v1  }
0x3b: {  	[tilespmem:s1+$0x410] =	vst v1  }
0x3c: {  	[tilespmem:s1+$0x420] =	vst v1  }
0x3d: {  	[tilespmem:s1+$0x430] =	vst v1  }
0x3e: {  	[tilespmem:s1+$0x440] =	vst v1  }
0x3f: {  	[tilespmem:s1+$0x450] =	vst v1  }
0x40: {  	[tilespmem:s1+$0x460] =	vst v1  }
0x41: {  	[tilespmem:$0x1FDD0] =	vst v1  }
0x42: {  	[tilespmem:$0x1FDE0] =	vst v1  }
0x43: {  	[tilespmem:$0x1FDF0] =	vst v1  }
0x44: {  	[tilespmem:$0x1FE00] =	vst v1  }
0x45: {  	[tilespmem:$0x1FE10] =	vst v1  }
0x46: {  	[tilespmem:$0x1FE20] =	vst v1  }
0x47: {  	[tilespmem:$0x1FE30] =	vst v1  }
0x48: {  	[tilespmem:$0x1FE40] =	vst v1  }
0x49: {  	[tilespmem:$0x1FE50] =	vst v1  }
0x4a: {  	[tilespmem:$0x1FE60] =	vst v1  }
0x4b: {  	[tilespmem:$0x1FE70] =	vst v1  }
0x4c: {  	[tilespmem:$0x1FE80] =	vst v1  }
0x4d: {  	[tilespmem:$0x1FE90] =	vst v1  }
0x4e: {  	[tilespmem:$0x1FEA0] =	vst v1  }
0x4f: {  	[tilespmem:$0x1FEB0] =	vst v1  }
0x50: {  	[tilespmem:$0x1FEC0] =	vst v1  }
0x51: {  	[tilespmem:$0x1FED0] =	vst v1  }
0x52: {  	[tilespmem:$0x1FEE0] =	vst v1  }
0x53: {  	[tilespmem:$0x1FEF0] =	vst v1  }
0x54: {  	[tilespmem:$0x1FF00] =	vst v1  }
0x55: {  	[tilespmem:$0x1FF10] =	vst v1  }
.Ltmp1:
0x56: {  	s23 =	simm.s32 $0x0;
	s31 =	rddreg [dreg:$0x3];
	[tilespmem:$0x1FDC0] =	vst v1;
	(pc) =	sbr.rel .LBB2_4-.Ltmp1, $4  }
0x57: {  	[tilespmem:s13], [sflag:$0x4] =	stream.linear.gather [hbm4b:s31+s23], $0x140, $0x38;
	v63 =	vld [tilespmem:$0x0]  }
0x58: {  	_ =	swait.ge [sflag:s14], $0x140  }
0x59: {  	[sflag:s14] =	ssyncset.done $0x0  }
0x5a: {  	s24 =	simm.s32 $0x0;
	[sflag:s14] =	ssyncadd.s32 $0xFFFFFEC0  }
.LBB2_7:
0x5b: {  	p1 =	slt.s32 s25, $0xD5  }
.Ltmp2:
0x5c: {  	_ = 	snop;
	(pc) =	sbr.rel @!p1 .LBB2_8-.Ltmp2, $1  }
0x5d: {  	_ =	sdelay $0x3  }
.LBB2_4:
0x5e: {  	v20 =	vor.u32 s23, v2  }
0x5f: {  	v21 =	vadd.s32 v0, v20  }
0x60: {  	v21 =	vshll.u32 v21, $0x9  }
0x61: {  	s0 =	simm.s32 $0x14800;
	v20 =	vadd.s32 v20, v21  }
0x62: {  	s1 =	simm.s32 $0x10;
	[tilespmem:s0+$0x0] =	vst v20  }
.LBB2_5:
0x63: {  	p1 =	sne.s32 s1, $0x130  }
.Ltmp3:
0x64: {  	v20 =	vor.u32 s1, v2;
	s1 =	sadd.s32 $0x10, s1;
	(pc) =	sbr.rel @p1 .LBB2_5-.Ltmp3, $4  }
0x65: {  	v21 =	vadd.s32 v0, v20  }
0x66: {  	v21 =	vshll.u32 v21, $0x9  }
0x67: {  	s0 =	sadd.s32 $0x10, s0;
	v20 =	vadd.s32 v20, v21  }
0x68: {  	[tilespmem:s0+$0x0] =	vst v20  }
0x69: {  	s0 =	sand.u32 $0x1, s24;
	s1 =	smul.u32 $0x300, s24  }
0x6a: {  	p1 =	seq.s32 s0, $0x1;
	s0 =	simm.s32 $0x600  }
0x6b: {  	s0 =	simm.s32 @!p1 $0x0;
	s1 =	sshrl.u32 s1, $0x3  }
0x6c: {  	s7 =	sadd.s32 $0x16200, s0;
	s12 =	sadd.s32 s5, s1  }
0x6d: {  	[tilespmem:s7], [sflag:$0x3] =	stream.linear.gather [hbm4b:s12+s3], $0x300, $0x38;
	v63 =	vld [tilespmem:$0x0]  }
0x6e: {  	s0 =	sadd.s32 $0x16500, s0;
	s1 =	sadd.s32 s6, s1  }
0x6f: {  	[tilespmem:s0], [sflag:$0x3] =	stream.linear.gather [hbm4b:s1+s3], $0x300, $0x38;
	v63 =	vld [tilespmem:$0x0]  }
0x70: {  	p1 =	seq.s32 s24, $0x0;
	s0 =	simm.s32 $0x140  }
0x71: {  	s0 =	simm.s32 @!p1 $0x0  }
.LBB2_13:
0x72: {  	s25 =	smov.u32 s24;
	s24 =	sadd.s32 $0x1, s24  }
0x73: {  	p1 =	slt.s32 s24, $0xD5;
	s1 =	smov.u32 s24  }
0x74: {  	s1 =	simm.s32 @!p1 $0xD5  }
0x75: {  	_ =	swait.ge [sflag:s15], $0x600;
	s7 =	sand.u32 $0x1, s24;
	s1 =	smul.u32 $0x300, s1  }
0x76: {  	s28 =	simm.s32 $0x0;
	p1 =	seq.s32 s7, $0x1;
	s7 =	simm.s32 $0x600  }
0x77: {  	[sflag:s15] =	ssyncset.done $0x0;
	s7 =	simm.s32 @!p1 $0x0;
	s1 =	sshrl.u32 s1, $0x3  }
0x78: {  	[sflag:s15] =	ssyncadd.s32 $0xFFFFFA00;
	s12 =	sadd.s32 $0x16200, s7;
	s26 =	sadd.s32 s5, s1  }
0x79: {  	[tilespmem:s12], [sflag:$0x3] =	stream.linear.gather [hbm4b:s26+s28], $0x300, $0x38;
	v63 =	vld [tilespmem:$0x0]  }
0x7a: {  	s29 =	sand.u32 $0x1, s25;
	s7 =	sadd.s32 $0x16500, s7;
	s1 =	sadd.s32 s6, s1  }
0x7b: {  	[tilespmem:s7], [sflag:$0x3] =	stream.linear.gather [hbm4b:s1+s28], $0x300, $0x38;
	v63 =	vld [tilespmem:$0x0]  }
0x7c: {  	p1 =	seq.s32 s29, $0x1;
	s1 =	simm.s32 $0x600  }
0x7d: {  	s1 =	simm.s32 @!p1 $0x0  }
0x7e: {  	s30 =	sadd.s32 $0x0, s1  }
0x7f: {  	s31 =	sadd.s32 $0x300, s30  }
0x80: {  	s11 =	sand.u32 $0x70, s28;
	s12 =	sand.u32 $0x1F80, s31  }
0x81: {  	s12 =	sor.u32 s11, s12  }
0x82: {  	v20 =	vld [tilespmem:s12+$0x16200];
	_ =	sdelay $0x4  }
0x83: {  	v20 =	vsub.s32 v20, v0  }
0x84: {  	vm0 =	vlt.u32 v20, $0x140  }
0x85: {  	v21 =	vsel vm0, $0x1, v3  }
0x86: {  	s7 =	sand.u32 $0xF80, s30;
	(xrf0) =	vadd.scan.msk.s32 $0xffff, v21  }
0x87: {  	s7 =	sor.u32 s11, s7  }
0x88: {  	v21 =	vld [tilespmem:s7+$0x16200];
	_ =	sdelay $0x2  }
0x89: {  	vm1 =	vgt.s32 v20, $0x0  }
0x8a: {  	s29 =	sadd.s32 $0x10, s1;
	v20 =	vnsel vm1, $0x0, v20;
	v22, _, _ =	vpop (xrf0)  }
0x8b: {  	s30 =	simm.s32 $0x10;
	s31 =	sadd.s32 $0x300, s29;
	v20 =	vmin.u32 v20, $0x13F;
	v21 =	vshll.u32 v21, $0x9;
	(v2sf) =	vpush v22, $0xF  }
0x8c: {  	s26 =	sand.u32 $0x1F80, s31;
	s12 =	sand.u32 $0x70, s30;
	v20 =	vor.u32 v21, v20  }
0x8d: {  	s26 =	sor.u32 s12, s26;
	[tilespmem:s0+$0x14800] =	vst.msk vm0, v20  }
0x8e: {  	v20 =	vld [tilespmem:s26+$0x16200];
	_ =	sdelay $0x3  }
0x8f: {  	s7 =	sand.u32 $0xF80, s29  }
0x90: {  	s7 =	sor.u32 s12, s7;
	v20 =	vsub.s32 v20, v0  }
0x91: {  	v21 =	vld [tilespmem:s7+$0x16200];
	vm0 =	vlt.u32 v20, $0x140  }
0x92: {  	v22 =	vsel vm0, $0x1, v3  }
0x93: {  	(xrf0) =	vadd.scan.msk.s32 $0xffff, v22  }
0x94: {  	vm1 =	vgt.s32 v20, $0x0  }
0x95: {  	v20 =	vnsel vm1, $0x0, v20  }
0x96: {  	s12 =	simm.s32 $0x30;
	v21 =	vshll.u32 v21, $0x9;
	v20 =	vmin.u32 v20, $0x13F  }
0x97: {  	s7 =	simm.s32 $0x20;
	s26 =	sadd.s32 $0x20, s1;
	v20 =	vor.u32 v21, v20;
	s28 =	spop (v2sf)  }
.LBB2_14:
0x98: {  	s29 =	sadd.s32 $0x300, s26  }
0x99: {  	v21, _, _ =	vpop (xrf0);
	s0 =	sadd.s32 s0, s28;
	s28 =	smov.u32 s12;
	s30 =	sadd.s32 $0x10, s12  }
0x9a: {  	p1 =	seq.s32 s12, $0x2F0;
	s12 =	sand.u32 $0x70, s7;
	s7 =	sand.u32 $0x1F80, s29;
	[tilespmem:s0+$0x14800] =	vst.msk vm0, v20;
	(v2sf) =	vpush v21, $0xF  }
0x9b: {  	s29 =	sor.u32 s12, s7;
	s7 =	smov.u32 s28  }
0x9c: {  	v20 =	vld [tilespmem:s29+$0x16200]  }
0x9d: {  	s26 =	sand.u32 $0xF80, s26  }
0x9e: {  	s12 =	sor.u32 s12, s26  }
0x9f: {  	v21 =	vld [tilespmem:s12+$0x16200];
	_ =	sdelay $0x1  }
0xa0: {  	v20 =	vsub.s32 v20, v0  }
0xa1: {  	vm0 =	vlt.u32 v20, $0x140;
	vm1 =	vgt.s32 v20, $0x0  }
0xa2: {  	v20 =	vnsel vm1, $0x0, v20;
	v22 =	vsel vm0, $0x1, v3  }
0xa3: {  	v21 =	vshll.u32 v21, $0x9;
	v20 =	vmin.u32 v20, $0x13F;
	(xrf0) =	vadd.scan.msk.s32 $0xffff, v22  }
.Ltmp4:
0xa4: {  	v20 =	vor.u32 v21, v20;
	(pc) =	sbr.rel @!p1 .LBB2_14-.Ltmp4, $2  }
0xa5: {  	_ =	sdelay $0x2  }
0xa6: {  	s26 =	sadd.s32 s7, s1;
	s12 =	smov.u32 s30;
	s28 =	spop (v2sf)  }
0xa7: {  	s1 =	sadd.s32 $0x300, s26  }
0xa8: {  	s0 =	sadd.s32 s0, s28;
	s7 =	sand.u32 $0x70, s7;
	s1 =	sand.u32 $0x1F80, s1  }
0xa9: {  	[tilespmem:s0+$0x14800] =	vst.msk vm0, v20;
	s1 =	sor.u32 s7, s1  }
0xaa: {  	v20 =	vld [tilespmem:s1+$0x16200];
	_ =	sdelay $0x4  }
0xab: {  	v20 =	vsub.s32 v20, v0  }
0xac: {  	vm15 =	vlt.u32 v20, $0x140  }
0xad: {  	v21 =	vsel vm15, $0x1, v3  }
0xae: {  	(xrf0) =	vadd.scan.msk.s32 $0xffff, v21;
	_ =	sdelay $0x4  }
0xaf: {  	v60, _, _ =	vpop (xrf0)  }
0xb0: {  	(v2sf) =	vpush v60, $0xF;
	v61, _, _ =	vpop (xrf0)  }
0xb1: {  	(v2sf) =	vpush v61, $0xF;
	_ =	sdelay $0x6  }
0xb2: {  	s29 =	sand.u32 $0xF80, s26  }
0xb3: {  	s1 =	sor.u32 s7, s29  }
0xb4: {  	v62 =	vld [tilespmem:s1+$0x16200];
	_ =	sdelay $0x2  }
0xb5: {  	vm1 =	vgt.s32 v20, $0x0  }
0xb6: {  	v20 =	vnsel vm1, $0x0, v20  }
0xb7: {  	v21 =	vshll.u32 v62, $0x9;
	v20 =	vmin.u32 v20, $0x13F;
	s30 =	spop (v2sf)  }
0xb8: {  	v20 =	vor.u32 v21, v20;
	s0 =	sadd.s32 s0, s30;
	s31 =	spop (v2sf)  }
0xb9: {  	[tilespmem:s0+$0x14800] =	vst.msk vm15, v20;
	s0 =	sadd.s32 s0, s31  }
0xba: {  	p1 =	sgt.s32 s25, $0xD4  }
0xbb: {  	p2 =	sgt.s32 @!p1 s0, $0x16F0  }
0xbc: {  	p1 =	por p1, p2  }
.Ltmp5:
0xbd: {  	_ = 	snop;
	(pc) =	sbr.rel @!p1 .LBB2_13-.Ltmp5, $1  }
0xbe: {  	_ =	sdelay $0x3  }
0xbf: {  	s1 =	sadd.s32 $0xF, s0;
	_ =	swait.ge [sflag:s15], $0x600  }
0xc0: {  	s26 =	simm.s32 $0x0;
	s7 =	sand.u32 $0xF, s1;
	s31 =	sshra.s32 s1, $0x1F  }
0xc1: {  	[sflag:s15] =	ssyncset.done $0x0;
	p2 =	slt.s32 s1, $0x1;
	p1 =	sne.s32 s7, $0x0  }
0xc2: {  	s7 =	sshrl.u32 s31, $0x1C;
	[sflag:s15] =	ssyncadd.s32 $0xFFFFFA00;
	p1 =	por !p2, !p1  }
0xc3: {  	s1 =	sadd.s32 s7, s1;
	[tilespmem:s0+$0x14800] =	vst v4;
	s0 =	simm.s32 $0x1;
	p1 =	por !p1, !p1  }
0xc4: {  	[tilespmem:s17], [sflag:$0x1] =	stream.linear.gather [hbm4b:s2+s26], $0x4000, $0x38;
	v63 =	vld [tilespmem:$0x0]  }
0xc5: {  	s1 =	sshra.s32 s1, $0x4;
	s0 =	simm.s32 @!p1 $0x0  }
0xc6: {  	[tilespmem:s18], [sflag:$0x2] =	stream.linear.gather [hbm4b:s8+s26], $0x4000, $0x38;
	v63 =	vld [tilespmem:$0x0]  }
0xc7: {  	s28 =	ssub.s32 s1, s0  }
0xc8: {  	s29 =	simm.s32 $0x0;
	p1 =	slt.s32 s28, $0x1  }
.LBB2_17:
0xc9: {  	_ =	swait.ge [sflag:s16], $0x4000  }
0xca: {  	s0 =	sshll.u32 s29, $0x5;
	[sflag:s16] =	ssyncset.done $0x0  }
.Ltmp6:
0xcb: {  	s0 =	sadd.s32 s4, s0;
	[sflag:s16] =	ssyncadd.s32 $0xFFFFC000;
	(pc) =	sbr.rel @p1 .LBB2_24-.Ltmp6, $4  }
0xcc: {  	[tilespmem:s19], [sflag:$0x4] =	stream.linear.gather [hbm4b:s0+s26], $0x80, $0x38;
	v63 =	vld [tilespmem:$0x0]  }
0xcd: {  	_ =	swait.ge [sflag:s14], $0x80  }
0xce: {  	s31 =	sshll.u32 s29, $0x8;
	[sflag:s14] =	ssyncset.done $0x0  }
0xcf: {  	p2 =	sne.s32 s28, $0x1;
	v20 =	vmov s31;
	s0 =	simm.s32 $0x0;
	[sflag:s14] =	ssyncadd.s32 $0xFFFFFF80  }
.Ltmp7:
0xd0: {  	(pc) =	sbr.rel @!p2 .LBB2_19-.Ltmp7, $3  }
0xd1: {  	_ =	sdelay $0x1  }
0xd2: {  	s1 =	simm.s32 $0x14800  }
0xd3: {  	s0 =	simm.s32 $0x0;
	p3 =	por $0x0, $0x0;
	v21 =	vld [tilespmem:s1+$0x0];
	s1 =	sadd.s32 $0xFFFFFFFF, s28  }
0xd4: {  	_ =	sdelay $0x3  }
0xd5: {  	v22 =	vshrl.u32 v21, $0x9  }
0xd6: {  	v22 =	vsub.s32 v22, v20  }
0xd7: {  	vm0 =	vlt.u32 v22, $0x80  }
0xd8: {  	v22 =	vsel vm0, $0x1, v3  }
0xd9: {  	(xrf0) =	vadd.scan.msk.s32 $0xffff, v22;
	_ =	sdelay $0x2  }
0xda: {  	p4 =	sne.s32 s1, $0x1  }
.Ltmp8:
0xdb: {  	_ = 	snop;
	(pc) =	sbr.rel @!p4 .LBB2_21-.Ltmp8, $4  }
0xdc: {  	_ = 	snop  }
0xdd: {  	v22, _, _ =	vpop (xrf0)  }
0xde: {  	s7 =	simm.s32 $0x14810;
	[tilespmem:s0+$0x16200] =	vst.msk vm0, v21;
	(v2sf) =	vpush v22, $0xF  }
0xdf: {  	s30 =	sadd.s32 $0xFFFFFFFF, s1;
	p3 =	por $0x1, $0x1;
	s1 =	simm.s32 $0x0;
	v21 =	vld [tilespmem:s7+$0x0]  }
.LBB2_22:
0xe0: {  	p4 =	sne.s32 s30, $0x1;
	_ =	sdelay $0x3  }
0xe1: {  	v22 =	vshrl.u32 v21, $0x9  }
0xe2: {  	v22 =	vsub.s32 v22, v20  }
0xe3: {  	vm0 =	vlt.u32 v22, $0x80  }
0xe4: {  	v22 =	vsel vm0, $0x1, v3  }
0xe5: {  	(xrf0) =	vadd.scan.msk.s32 $0xffff, v22;
	_ =	sdelay $0x3  }
.Ltmp9:
0xe6: {  	(pc) =	sbr.rel @p4 .LBB2_22-.Ltmp9, $4  }
0xe7: {  	s12 =	spop (v2sf)  }
0xe8: {  	v22, _, _ =	vpop (xrf0);
	s1 =	sadd.s32 s1, s12  }
0xe9: {  	s7 =	sadd.s32 $0x10, s7;
	[tilespmem:s1+$0x16200] =	vst.msk vm0, v21;
	(v2sf) =	vpush v22, $0xF  }
0xea: {  	s30 =	sadd.s32 $0xFFFFFFFF, s30;
	v21 =	vld [tilespmem:s7+$0x0]  }
.LBB2_23:
0xeb: {  	_ =	sdelay $0x3  }
0xec: {  	v22 =	vshrl.u32 v21, $0x9  }
0xed: {  	v22 =	vsub.s32 v22, v20  }
0xee: {  	vm0 =	vlt.u32 v22, $0x80  }
0xef: {  	v22 =	vsel vm0, $0x1, v3  }
0xf0: {  	(xrf0) =	vadd.scan.msk.s32 $0xffff, v22;
	_ =	sdelay $0x5  }
0xf1: {  	v22, _, _ =	vpop (xrf0)  }
0xf2: {  	(v2sf) =	vpush v22, $0xF;
	_ =	sdelay $0xc  }
0xf3: {  	s7 =	spop @p3 (v2sf)  }
0xf4: {  	s1 =	sadd.s32 @p3 s1, s7  }
0xf5: {  	s0 =	smov.u32 @p3 s1;
	s30 =	spop (v2sf)  }
0xf6: {  	[tilespmem:s0+$0x16200] =	vst.msk vm0, v21;
	s0 =	sadd.s32 s0, s30  }
.LBB2_24:
0xf7: {  	s1 =	sadd.s32 $0xF, s0  }
0xf8: {  	s7 =	sand.u32 $0xF, s1  }
0xf9: {  	s12 =	sshra.s32 s1, $0x1F;
	p3 =	slt.s32 s1, $0x1;
	p4 =	sne.s32 s7, $0x0  }
0xfa: {  	s12 =	sshrl.u32 s12, $0x1C;
	p3 =	por !p3, !p4  }
0xfb: {  	s7 =	simm.s32 $0x1;
	s1 =	sadd.s32 s12, s1;
	p3 =	por !p3, !p3  }
0xfc: {  	s1 =	sshra.s32 s1, $0x4;
	s7 =	simm.s32 @!p3 $0x0  }
0xfd: {  	s30 =	ssub.s32 s1, s7  }
0xfe: {  	p3 =	slt.s32 s30, $0x1  }
.Ltmp10:
0xff: {  	_ = 	snop;
	(pc) =	sbr.rel @p3 .LBB2_29-.Ltmp10, $4  }
0x100: {  	s11 =	sshll.u32 s29, $0x11  }
0x101: {  	s12 =	sor.u32 $0x140, s11  }
0x102: {  	v21 =	vmov s12  }
0x103: {  	[tilespmem:s0+$0x16200] =	vst v21  }
0x104: {  	s1 =	simm.s32 $0x0;
	s0 =	simm.s32 $0x0  }
.LBB2_26:
0x105: {  	s7 =	sshll.u32 s0, $0x6  }
0x106: {  	s7 =	sshra.s32 s7, $0x2  }
0x107: {  	v21 =	vld [tilespmem:s7+$0x16200];
	_ =	sdelay $0x4  }
0x108: {  	v22 =	vshrl.u32 v21, $0x9  }
0x109: {  	v21 =	vand.u32 $0x1FF, v21;
	v22 =	vsub.s32 v22, v20  }
0x10a: {  	v23 =	vadd.s32 $0x2A0, v22;
	_ =	sdelay $0x3  }
0x10b: {  	v24 =	vld.idx.msk [tilespmem:v21+s13+$0x0], $0xffff  }
0x10c: {  	v23 =	vld.idx.msk [tilespmem:v23+s13+$0x0], $0xffff;
	_ =	sdelay $0x4  }
0x10d: {  	v23 =	vadd.f32 v24, v23;
	_ =	sdelay $0x1  }
0x10e: {  	v24 =	vmul.f32 $2.000000030e-01, v23  }
0x10f: {  	vm0 =	vge.f32 v23, $0.0e+00  }
0x110: {  	v23 =	vsel vm0, v23, v24  }
0x111: {  	v23 =	vmul.f32 $1.442695020e+00, v23;
	_ =	sdelay $0x1  }
0x112: {  	(erf) = vpow2.f32 v23;
	_ =	sdelay $0x5  }
0x113: {  	v23 =	vadd.s32 $0x150, v21;
	_ =	sdelay $0x1  }
0x114: {  	v24 =	vmov s1  }
0x115: {  	v26 =	vor.u32 $0x1A00, v24;
	v25 =	vpop (erf)  }
0x116: {  	[tilespmem:$0x1FFA0] =	vst v25  }
0x117: {  	[tilespmem:v23+s13+$0x0] =	vst.idx.add.f32.msk $0xffff, v25  }
0x118: {  	[tilespmem:$0x17C00] =	vst v22  }
0x119: {  	[tilespmem:$0x17C10] =	vst v21;
	v21 =	vor.u32 $0x1A10, v24  }
0x11a: {  	v22 =	vld.idx.msk [tilespmem:v26+s20+$0x0], $0xffff;
	_ =	sdelay $0x3  }
0x11b: {  	v25 =	vld.idx.msk [tilespmem:v21+s20+$0x0], $0xffff  }
0x11c: {  	v24 =	vor.u32 $0x320, v24;
	v26 =	vshll.u32 v22, $0x7  }
0x11d: {  	s12 =	simm.s32 $0x1;
	v27 =	vor.u32 v14, v26  }
0x11e: {  	v22 =	vmov s12;
	v29 =	vor.u32 v2, v26  }
0x11f: {  	v23 =	vor.u32 $0x1A00, v22;
	v21 =	vor.u32 $0x1A10, v22;
	v30 =	vor.u32 v10, v26  }
0x120: {  	v33 =	vor.u32 v8, v26;
	v28 =	vshll.u32 v25, $0x8;
	v25 =	vshll.u32 v25, $0x7  }
0x121: {  	v24 =	vld.idx.msk [tilespmem:v24+s13+$0x0], $0xffff;
	v35 =	vor.u32 v12, v26;
	v28 =	vand.u32 $0xFFFFF800, v28;
	v25 =	vand.u32 $0x380, v25  }
0x122: {  	v39 =	vor.u32 v18, v26;
	v37 =	vor.u32 v16, v26;
	v25 =	vor.u32 v25, v28;
	v28 =	vld.idx.msk [tilespmem:v27+s17+$0x0], $0xffff  }
0x123: {  	v40 =	vor.u32 v6, v26;
	v47 =	vld.idx.msk [tilespmem:v29+s17+$0x0], $0xffff;
	v42 =	vor.u32 v14, v25;
	v36 =	vor.u32 v8, v25  }
0x124: {  	v32 =	vld.idx.msk [tilespmem:v30+s17+$0x0], $0xffff;
	v34 =	vor.u32 v12, v25;
	v27 =	vor.u32 v18, v25;
	v31 =	vor.u32 v6, v25  }
0x125: {  	v44 =	vld.idx.msk [tilespmem:v33+s17+$0x0], $0xffff;
	v26 =	vor.u32 v10, v25;
	v38 =	vor.u32 v9, v25;
	v29 =	vor.u32 v19, v25  }
0x126: {  	v43 =	vld.idx.msk [tilespmem:v35+s17+$0x0], $0xffff;
	v46 =	vor.u32 v2, v25;
	v45 =	vor.u32 v5, v25;
	v33 =	vor.u32 v7, v25  }
0x127: {  	v41 =	vld.idx.msk [tilespmem:v37+s17+$0x0], $0xffff;
	v30 =	vor.u32 v11, v25;
	v37 =	vor.u32 v16, v25;
	v62 =	vunpack.i.l.bf16.f32 v28  }
0x128: {  	v40 =	vld.idx.msk [tilespmem:v40+s17+$0x0], $0xffff;
	v50 =	vunpack.i.u.bf16.f32 v47;
	v47 =	vunpack.i.l.bf16.f32 v47;
	v49 =	vmul.f32 v62, v24  }
0x129: {  	s7 =	simm.s32 $0x2;
	v39 =	vld.idx.msk [tilespmem:v39+s17+$0x0], $0xffff;
	v35 =	vunpack.i.l.bf16.f32 v32;
	v48 =	vmul.f32 v47, v24;
	v47 =	vmul.f32 v50, v24  }
.LBB2_27:
0x12a: {  	p3 =	sne.s32 s7, $0xF;
	v50 =	vunpack.i.l.bf16.f32 v44;
	v51 =	vor.u32 v13, v25;
	[tilespmem:v42+s3+$0x0] =	vst.idx.add.f32.msk $0xffff, v49;
	v42 =	vor.u32 v17, v25;
	s12 =	smov.u32 s7;
	s7 =	sadd.s32 $0x1, s7  }
0x12b: {  	v44 =	vunpack.i.u.bf16.f32 v44;
	[tilespmem:v46+s3+$0x0] =	vst.idx.add.f32.msk $0xffff, v48;
	v46 =	vmul.f32 v50, v24;
	v48 =	vunpack.i.l.bf16.f32 v43  }
0x12c: {  	v44 =	vmul.f32 v44, v24;
	v43 =	vunpack.i.u.bf16.f32 v43;
	[tilespmem:v45+s3+$0x0] =	vst.idx.add.f32.msk $0xffff, v47;
	v45 =	vmul.f32 v48, v24  }
0x12d: {  	v47 =	vunpack.i.u.bf16.f32 v40;
	[tilespmem:v36+s3+$0x0] =	vst.idx.add.f32.msk $0xffff, v46;
	v36 =	vunpack.i.u.bf16.f32 v41;
	v41 =	vunpack.i.l.bf16.f32 v41  }
0x12e: {  	v40 =	vunpack.i.l.bf16.f32 v40;
	[tilespmem:v38+s3+$0x0] =	vst.idx.add.f32.msk $0xffff, v44;
	v38 =	vmul.f32 v43, v24;
	v41 =	vmul.f32 v41, v24  }
0x12f: {  	v32 =	vunpack.i.u.bf16.f32 v32;
	v40 =	vmul.f32 v40, v24;
	v43 =	vmul.f32 v47, v24;
	[tilespmem:v34+s3+$0x0] =	vst.idx.add.f32.msk $0xffff, v45  }
0x130: {  	v34 =	vmul.f32 v36, v24;
	v36 =	vunpack.i.u.bf16.f32 v39;
	[tilespmem:v51+s3+$0x0] =	vst.idx.add.f32.msk $0xffff, v38;
	v38 =	vunpack.i.l.bf16.f32 v39  }
0x131: {  	v28 =	vunpack.i.u.bf16.f32 v28;
	v36 =	vmul.f32 v36, v24;
	[tilespmem:v37+s3+$0x0] =	vst.idx.add.f32.msk $0xffff, v41;
	v37 =	vmul.f32 v38, v24  }
0x132: {  	v28 =	vmul.f32 v28, v24;
	[tilespmem:v42+s3+$0x0] =	vst.idx.add.f32.msk $0xffff, v34  }
0x133: {  	v25 =	vor.u32 v15, v25;
	v34 =	vmov s12;
	[tilespmem:v31+s3+$0x0] =	vst.idx.add.f32.msk $0xffff, v40  }
0x134: {  	v31 =	vor.u32 $0x1A00, v34;
	v38 =	vor.u32 $0x1A10, v34;
	[tilespmem:v33+s3+$0x0] =	vst.idx.add.f32.msk $0xffff, v43  }
0x135: {  	v33 =	vmul.f32 v35, v24;
	[tilespmem:v27+s3+$0x0] =	vst.idx.add.f32.msk $0xffff, v37  }
0x136: {  	v24 =	vmul.f32 v32, v24;
	[tilespmem:v29+s3+$0x0] =	vst.idx.add.f32.msk $0xffff, v36  }
0x137: {  	[tilespmem:v26+s3+$0x0] =	vst.idx.add.f32.msk $0xffff, v33  }
0x138: {  	[tilespmem:v30+s3+$0x0] =	vst.idx.add.f32.msk $0xffff, v24  }
0x139: {  	[tilespmem:v25+s3+$0x0] =	vst.idx.add.f32.msk $0xffff, v28  }
0x13a: {  	v24 =	vld.idx.msk [tilespmem:v23+s20+$0x0], $0xffff;
	v23 =	vmov v31;
	_ =	sdelay $0x3  }
0x13b: {  	v25 =	vld.idx.msk [tilespmem:v21+s20+$0x0], $0xffff;
	v21 =	vmov v38;
	_ =	sdelay $0x1  }
0x13c: {  	v26 =	vor.u32 $0x320, v22;
	v22 =	vmov v34;
	v24 =	vshll.u32 v24, $0x7  }
0x13d: {  	v27 =	vor.u32 v10, v24;
	v28 =	vor.u32 v14, v24;
	v35 =	vor.u32 v18, v24  }
0x13e: {  	v29 =	vor.u32 v2, v24;
	v30 =	vor.u32 v6, v24;
	v33 =	vor.u32 v12, v24  }
0x13f: {  	v37 =	vor.u32 v16, v24  }
0x140: {  	v38 =	vor.u32 v8, v24;
	v31 =	vshll.u32 v25, $0x8;
	v25 =	vshll.u32 v25, $0x7  }
0x141: {  	v25 =	vand.u32 $0x380, v25;
	v24 =	vld.idx.msk [tilespmem:v26+s13+$0x0], $0xffff;
	v26 =	vand.u32 $0xFFFFF800, v31  }
0x142: {  	v25 =	vor.u32 v25, v26;
	v28 =	vld.idx.msk [tilespmem:v28+s17+$0x0], $0xffff  }
0x143: {  	v39 =	vld.idx.msk [tilespmem:v29+s17+$0x0], $0xffff;
	v42 =	vor.u32 v14, v25  }
0x144: {  	v36 =	vor.u32 v8, v25;
	v34 =	vor.u32 v12, v25;
	v32 =	vld.idx.msk [tilespmem:v27+s17+$0x0], $0xffff;
	v27 =	vor.u32 v18, v25  }
0x145: {  	v31 =	vor.u32 v6, v25;
	v26 =	vor.u32 v10, v25;
	v44 =	vld.idx.msk [tilespmem:v38+s17+$0x0], $0xffff  }
.Ltmp11:
0x146: {  	v29 =	vor.u32 v19, v25;
	v38 =	vor.u32 v9, v25;
	v43 =	vld.idx.msk [tilespmem:v33+s17+$0x0], $0xffff;
	(pc) =	sbr.rel @p3 .LBB2_27-.Ltmp11, $4  }
0x147: {  	v46 =	vor.u32 v2, v25;
	v45 =	vor.u32 v5, v25;
	v33 =	vor.u32 v7, v25;
	v41 =	vld.idx.msk [tilespmem:v37+s17+$0x0], $0xffff  }
0x148: {  	v47 =	vunpack.i.l.bf16.f32 v28;
	v37 =	vor.u32 v16, v25;
	v40 =	vld.idx.msk [tilespmem:v30+s17+$0x0], $0xffff;
	v30 =	vor.u32 v11, v25  }
0x149: {  	v50 =	vunpack.i.u.bf16.f32 v39;
	v48 =	vunpack.i.l.bf16.f32 v39;
	v49 =	vmul.f32 v47, v24;
	v39 =	vld.idx.msk [tilespmem:v35+s17+$0x0], $0xffff  }
0x14a: {  	v48 =	vmul.f32 v48, v24;
	v47 =	vmul.f32 v50, v24;
	v35 =	vunpack.i.l.bf16.f32 v32  }
0x14b: {  	_ =	sdelay $0x3  }
0x14c: {  	v50 =	vunpack.i.l.bf16.f32 v44;
	[tilespmem:v42+s3+$0x0] =	vst.idx.add.f32.msk $0xffff, v49  }
0x14d: {  	v62 =	vunpack.i.l.bf16.f32 v43;
	v53 =	vunpack.i.u.bf16.f32 v43;
	v43 =	vmul.f32 v35, v24;
	[tilespmem:v46+s3+$0x0] =	vst.idx.add.f32.msk $0xffff, v48  }
0x14e: {  	v61 =	vmul.f32 v50, v24;
	[tilespmem:v45+s3+$0x0] =	vst.idx.add.f32.msk $0xffff, v47  }
0x14f: {  	v59 =	vor.u32 v13, v25;
	v60 =	vunpack.i.u.bf16.f32 v44;
	v54 =	vmul.f32 v62, v24;
	[tilespmem:v26+s3+$0x0] =	vst.idx.add.f32.msk $0xffff, v43  }
0x150: {  	v32 =	vunpack.i.u.bf16.f32 v32;
	v44 =	vmul.f32 v60, v24;
	[tilespmem:v36+s3+$0x0] =	vst.idx.add.f32.msk $0xffff, v61  }
0x151: {  	v45 =	vmul.f32 v32, v24;
	[tilespmem:v34+s3+$0x0] =	vst.idx.add.f32.msk $0xffff, v54  }
0x152: {  	v55 =	vunpack.i.l.bf16.f32 v41;
	v56 =	vmul.f32 v53, v24;
	[tilespmem:v38+s3+$0x0] =	vst.idx.add.f32.msk $0xffff, v44  }
0x153: {  	v52 =	vor.u32 v17, v25;
	v58 =	vunpack.i.l.bf16.f32 v40;
	v36 =	vmul.f32 v55, v24;
	[tilespmem:v30+s3+$0x0] =	vst.idx.add.f32.msk $0xffff, v45  }
0x154: {  	v60 =	vunpack.i.u.bf16.f32 v40;
	v34 =	vmul.f32 v58, v24;
	[tilespmem:v59+s3+$0x0] =	vst.idx.add.f32.msk $0xffff, v56  }
0x155: {  	v42 =	vor.u32 v15, v25;
	v57 =	vunpack.i.u.bf16.f32 v41;
	v61 =	vmul.f32 v60, v24;
	[tilespmem:v37+s3+$0x0] =	vst.idx.add.f32.msk $0xffff, v36  }
0x156: {  	v62 =	vunpack.i.l.bf16.f32 v39;
	v59 =	vmul.f32 v57, v24;
	[tilespmem:v31+s3+$0x0] =	vst.idx.add.f32.msk $0xffff, v34  }
0x157: {  	v44 =	vunpack.i.u.bf16.f32 v28;
	v37 =	vmul.f32 v62, v24;
	[tilespmem:v33+s3+$0x0] =	vst.idx.add.f32.msk $0xffff, v61  }
0x158: {  	v40 =	vunpack.i.u.bf16.f32 v39;
	v46 =	vmul.f32 v44, v24;
	[tilespmem:v52+s3+$0x0] =	vst.idx.add.f32.msk $0xffff, v59  }
0x159: {  	v41 =	vmul.f32 v40, v24;
	[tilespmem:v27+s3+$0x0] =	vst.idx.add.f32.msk $0xffff, v37  }
0x15a: {  	[tilespmem:v42+s3+$0x0] =	vst.idx.add.f32.msk $0xffff, v46  }
0x15b: {  	[tilespmem:v29+s3+$0x0] =	vst.idx.add.f32.msk $0xffff, v41  }
0x15c: {  	v23 =	vld.idx.msk [tilespmem:v23+s20+$0x0], $0xffff;
	_ =	sdelay $0x4  }
0x15d: {  	v22 =	vor.u32 $0x320, v22;
	v21 =	vld.idx.msk [tilespmem:v21+s20+$0x0], $0xffff;
	v23 =	vshll.u32 v23, $0x7  }
0x15e: {  	v47 =	vor.u32 v14, v23  }
0x15f: {  	v48 =	vor.u32 v2, v23  }
0x160: {  	v50 =	vor.u32 v8, v23  }
0x161: {  	v51 =	vor.u32 v12, v23  }
0x162: {  	v22 =	vld.idx.msk [tilespmem:v22+s13+$0x0], $0xffff;
	v53 =	vshll.u32 v21, $0x8;
	v21 =	vshll.u32 v21, $0x7;
	v52 =	vor.u32 v16, v23  }
0x163: {  	v49 =	vor.u32 v10, v23;
	v30 =	vand.u32 $0xFFFFF800, v53;
	v21 =	vand.u32 $0x380, v21;
	v24 =	vld.idx.msk [tilespmem:v47+s17+$0x0], $0xffff  }
0x164: {  	v54 =	vor.u32 v6, v23;
	v21 =	vor.u32 v21, v30;
	v25 =	vld.idx.msk [tilespmem:v48+s17+$0x0], $0xffff  }
0x165: {  	v23 =	vor.u32 v18, v23;
	v30 =	vor.u32 v14, v21;
	v27 =	vld.idx.msk [tilespmem:v50+s17+$0x0], $0xffff  }
0x166: {  	v55 =	vor.u32 v2, v21;
	v56 =	vor.u32 v5, v21;
	v58 =	vor.u32 v8, v21;
	v28 =	vld.idx.msk [tilespmem:v51+s17+$0x0], $0xffff  }
0x167: {  	v60 =	vor.u32 v9, v21;
	v61 =	vor.u32 v12, v21;
	v40 =	vor.u32 v13, v21;
	v29 =	vld.idx.msk [tilespmem:v52+s17+$0x0], $0xffff  }
0x168: {  	v42 =	vor.u32 v16, v21;
	v45 =	vor.u32 v17, v21;
	v26 =	vld.idx.msk [tilespmem:v49+s17+$0x0], $0xffff;
	v57 =	vunpack.i.l.bf16.f32 v24  }
0x169: {  	v31 =	vld.idx.msk [tilespmem:v54+s17+$0x0], $0xffff;
	v47 =	vor.u32 v6, v21;
	v59 =	vunpack.i.l.bf16.f32 v25;
	v34 =	vmul.f32 v57, v22  }
0x16a: {  	v23 =	vld.idx.msk [tilespmem:v23+s17+$0x0], $0xffff;
	v50 =	vor.u32 v7, v21;
	v62 =	vunpack.i.l.bf16.f32 v27;
	v36 =	vmul.f32 v59, v22  }
0x16b: {  	v51 =	vor.u32 v18, v21;
	v43 =	vunpack.i.l.bf16.f32 v28;
	v41 =	vmul.f32 v62, v22;
	[tilespmem:v30+s3+$0x0] =	vst.idx.add.f32.msk $0xffff, v34  }
0x16c: {  	v54 =	vor.u32 v19, v21;
	v48 =	vunpack.i.l.bf16.f32 v29;
	v46 =	vmul.f32 v43, v22;
	[tilespmem:v55+s3+$0x0] =	vst.idx.add.f32.msk $0xffff, v36  }
0x16d: {  	v25 =	vunpack.i.u.bf16.f32 v25;
	v27 =	vunpack.i.u.bf16.f32 v27;
	v35 =	vmul.f32 v48, v22;
	[tilespmem:v58+s3+$0x0] =	vst.idx.add.f32.msk $0xffff, v41  }
0x16e: {  	v28 =	vunpack.i.u.bf16.f32 v28;
	v29 =	vunpack.i.u.bf16.f32 v29;
	v25 =	vmul.f32 v25, v22;
	[tilespmem:v61+s3+$0x0] =	vst.idx.add.f32.msk $0xffff, v46  }
0x16f: {  	v52 =	vunpack.i.l.bf16.f32 v31;
	v44 =	vmul.f32 v27, v22;
	v49 =	vmul.f32 v28, v22;
	[tilespmem:v42+s3+$0x0] =	vst.idx.add.f32.msk $0xffff, v35  }
0x170: {  	v24 =	vunpack.i.u.bf16.f32 v24;
	v53 =	vmul.f32 v29, v22;
	v57 =	vor.u32 v10, v21;
	[tilespmem:v56+s3+$0x0] =	vst.idx.add.f32.msk $0xffff, v25  }
0x171: {  	v59 =	vor.u32 v11, v21;
	v21 =	vor.u32 v15, v21;
	v55 =	vunpack.i.u.bf16.f32 v31;
	[tilespmem:v60+s3+$0x0] =	vst.idx.add.f32.msk $0xffff, v44  }
0x172: {  	v58 =	vunpack.i.l.bf16.f32 v23;
	v23 =	vunpack.i.u.bf16.f32 v23;
	[tilespmem:v40+s3+$0x0] =	vst.idx.add.f32.msk $0xffff, v49;
	v56 =	vmul.f32 v52, v22  }
0x173: {  	v61 =	vunpack.i.l.bf16.f32 v26;
	v30 =	vmul.f32 v55, v22;
	[tilespmem:v45+s3+$0x0] =	vst.idx.add.f32.msk $0xffff, v53;
	v60 =	vmul.f32 v58, v22  }
0x174: {  	s0 =	sadd.s32 $0x1, s0;
	v26 =	vunpack.i.u.bf16.f32 v26;
	v23 =	vmul.f32 v23, v22;
	v62 =	vmul.f32 v61, v22;
	[tilespmem:v47+s3+$0x0] =	vst.idx.add.f32.msk $0xffff, v56  }
0x175: {  	p3 =	sne.s32 s0, s30;
	v26 =	vmul.f32 v26, v22;
	v22 =	vmul.f32 v24, v22;
	[tilespmem:v51+s3+$0x0] =	vst.idx.add.f32.msk $0xffff, v60  }
.Ltmp12:
0x176: {  	[tilespmem:v57+s3+$0x0] =	vst.idx.add.f32.msk $0xffff, v62;
	(pc) =	sbr.rel @p3 .LBB2_26-.Ltmp12, $4  }
0x177: {  	[tilespmem:v21+s3+$0x0] =	vst.idx.add.f32.msk $0xffff, v22  }
0x178: {  	[tilespmem:v50+s3+$0x0] =	vst.idx.add.f32.msk $0xffff, v30  }
0x179: {  	[tilespmem:v54+s3+$0x0] =	vst.idx.add.f32.msk $0xffff, v23  }
0x17a: {  	[tilespmem:v59+s3+$0x0] =	vst.idx.add.f32.msk $0xffff, v26  }
.LBB2_29:
0x17b: {  	s30 =	sshll.u32 s29, $0xC;
	p3 =	seq.s32 s29, $0x27  }
0x17c: {  	s0 =	sadd.s32 @!p3 s30, s9;
	s1 =	simm.s32 @!p3 $0x0;
	s7 =	simm.s32 @!p3 $0x17C80  }
0x17d: {  	[tilespmem:s7], [sflag:$0x1] =	stream.linear.gather @!p3 [hbm4b:s0+s1], $0x4000, $0x38;
	v63 =	vld [tilespmem:$0x0]  }
0x17e: {  	s0 =	sor.u32 $0x80, s31;
	_ =	swait.ge [sflag:s21], $0x4000  }
0x17f: {  	s1 =	simm.s32 $0x0;
	s12 =	sshrl.u32 s0, $0x3;
	[sflag:s21] =	ssyncset.done $0x0  }
.Ltmp13:
0x180: {  	s31 =	sadd.s32 s4, s12;
	[sflag:s21] =	ssyncadd.s32 $0xFFFFC000;
	(pc) =	sbr.rel @p1 .LBB2_36-.Ltmp13, $4  }
0x181: {  	[tilespmem:s19], [sflag:$0x4] =	stream.linear.gather [hbm4b:s31+s1], $0x80, $0x38;
	v63 =	vld [tilespmem:$0x0]  }
0x182: {  	_ =	swait.ge [sflag:s14], $0x80  }
0x183: {  	[sflag:s14] =	ssyncset.done $0x0  }
0x184: {  	v20 =	vmov s0;
	[sflag:s14] =	ssyncadd.s32 $0xFFFFFF80  }
.Ltmp14:
0x185: {  	(pc) =	sbr.rel @!p2 .LBB2_31-.Ltmp14, $3  }
0x186: {  	_ =	sdelay $0x1  }
0x187: {  	s7 =	simm.s32 $0x14800  }
0x188: {  	s1 =	simm.s32 $0x0;
	p4 =	por $0x0, $0x0;
	v21 =	vld [tilespmem:s7+$0x0];
	s7 =	sadd.s32 $0xFFFFFFFF, s28  }
0x189: {  	_ =	sdelay $0x3  }
0x18a: {  	v22 =	vshrl.u32 v21, $0x9  }
0x18b: {  	v22 =	vsub.s32 v22, v20  }
0x18c: {  	vm0 =	vlt.u32 v22, $0x80  }
0x18d: {  	v22 =	vsel vm0, $0x1, v3  }
0x18e: {  	(xrf0) =	vadd.scan.msk.s32 $0xffff, v22;
	_ =	sdelay $0x2  }
0x18f: {  	p2 =	sne.s32 s7, $0x1  }
.Ltmp15:
0x190: {  	_ = 	snop;
	(pc) =	sbr.rel @!p2 .LBB2_33-.Ltmp15, $4  }
0x191: {  	_ = 	snop  }
0x192: {  	v22, _, _ =	vpop (xrf0)  }
0x193: {  	s31 =	simm.s32 $0x14810;
	[tilespmem:s1+$0x16200] =	vst.msk vm0, v21;
	(v2sf) =	vpush v22, $0xF  }
0x194: {  	s12 =	sadd.s32 $0xFFFFFFFF, s7;
	p4 =	por $0x1, $0x1;
	s7 =	simm.s32 $0x0;
	v21 =	vld [tilespmem:s31+$0x0]  }
.LBB2_34:
0x195: {  	p2 =	sne.s32 s12, $0x1;
	_ =	sdelay $0x3  }
0x196: {  	v22 =	vshrl.u32 v21, $0x9  }
0x197: {  	v22 =	vsub.s32 v22, v20  }
0x198: {  	vm0 =	vlt.u32 v22, $0x80  }
0x199: {  	v22 =	vsel vm0, $0x1, v3  }
0x19a: {  	(xrf0) =	vadd.scan.msk.s32 $0xffff, v22;
	_ =	sdelay $0x3  }
.Ltmp16:
0x19b: {  	(pc) =	sbr.rel @p2 .LBB2_34-.Ltmp16, $4  }
0x19c: {  	s11 =	spop (v2sf)  }
0x19d: {  	v22, _, _ =	vpop (xrf0);
	s7 =	sadd.s32 s7, s11  }
0x19e: {  	s31 =	sadd.s32 $0x10, s31;
	[tilespmem:s7+$0x16200] =	vst.msk vm0, v21;
	(v2sf) =	vpush v22, $0xF  }
0x19f: {  	s12 =	sadd.s32 $0xFFFFFFFF, s12;
	v21 =	vld [tilespmem:s31+$0x0]  }
.LBB2_35:
0x1a0: {  	_ =	sdelay $0x3  }
0x1a1: {  	v22 =	vshrl.u32 v21, $0x9  }
0x1a2: {  	v22 =	vsub.s32 v22, v20  }
0x1a3: {  	vm0 =	vlt.u32 v22, $0x80  }
0x1a4: {  	v22 =	vsel vm0, $0x1, v3  }
0x1a5: {  	(xrf0) =	vadd.scan.msk.s32 $0xffff, v22;
	_ =	sdelay $0x5  }
0x1a6: {  	v22, _, _ =	vpop (xrf0)  }
0x1a7: {  	(v2sf) =	vpush v22, $0xF;
	_ =	sdelay $0xc  }
0x1a8: {  	s11 =	spop @p4 (v2sf)  }
0x1a9: {  	s7 =	sadd.s32 @p4 s7, s11  }
0x1aa: {  	s1 =	smov.u32 @p4 s7;
	s31 =	spop (v2sf)  }
0x1ab: {  	[tilespmem:s1+$0x16200] =	vst.msk vm0, v21;
	s1 =	sadd.s32 s1, s31  }
.LBB2_36:
0x1ac: {  	s7 =	sadd.s32 $0xF, s1  }
0x1ad: {  	s11 =	sand.u32 $0xF, s7  }
0x1ae: {  	s12 =	sshra.s32 s7, $0x1F;
	p4 =	slt.s32 s7, $0x1;
	p2 =	sne.s32 s11, $0x0  }
0x1af: {  	s11 =	sshrl.u32 s12, $0x1C;
	p2 =	por !p4, !p2  }
0x1b0: {  	s7 =	sadd.s32 s11, s7;
	s11 =	simm.s32 $0x1;
	p2 =	por !p2, !p2  }
0x1b1: {  	s7 =	sshra.s32 s7, $0x4;
	s11 =	simm.s32 @!p2 $0x0  }
0x1b2: {  	s31 =	ssub.s32 s7, s11  }
0x1b3: {  	p2 =	slt.s32 s31, $0x1  }
.Ltmp17:
0x1b4: {  	_ = 	snop;
	(pc) =	sbr.rel @p2 .LBB2_41-.Ltmp17, $4  }
0x1b5: {  	s0 =	sshll.u32 s0, $0x9  }
0x1b6: {  	s0 =	sor.u32 $0x140, s0  }
0x1b7: {  	v21 =	vmov s0  }
0x1b8: {  	[tilespmem:s1+$0x16200] =	vst v21  }
0x1b9: {  	s1 =	simm.s32 $0x0;
	s0 =	simm.s32 $0x0  }
.LBB2_38:
0x1ba: {  	s7 =	sshll.u32 s0, $0x6  }
0x1bb: {  	s7 =	sshra.s32 s7, $0x2  }
0x1bc: {  	v21 =	vld [tilespmem:s7+$0x16200];
	_ =	sdelay $0x4  }
0x1bd: {  	v22 =	vshrl.u32 v21, $0x9  }
0x1be: {  	v21 =	vand.u32 $0x1FF, v21;
	v22 =	vsub.s32 v22, v20  }
0x1bf: {  	v23 =	vadd.s32 $0x2A0, v22;
	_ =	sdelay $0x3  }
0x1c0: {  	v24 =	vld.idx.msk [tilespmem:v21+s13+$0x0], $0xffff  }
0x1c1: {  	v23 =	vld.idx.msk [tilespmem:v23+s13+$0x0], $0xffff;
	_ =	sdelay $0x4  }
0x1c2: {  	v23 =	vadd.f32 v24, v23;
	_ =	sdelay $0x1  }
0x1c3: {  	v24 =	vmul.f32 $2.000000030e-01, v23  }
0x1c4: {  	vm0 =	vge.f32 v23, $0.0e+00  }
0x1c5: {  	v23 =	vsel vm0, v23, v24  }
0x1c6: {  	v23 =	vmul.f32 $1.442695020e+00, v23;
	_ =	sdelay $0x1  }
0x1c7: {  	(erf) = vpow2.f32 v23;
	_ =	sdelay $0x5  }
0x1c8: {  	v23 =	vadd.s32 $0x150, v21;
	_ =	sdelay $0x1  }
0x1c9: {  	v24 =	vmov s1  }
0x1ca: {  	v26 =	vor.u32 $0x1A00, v24;
	v25 =	vpop (erf)  }
0x1cb: {  	[tilespmem:$0x1FFA0] =	vst v25  }
0x1cc: {  	[tilespmem:v23+s13+$0x0] =	vst.idx.add.f32.msk $0xffff, v25  }
0x1cd: {  	[tilespmem:$0x17C00] =	vst v22  }
0x1ce: {  	[tilespmem:$0x17C10] =	vst v21;
	v21 =	vor.u32 $0x1A10, v24  }
0x1cf: {  	v22 =	vld.idx.msk [tilespmem:v26+s20+$0x0], $0xffff;
	_ =	sdelay $0x3  }
0x1d0: {  	v25 =	vld.idx.msk [tilespmem:v21+s20+$0x0], $0xffff  }
0x1d1: {  	v24 =	vor.u32 $0x320, v24;
	v26 =	vshll.u32 v22, $0x7  }
0x1d2: {  	s12 =	simm.s32 $0x1;
	v27 =	vor.u32 v14, v26  }
0x1d3: {  	v22 =	vmov s12;
	v29 =	vor.u32 v2, v26  }
0x1d4: {  	v23 =	vor.u32 $0x1A00, v22;
	v21 =	vor.u32 $0x1A10, v22;
	v30 =	vor.u32 v10, v26  }
0x1d5: {  	v33 =	vor.u32 v8, v26;
	v28 =	vshll.u32 v25, $0x8;
	v25 =	vshll.u32 v25, $0x7  }
0x1d6: {  	v24 =	vld.idx.msk [tilespmem:v24+s13+$0x0], $0xffff;
	v35 =	vor.u32 v12, v26;
	v28 =	vand.u32 $0xFFFFF800, v28;
	v25 =	vand.u32 $0x380, v25  }
0x1d7: {  	v39 =	vor.u32 v18, v26;
	v37 =	vor.u32 v16, v26;
	v25 =	vor.u32 v25, v28;
	v28 =	vld.idx.msk [tilespmem:v27+s18+$0x0], $0xffff  }
0x1d8: {  	v40 =	vor.u32 v6, v26;
	v47 =	vld.idx.msk [tilespmem:v29+s18+$0x0], $0xffff;
	v42 =	vor.u32 v14, v25;
	v36 =	vor.u32 v8, v25  }
0x1d9: {  	v32 =	vld.idx.msk [tilespmem:v30+s18+$0x0], $0xffff;
	v34 =	vor.u32 v12, v25;
	v27 =	vor.u32 v18, v25;
	v31 =	vor.u32 v6, v25  }
0x1da: {  	v44 =	vld.idx.msk [tilespmem:v33+s18+$0x0], $0xffff;
	v26 =	vor.u32 v10, v25;
	v38 =	vor.u32 v9, v25;
	v29 =	vor.u32 v19, v25  }
0x1db: {  	v43 =	vld.idx.msk [tilespmem:v35+s18+$0x0], $0xffff;
	v46 =	vor.u32 v2, v25;
	v45 =	vor.u32 v5, v25;
	v33 =	vor.u32 v7, v25  }
0x1dc: {  	v41 =	vld.idx.msk [tilespmem:v37+s18+$0x0], $0xffff;
	v30 =	vor.u32 v11, v25;
	v37 =	vor.u32 v16, v25;
	v62 =	vunpack.i.l.bf16.f32 v28  }
0x1dd: {  	v40 =	vld.idx.msk [tilespmem:v40+s18+$0x0], $0xffff;
	v50 =	vunpack.i.u.bf16.f32 v47;
	v47 =	vunpack.i.l.bf16.f32 v47;
	v49 =	vmul.f32 v62, v24  }
0x1de: {  	s7 =	simm.s32 $0x2;
	v39 =	vld.idx.msk [tilespmem:v39+s18+$0x0], $0xffff;
	v35 =	vunpack.i.l.bf16.f32 v32;
	v48 =	vmul.f32 v47, v24;
	v47 =	vmul.f32 v50, v24  }
.LBB2_39:
0x1df: {  	p2 =	sne.s32 s7, $0xF;
	v50 =	vunpack.i.l.bf16.f32 v44;
	v51 =	vor.u32 v13, v25;
	[tilespmem:v42+s3+$0x0] =	vst.idx.add.f32.msk $0xffff, v49;
	v42 =	vor.u32 v17, v25;
	s11 =	smov.u32 s7;
	s7 =	sadd.s32 $0x1, s7  }
0x1e0: {  	v44 =	vunpack.i.u.bf16.f32 v44;
	[tilespmem:v46+s3+$0x0] =	vst.idx.add.f32.msk $0xffff, v48;
	v46 =	vmul.f32 v50, v24;
	v48 =	vunpack.i.l.bf16.f32 v43  }
0x1e1: {  	v44 =	vmul.f32 v44, v24;
	v43 =	vunpack.i.u.bf16.f32 v43;
	[tilespmem:v45+s3+$0x0] =	vst.idx.add.f32.msk $0xffff, v47;
	v45 =	vmul.f32 v48, v24  }
0x1e2: {  	v47 =	vunpack.i.u.bf16.f32 v40;
	[tilespmem:v36+s3+$0x0] =	vst.idx.add.f32.msk $0xffff, v46;
	v36 =	vunpack.i.u.bf16.f32 v41;
	v41 =	vunpack.i.l.bf16.f32 v41  }
0x1e3: {  	v40 =	vunpack.i.l.bf16.f32 v40;
	[tilespmem:v38+s3+$0x0] =	vst.idx.add.f32.msk $0xffff, v44;
	v38 =	vmul.f32 v43, v24;
	v41 =	vmul.f32 v41, v24  }
0x1e4: {  	v32 =	vunpack.i.u.bf16.f32 v32;
	v40 =	vmul.f32 v40, v24;
	v43 =	vmul.f32 v47, v24;
	[tilespmem:v34+s3+$0x0] =	vst.idx.add.f32.msk $0xffff, v45  }
0x1e5: {  	v34 =	vmul.f32 v36, v24;
	v36 =	vunpack.i.u.bf16.f32 v39;
	[tilespmem:v51+s3+$0x0] =	vst.idx.add.f32.msk $0xffff, v38;
	v38 =	vunpack.i.l.bf16.f32 v39  }
0x1e6: {  	v28 =	vunpack.i.u.bf16.f32 v28;
	v36 =	vmul.f32 v36, v24;
	[tilespmem:v37+s3+$0x0] =	vst.idx.add.f32.msk $0xffff, v41;
	v37 =	vmul.f32 v38, v24  }
0x1e7: {  	v28 =	vmul.f32 v28, v24;
	[tilespmem:v42+s3+$0x0] =	vst.idx.add.f32.msk $0xffff, v34  }
0x1e8: {  	v25 =	vor.u32 v15, v25;
	v34 =	vmov s11;
	[tilespmem:v31+s3+$0x0] =	vst.idx.add.f32.msk $0xffff, v40  }
0x1e9: {  	v31 =	vor.u32 $0x1A00, v34;
	v38 =	vor.u32 $0x1A10, v34;
	[tilespmem:v33+s3+$0x0] =	vst.idx.add.f32.msk $0xffff, v43  }
0x1ea: {  	v33 =	vmul.f32 v35, v24;
	[tilespmem:v27+s3+$0x0] =	vst.idx.add.f32.msk $0xffff, v37  }
0x1eb: {  	v24 =	vmul.f32 v32, v24;
	[tilespmem:v29+s3+$0x0] =	vst.idx.add.f32.msk $0xffff, v36  }
0x1ec: {  	[tilespmem:v26+s3+$0x0] =	vst.idx.add.f32.msk $0xffff, v33  }
0x1ed: {  	[tilespmem:v30+s3+$0x0] =	vst.idx.add.f32.msk $0xffff, v24  }
0x1ee: {  	[tilespmem:v25+s3+$0x0] =	vst.idx.add.f32.msk $0xffff, v28  }
0x1ef: {  	v24 =	vld.idx.msk [tilespmem:v23+s20+$0x0], $0xffff;
	v23 =	vmov v31;
	_ =	sdelay $0x3  }
0x1f0: {  	v25 =	vld.idx.msk [tilespmem:v21+s20+$0x0], $0xffff;
	v21 =	vmov v38;
	_ =	sdelay $0x1  }
0x1f1: {  	v26 =	vor.u32 $0x320, v22;
	v22 =	vmov v34;
	v24 =	vshll.u32 v24, $0x7  }
0x1f2: {  	v27 =	vor.u32 v10, v24;
	v28 =	vor.u32 v14, v24;
	v35 =	vor.u32 v18, v24  }
0x1f3: {  	v29 =	vor.u32 v2, v24;
	v30 =	vor.u32 v6, v24;
	v33 =	vor.u32 v12, v24  }
0x1f4: {  	v37 =	vor.u32 v16, v24  }
0x1f5: {  	v38 =	vor.u32 v8, v24;
	v31 =	vshll.u32 v25, $0x8;
	v25 =	vshll.u32 v25, $0x7  }
0x1f6: {  	v25 =	vand.u32 $0x380, v25;
	v24 =	vld.idx.msk [tilespmem:v26+s13+$0x0], $0xffff;
	v26 =	vand.u32 $0xFFFFF800, v31  }
0x1f7: {  	v25 =	vor.u32 v25, v26;
	v28 =	vld.idx.msk [tilespmem:v28+s18+$0x0], $0xffff  }
0x1f8: {  	v39 =	vld.idx.msk [tilespmem:v29+s18+$0x0], $0xffff;
	v42 =	vor.u32 v14, v25  }
0x1f9: {  	v36 =	vor.u32 v8, v25;
	v34 =	vor.u32 v12, v25;
	v32 =	vld.idx.msk [tilespmem:v27+s18+$0x0], $0xffff;
	v27 =	vor.u32 v18, v25  }
0x1fa: {  	v31 =	vor.u32 v6, v25;
	v26 =	vor.u32 v10, v25;
	v44 =	vld.idx.msk [tilespmem:v38+s18+$0x0], $0xffff  }
.Ltmp18:
0x1fb: {  	v29 =	vor.u32 v19, v25;
	v38 =	vor.u32 v9, v25;
	v43 =	vld.idx.msk [tilespmem:v33+s18+$0x0], $0xffff;
	(pc) =	sbr.rel @p2 .LBB2_39-.Ltmp18, $4  }
0x1fc: {  	v46 =	vor.u32 v2, v25;
	v45 =	vor.u32 v5, v25;
	v33 =	vor.u32 v7, v25;
	v41 =	vld.idx.msk [tilespmem:v37+s18+$0x0], $0xffff  }
0x1fd: {  	v47 =	vunpack.i.l.bf16.f32 v28;
	v37 =	vor.u32 v16, v25;
	v40 =	vld.idx.msk [tilespmem:v30+s18+$0x0], $0xffff;
	v30 =	vor.u32 v11, v25  }
0x1fe: {  	v50 =	vunpack.i.u.bf16.f32 v39;
	v48 =	vunpack.i.l.bf16.f32 v39;
	v49 =	vmul.f32 v47, v24;
	v39 =	vld.idx.msk [tilespmem:v35+s18+$0x0], $0xffff  }
0x1ff: {  	v48 =	vmul.f32 v48, v24;
	v47 =	vmul.f32 v50, v24;
	v35 =	vunpack.i.l.bf16.f32 v32  }
0x200: {  	_ =	sdelay $0x3  }
0x201: {  	v50 =	vunpack.i.l.bf16.f32 v44;
	[tilespmem:v42+s3+$0x0] =	vst.idx.add.f32.msk $0xffff, v49  }
0x202: {  	v62 =	vunpack.i.l.bf16.f32 v43;
	v53 =	vunpack.i.u.bf16.f32 v43;
	v43 =	vmul.f32 v35, v24;
	[tilespmem:v46+s3+$0x0] =	vst.idx.add.f32.msk $0xffff, v48  }
0x203: {  	v61 =	vmul.f32 v50, v24;
	[tilespmem:v45+s3+$0x0] =	vst.idx.add.f32.msk $0xffff, v47  }
0x204: {  	v59 =	vor.u32 v13, v25;
	v60 =	vunpack.i.u.bf16.f32 v44;
	v54 =	vmul.f32 v62, v24;
	[tilespmem:v26+s3+$0x0] =	vst.idx.add.f32.msk $0xffff, v43  }
0x205: {  	v32 =	vunpack.i.u.bf16.f32 v32;
	v44 =	vmul.f32 v60, v24;
	[tilespmem:v36+s3+$0x0] =	vst.idx.add.f32.msk $0xffff, v61  }
0x206: {  	v45 =	vmul.f32 v32, v24;
	[tilespmem:v34+s3+$0x0] =	vst.idx.add.f32.msk $0xffff, v54  }
0x207: {  	v55 =	vunpack.i.l.bf16.f32 v41;
	v56 =	vmul.f32 v53, v24;
	[tilespmem:v38+s3+$0x0] =	vst.idx.add.f32.msk $0xffff, v44  }
0x208: {  	v52 =	vor.u32 v17, v25;
	v58 =	vunpack.i.l.bf16.f32 v40;
	v36 =	vmul.f32 v55, v24;
	[tilespmem:v30+s3+$0x0] =	vst.idx.add.f32.msk $0xffff, v45  }
0x209: {  	v60 =	vunpack.i.u.bf16.f32 v40;
	v34 =	vmul.f32 v58, v24;
	[tilespmem:v59+s3+$0x0] =	vst.idx.add.f32.msk $0xffff, v56  }
0x20a: {  	v42 =	vor.u32 v15, v25;
	v57 =	vunpack.i.u.bf16.f32 v41;
	v61 =	vmul.f32 v60, v24;
	[tilespmem:v37+s3+$0x0] =	vst.idx.add.f32.msk $0xffff, v36  }
0x20b: {  	v62 =	vunpack.i.l.bf16.f32 v39;
	v59 =	vmul.f32 v57, v24;
	[tilespmem:v31+s3+$0x0] =	vst.idx.add.f32.msk $0xffff, v34  }
0x20c: {  	v44 =	vunpack.i.u.bf16.f32 v28;
	v37 =	vmul.f32 v62, v24;
	[tilespmem:v33+s3+$0x0] =	vst.idx.add.f32.msk $0xffff, v61  }
0x20d: {  	v40 =	vunpack.i.u.bf16.f32 v39;
	v46 =	vmul.f32 v44, v24;
	[tilespmem:v52+s3+$0x0] =	vst.idx.add.f32.msk $0xffff, v59  }
0x20e: {  	v41 =	vmul.f32 v40, v24;
	[tilespmem:v27+s3+$0x0] =	vst.idx.add.f32.msk $0xffff, v37  }
0x20f: {  	[tilespmem:v42+s3+$0x0] =	vst.idx.add.f32.msk $0xffff, v46  }
0x210: {  	[tilespmem:v29+s3+$0x0] =	vst.idx.add.f32.msk $0xffff, v41  }
0x211: {  	v23 =	vld.idx.msk [tilespmem:v23+s20+$0x0], $0xffff;
	_ =	sdelay $0x4  }
0x212: {  	v22 =	vor.u32 $0x320, v22;
	v21 =	vld.idx.msk [tilespmem:v21+s20+$0x0], $0xffff;
	v23 =	vshll.u32 v23, $0x7  }
0x213: {  	v47 =	vor.u32 v14, v23  }
0x214: {  	v48 =	vor.u32 v2, v23  }
0x215: {  	v50 =	vor.u32 v8, v23  }
0x216: {  	v51 =	vor.u32 v12, v23  }
0x217: {  	v22 =	vld.idx.msk [tilespmem:v22+s13+$0x0], $0xffff;
	v53 =	vshll.u32 v21, $0x8;
	v21 =	vshll.u32 v21, $0x7;
	v52 =	vor.u32 v16, v23  }
0x218: {  	v49 =	vor.u32 v10, v23;
	v30 =	vand.u32 $0xFFFFF800, v53;
	v21 =	vand.u32 $0x380, v21;
	v24 =	vld.idx.msk [tilespmem:v47+s18+$0x0], $0xffff  }
0x219: {  	v54 =	vor.u32 v6, v23;
	v21 =	vor.u32 v21, v30;
	v25 =	vld.idx.msk [tilespmem:v48+s18+$0x0], $0xffff  }
0x21a: {  	v23 =	vor.u32 v18, v23;
	v30 =	vor.u32 v14, v21;
	v27 =	vld.idx.msk [tilespmem:v50+s18+$0x0], $0xffff  }
0x21b: {  	v55 =	vor.u32 v2, v21;
	v56 =	vor.u32 v5, v21;
	v58 =	vor.u32 v8, v21;
	v28 =	vld.idx.msk [tilespmem:v51+s18+$0x0], $0xffff  }
0x21c: {  	v60 =	vor.u32 v9, v21;
	v61 =	vor.u32 v12, v21;
	v40 =	vor.u32 v13, v21;
	v29 =	vld.idx.msk [tilespmem:v52+s18+$0x0], $0xffff  }
0x21d: {  	v42 =	vor.u32 v16, v21;
	v45 =	vor.u32 v17, v21;
	v26 =	vld.idx.msk [tilespmem:v49+s18+$0x0], $0xffff;
	v57 =	vunpack.i.l.bf16.f32 v24  }
0x21e: {  	v31 =	vld.idx.msk [tilespmem:v54+s18+$0x0], $0xffff;
	v47 =	vor.u32 v6, v21;
	v59 =	vunpack.i.l.bf16.f32 v25;
	v34 =	vmul.f32 v57, v22  }
0x21f: {  	v23 =	vld.idx.msk [tilespmem:v23+s18+$0x0], $0xffff;
	v50 =	vor.u32 v7, v21;
	v62 =	vunpack.i.l.bf16.f32 v27;
	v36 =	vmul.f32 v59, v22  }
0x220: {  	v51 =	vor.u32 v18, v21;
	v43 =	vunpack.i.l.bf16.f32 v28;
	v41 =	vmul.f32 v62, v22;
	[tilespmem:v30+s3+$0x0] =	vst.idx.add.f32.msk $0xffff, v34  }
0x221: {  	v54 =	vor.u32 v19, v21;
	v48 =	vunpack.i.l.bf16.f32 v29;
	v46 =	vmul.f32 v43, v22;
	[tilespmem:v55+s3+$0x0] =	vst.idx.add.f32.msk $0xffff, v36  }
0x222: {  	v25 =	vunpack.i.u.bf16.f32 v25;
	v27 =	vunpack.i.u.bf16.f32 v27;
	v35 =	vmul.f32 v48, v22;
	[tilespmem:v58+s3+$0x0] =	vst.idx.add.f32.msk $0xffff, v41  }
0x223: {  	v28 =	vunpack.i.u.bf16.f32 v28;
	v29 =	vunpack.i.u.bf16.f32 v29;
	v25 =	vmul.f32 v25, v22;
	[tilespmem:v61+s3+$0x0] =	vst.idx.add.f32.msk $0xffff, v46  }
0x224: {  	v52 =	vunpack.i.l.bf16.f32 v31;
	v44 =	vmul.f32 v27, v22;
	v49 =	vmul.f32 v28, v22;
	[tilespmem:v42+s3+$0x0] =	vst.idx.add.f32.msk $0xffff, v35  }
0x225: {  	v24 =	vunpack.i.u.bf16.f32 v24;
	v53 =	vmul.f32 v29, v22;
	v57 =	vor.u32 v10, v21;
	[tilespmem:v56+s3+$0x0] =	vst.idx.add.f32.msk $0xffff, v25  }
0x226: {  	v59 =	vor.u32 v11, v21;
	v21 =	vor.u32 v15, v21;
	v55 =	vunpack.i.u.bf16.f32 v31;
	[tilespmem:v60+s3+$0x0] =	vst.idx.add.f32.msk $0xffff, v44  }
0x227: {  	v58 =	vunpack.i.l.bf16.f32 v23;
	v23 =	vunpack.i.u.bf16.f32 v23;
	[tilespmem:v40+s3+$0x0] =	vst.idx.add.f32.msk $0xffff, v49;
	v56 =	vmul.f32 v52, v22  }
0x228: {  	v61 =	vunpack.i.l.bf16.f32 v26;
	v30 =	vmul.f32 v55, v22;
	[tilespmem:v45+s3+$0x0] =	vst.idx.add.f32.msk $0xffff, v53;
	v60 =	vmul.f32 v58, v22  }
0x229: {  	s0 =	sadd.s32 $0x1, s0;
	v26 =	vunpack.i.u.bf16.f32 v26;
	v23 =	vmul.f32 v23, v22;
	v62 =	vmul.f32 v61, v22;
	[tilespmem:v47+s3+$0x0] =	vst.idx.add.f32.msk $0xffff, v56  }
0x22a: {  	p2 =	sne.s32 s0, s31;
	v26 =	vmul.f32 v26, v22;
	v22 =	vmul.f32 v24, v22;
	[tilespmem:v51+s3+$0x0] =	vst.idx.add.f32.msk $0xffff, v60  }
.Ltmp19:
0x22b: {  	[tilespmem:v57+s3+$0x0] =	vst.idx.add.f32.msk $0xffff, v62;
	(pc) =	sbr.rel @p2 .LBB2_38-.Ltmp19, $4  }
0x22c: {  	[tilespmem:v21+s3+$0x0] =	vst.idx.add.f32.msk $0xffff, v22  }
0x22d: {  	[tilespmem:v50+s3+$0x0] =	vst.idx.add.f32.msk $0xffff, v30  }
0x22e: {  	[tilespmem:v54+s3+$0x0] =	vst.idx.add.f32.msk $0xffff, v23  }
0x22f: {  	[tilespmem:v59+s3+$0x0] =	vst.idx.add.f32.msk $0xffff, v26  }
.LBB2_41:
.Ltmp20:
0x230: {  	(pc) =	sbr.rel @p3 .LBB2_7-.Ltmp20, $1  }
0x231: {  	_ =	sdelay $0x3  }
.Ltmp21:
0x232: {  	(pc) =	sbr.rel .LBB2_17-.Ltmp21, $3  }
0x233: {  	_ =	sdelay $0x1  }
0x234: {  	s0 =	sadd.s32 s30, s10;
	s29 =	sadd.s32 $0x1, s29  }
0x235: {  	[tilespmem:s18], [sflag:$0x2] =	stream.linear.gather [hbm4b:s0+s3], $0x4000, $0x38;
	v63 =	vld [tilespmem:$0x0]  }
.LBB2_19:
.Ltmp22:
0x236: {  	(pc) =	sbr.rel .LBB2_23-.Ltmp22, $2  }
0x237: {  	_ =	sdelay $0x2  }
0x238: {  	s1 =	simm.s32 $0x0  }
.LBB2_31:
.Ltmp23:
0x239: {  	(pc) =	sbr.rel .LBB2_35-.Ltmp23, $2  }
0x23a: {  	_ =	sdelay $0x2  }
0x23b: {  	s7 =	simm.s32 $0x0  }
.LBB2_21:
.Ltmp24:
0x23c: {  	(pc) =	sbr.rel .LBB2_23-.Ltmp24, $2  }
0x23d: {  	_ =	sdelay $0x2  }
0x23e: {  	s1 =	simm.s32 $0x0  }
.LBB2_33:
.Ltmp25:
0x23f: {  	(pc) =	sbr.rel .LBB2_35-.Ltmp25, $2  }
0x240: {  	_ =	sdelay $0x2  }
0x241: {  	s7 =	simm.s32 $0x0  }
.LBB2_8:
0x242: {  	v20 =	vld [tilespmem:$0x1FDD0]  }
0x243: {  	v21 =	vld [tilespmem:$0x1FDE0]  }
0x244: {  	v22 =	vld [tilespmem:$0x1FDF0]  }
0x245: {  	v23 =	vld [tilespmem:$0x1FE00]  }
0x246: {  	v24 =	vld [tilespmem:$0x1FE10]  }
0x247: {  	(erf) = vrcp.f32 v20;
	v20 =	vld [tilespmem:$0x1FE20]  }
0x248: {  	(erf) = vrcp.f32 v21;
	v21 =	vld [tilespmem:$0x1FE30]  }
0x249: {  	(erf) = vrcp.f32 v22;
	v22 =	vld [tilespmem:$0x1FE40]  }
0x24a: {  	(erf) = vrcp.f32 v23;
	v23 =	vld [tilespmem:$0x1FE50]  }
0x24b: {  	(erf) = vrcp.f32 v24;
	v24 =	vld [tilespmem:$0x1FE60]  }
0x24c: {  	(erf) = vrcp.f32 v20;
	v20 =	vld [tilespmem:$0x1FE70]  }
0x24d: {  	(erf) = vrcp.f32 v21;
	v21 =	vld [tilespmem:$0x1FE80]  }
0x24e: {  	(erf) = vrcp.f32 v22;
	v22 =	vld [tilespmem:$0x1FE90]  }
0x24f: {  	(erf) = vrcp.f32 v23;
	v23 =	vld [tilespmem:$0x1FEA0]  }
0x250: {  	v25 =	vpop (erf);
	(erf) = vrcp.f32 v24;
	v24 =	vld [tilespmem:$0x1FEB0]  }
0x251: {  	[tilespmem:$0x1FDD0] =	vst v25;
	v25 =	vpop (erf);
	(erf) = vrcp.f32 v20;
	v20 =	vld [tilespmem:$0x1FEC0]  }
0x252: {  	[tilespmem:$0x1FDE0] =	vst v25;
	v25 =	vpop (erf);
	(erf) = vrcp.f32 v21;
	v21 =	vld [tilespmem:$0x1FED0]  }
0x253: {  	[tilespmem:$0x1FDF0] =	vst v25;
	v25 =	vpop (erf);
	(erf) = vrcp.f32 v22;
	v22 =	vld [tilespmem:$0x1FEE0]  }
0x254: {  	[tilespmem:$0x1FE00] =	vst v25;
	v25 =	vpop (erf);
	(erf) = vrcp.f32 v23;
	v23 =	vld [tilespmem:$0x1FEF0]  }
0x255: {  	[tilespmem:$0x1FE10] =	vst v25;
	v25 =	vpop (erf);
	(erf) = vrcp.f32 v24;
	v24 =	vld [tilespmem:$0x1FF00]  }
0x256: {  	[tilespmem:$0x1FE20] =	vst v25;
	v25 =	vpop (erf);
	(erf) = vrcp.f32 v20  }
0x257: {  	v20 =	vpop (erf);
	(erf) = vrcp.f32 v21  }
0x258: {  	[tilespmem:$0x1FE40] =	vst v20;
	v20 =	vpop (erf);
	(erf) = vrcp.f32 v22  }
0x259: {  	[tilespmem:$0x1FE50] =	vst v20;
	v20 =	vpop (erf);
	(erf) = vrcp.f32 v23  }
0x25a: {  	[tilespmem:$0x1FE60] =	vst v20;
	v20 =	vpop (erf);
	(erf) = vrcp.f32 v24  }
0x25b: {  	[tilespmem:$0x1FE30] =	vst v25;
	v21 =	vpop (erf)  }
0x25c: {  	[tilespmem:$0x1FE70] =	vst v20;
	v20 =	vpop (erf)  }
0x25d: {  	[tilespmem:$0x1FE80] =	vst v21;
	v21 =	vpop (erf)  }
0x25e: {  	[tilespmem:$0x1FE90] =	vst v20;
	v20 =	vpop (erf)  }
0x25f: {  	[tilespmem:$0x1FEA0] =	vst v21;
	v21 =	vpop (erf)  }
0x260: {  	[tilespmem:$0x1FEB0] =	vst v20;
	v20 =	vpop (erf)  }
0x261: {  	[tilespmem:$0x1FEC0] =	vst v21;
	v21 =	vpop (erf)  }
0x262: {  	[tilespmem:$0x1FED0] =	vst v20;
	v20 =	vpop (erf)  }
0x263: {  	s0 =	simm.s32 $0x150;
	s1 =	simm.s32 $0x0;
	[tilespmem:$0x1FEF0] =	vst v20;
	v20 =	vpop (erf)  }
0x264: {  	s31 =	sand.u32 $0x1F800, s1;
	s7 =	sand.u32 $0x380, s1;
	[tilespmem:$0x1FF00] =	vst v20;
	v20 =	vmov s0  }
0x265: {  	[tilespmem:$0x1FEE0] =	vst v21;
	s0 =	sor.u32 s7, s31  }
0x266: {  	v22 =	vld [tilespmem:s0+$0x20]  }
0x267: {  	v21 =	vld [tilespmem:s0+$0x0]  }
0x268: {  	v23 =	vld [tilespmem:s0+$0x430]  }
0x269: {  	v25 =	vld.idx.msk [tilespmem:v20+s13+$0x0], $0xffff  }
0x26a: {  	v20 =	vld [tilespmem:s0+$0x30]  }
0x26b: {  	v34 =	vld [tilespmem:s0+$0x420]  }
0x26c: {  	v26 =	vld [tilespmem:s0+$0x460]  }
0x26d: {  	v31 =	vld [tilespmem:s0+$0x410]  }
0x26e: {  	v32 =	vld [tilespmem:s0+$0x470];
	v21 =	vmul.f32 v21, v25;
	v24 =	vmul.f32 v23, v25  }
0x26f: {  	v28 =	vld [tilespmem:s0+$0x10];
	v22 =	vmul.f32 v22, v25;
	v20 =	vmul.f32 v20, v25  }
0x270: {  	v27 =	vld [tilespmem:s0+$0x40];
	v23 =	vmul.f32 v34, v25;
	v33 =	vmul.f32 $1.442695020e+00, v24  }
0x271: {  	s23 =	simm.s32 $0x151;
	s24 =	simm.s32 $0x0;
	v30 =	vld [tilespmem:s0+$0x60];
	v26 =	vmul.f32 v26, v25;
	v29 =	vmul.f32 $1.442695020e+00, v21  }
.LBB2_9:
0x272: {  	p1 =	sne.s32 s23, $0x28F;
	v31 =	vmul.f32 v31, v25;
	s1 =	sadd.s32 $0x80, s1;
	s24 =	sadd.s32 $0x100, s24;
	(erf) = vpow2.f32 v33  }
0x273: {  	s7 =	smov.u32 s23;
	s23 =	sadd.s32 $0x1, s23;
	v33 =	vld [tilespmem:s0+$0x400];
	v34 =	vmul.f32 $1.442695020e+00, v23;
	v32 =	vmul.f32 v32, v25  }
0x274: {  	v35 =	vmul.f32 $1.442695020e+00, v22;
	v36 =	vmul.f32 $1.442695020e+00, v31  }
0x275: {  	v38 =	vmul.f32 $1.442695020e+00, v26;
	v37 =	vld [tilespmem:s0+$0x450];
	v39 =	vmul.f32 $1.442695020e+00, v32  }
0x276: {  	v30 =	vmul.f32 v30, v25;
	v40 =	vld [tilespmem:s0+$0x70];
	(erf) = vpow2.f32 v36  }
0x277: {  	v36 =	vmul.f32 $1.442695020e+00, v20;
	(erf) = vpow2.f32 v38  }
0x278: {  	v33 =	vmul.f32 v33, v25;
	(erf) = vpow2.f32 v29  }
0x279: {  	v28 =	vmul.f32 v28, v25;
	vm0 =	vgt.f32 v20, $0.0e+00;
	v29 =	vld [tilespmem:s0+$0x50];
	(erf) = vpow2.f32 v34  }
0x27a: {  	vm1 =	vgt.f32 v21, $0.0e+00;
	v34 =	vmul.f32 $1.442695020e+00, v30;
	v38 =	vld [tilespmem:s0+$0x440];
	v37 =	vmul.f32 v37, v25  }
0x27b: {  	vm2 =	vgt.f32 v22, $0.0e+00;
	v41 =	vmul.f32 $1.442695020e+00, v33;
	v40 =	vmul.f32 v40, v25;
	v42 =	vpop (erf)  }
0x27c: {  	vm3 =	vgt.f32 v23, $0.0e+00;
	v43 =	vmul.f32 $1.442695020e+00, v37;
	(erf) = vpow2.f32 v36  }
0x27d: {  	vm5 =	vgt.f32 v24, $0.0e+00;
	v36 =	vmul.f32 $1.442695020e+00, v40;
	(erf) = vpow2.f32 v35  }
0x27e: {  	vm6 =	vgt.f32 v26, $0.0e+00;
	v29 =	vmul.f32 v29, v25;
	(erf) = vpow2.f32 v39  }
0x27f: {  	vm7 =	vgt.f32 v31, $0.0e+00;
	v35 =	vmul.f32 v38, v25;
	(erf) = vpow2.f32 v34;
	v34 =	vpop (erf)  }
0x280: {  	v38 =	vmul.f32 $1.442695020e+00, v29;
	v34 =	vadd.f32 $-1.000000000e+00, v34;
	(erf) = vpow2.f32 v41;
	v39 =	vpop (erf)  }
0x281: {  	v41 =	vmul.f32 $1.442695020e+00, v28;
	v39 =	vadd.f32 $-1.000000000e+00, v39;
	v44 =	vpop (erf);
	(erf) = vpow2.f32 v43  }
0x282: {  	vm4 =	vgt.f32 v32, $0.0e+00;
	v25 =	vmul.f32 v27, v25;
	(erf) = vpow2.f32 v36;
	v27 =	vpop (erf)  }
0x283: {  	v42 =	vadd.f32 $-1.000000000e+00, v42;
	v31 =	vsel vm7, v31, v34;
	(erf) = vpow2.f32 v38  }
0x284: {  	v36 =	vmov s7;
	v38 =	vmul.f32 $1.442695020e+00, v25;
	[tilespmem:s0+$0x410] =	vst v31;
	v31 =	vmul.f32 $1.442695020e+00, v35  }
0x285: {  	v42 =	vsel vm5, v24, v42;
	v39 =	vsel vm6, v26, v39;
	(erf) = vpow2.f32 v41;
	v34 =	vpop (erf)  }
0x286: {  	s11 =	sand.u32 $0x380, s1;
	vm5 =	vgt.f32 v30, $0.0e+00;
	s7 =	sand.u32 $0x1F800, s24;
	v41 =	vadd.f32 $-1.000000000e+00, v27;
	[tilespmem:s0+$0x430] =	vst v42;
	v24 =	vpop (erf);
	(erf) = vpow2.f32 v38  }
0x287: {  	s7 =	sor.u32 s11, s7;
	vm6 =	vgt.f32 v33, $0.0e+00;
	v38 =	vadd.f32 $-1.000000000e+00, v44;
	v42 =	vadd.f32 $-1.000000000e+00, v24;
	[tilespmem:s0+$0x460] =	vst v39;
	v26 =	vpop (erf)  }
0x288: {  	v39 =	vsel vm3, v23, v41;
	v26 =	vadd.f32 $-1.000000000e+00, v26;
	v27 =	vpop (erf);
	(erf) = vpow2.f32 v31  }
0x289: {  	v21 =	vsel vm1, v21, v38;
	vm1 =	vgt.f32 v37, $0.0e+00;
	v22 =	vsel vm2, v22, v42;
	[tilespmem:s0+$0x420] =	vst v39;
	v23 =	vpop (erf)  }
0x28a: {  	vm2 =	vgt.f32 v40, $0.0e+00;
	v38 =	vld [tilespmem:s7+$0x460];
	[tilespmem:s0+$0x20] =	vst v22;
	v22 =	vadd.f32 $-1.000000000e+00, v34;
	v23 =	vadd.f32 $-1.000000000e+00, v23;
	v24 =	vpop (erf)  }
0x28b: {  	v31 =	vsel vm4, v32, v26;
	v34 =	vld [tilespmem:s7+$0x20];
	[tilespmem:s0+$0x0] =	vst v21;
	v21 =	vadd.f32 $-1.000000000e+00, v27;
	v39 =	vadd.f32 $-1.000000000e+00, v24;
	v27 =	vpop (erf)  }
0x28c: {  	v32 =	vld [tilespmem:s7+$0x0];
	v20 =	vsel vm0, v20, v22;
	v22 =	vadd.f32 $-1.000000000e+00, v27;
	v23 =	vsel vm6, v33, v23;
	[tilespmem:s0+$0x470] =	vst v31;
	v26 =	vpop (erf)  }
0x28d: {  	v33 =	vld [tilespmem:s7+$0x430];
	[tilespmem:s0+$0x30] =	vst v20;
	v20 =	vadd.f32 $-1.000000000e+00, v26;
	v27 =	vsel vm5, v30, v21;
	v26 =	vsel vm1, v37, v39  }
0x28e: {  	vm0 =	vgt.f32 v29, $0.0e+00;
	v22 =	vsel vm2, v40, v22;
	[tilespmem:s0+$0x450] =	vst v26;
	v24 =	vpop (erf)  }
0x28f: {  	v24 =	vadd.f32 $-1.000000000e+00, v24;
	v20 =	vsel vm0, v29, v20;
	[tilespmem:s0+$0x60] =	vst v27;
	v21 =	vpop (erf)  }
0x290: {  	vm0 =	vgt.f32 v28, $0.0e+00;
	v21 =	vadd.f32 $-1.000000000e+00, v21;
	[tilespmem:s0+$0x50] =	vst v20  }
0x291: {  	v20 =	vsel vm0, v28, v24;
	vm0 =	vgt.f32 v25, $0.0e+00;
	[tilespmem:s0+$0x400] =	vst v23;
	v23 =	vpop (erf)  }
0x292: {  	[tilespmem:s0+$0x10] =	vst v20;
	v20 =	vsel vm0, v25, v21;
	v21 =	vadd.f32 $-1.000000000e+00, v23  }
0x293: {  	vm0 =	vgt.f32 v35, $0.0e+00;
	[tilespmem:s0+$0x40] =	vst v20  }
0x294: {  	v28 =	vld [tilespmem:s7+$0x10];
	[tilespmem:s0+$0x70] =	vst v22;
	v20 =	vsel vm0, v35, v21  }
0x295: {  	[tilespmem:s0+$0x440] =	vst v20;
	s0 =	smov.u32 s7  }
0x296: {  	v25 =	vld.idx.msk [tilespmem:v36+s13+$0x0], $0xffff  }
0x297: {  	v20 =	vld [tilespmem:s0+$0x30]  }
0x298: {  	v31 =	vld [tilespmem:s0+$0x410];
	_ =	sdelay $0x1  }
0x299: {  	v23 =	vld [tilespmem:s0+$0x420]  }
.Ltmp26:
0x29a: {  	v27 =	vld [tilespmem:s0+$0x40];
	(pc) =	sbr.rel @p1 .LBB2_9-.Ltmp26, $4  }
0x29b: {  	v21 =	vmul.f32 v32, v25;
	v24 =	vmul.f32 v33, v25;
	v32 =	vld [tilespmem:s0+$0x470]  }
0x29c: {  	v22 =	vmul.f32 v34, v25;
	v20 =	vmul.f32 v20, v25  }
0x29d: {  	v29 =	vmul.f32 $1.442695020e+00, v21;
	v33 =	vmul.f32 $1.442695020e+00, v24  }
0x29e: {  	v26 =	vmul.f32 v38, v25;
	v30 =	vld [tilespmem:s0+$0x60];
	v23 =	vmul.f32 v23, v25  }
0x29f: {  	v31 =	vmul.f32 v31, v25  }
0x2a0: {  	(erf) = vpow2.f32 v33;
	v46 =	vld [tilespmem:s0+$0x400];
	v35 =	vmul.f32 $1.442695020e+00, v22  }
0x2a1: {  	v37 =	vld [tilespmem:s0+$0x450];
	v47 =	vmul.f32 $1.442695020e+00, v20;
	v28 =	vmul.f32 v28, v25  }
0x2a2: {  	v40 =	vld [tilespmem:s0+$0x70];
	v34 =	vmul.f32 $1.442695020e+00, v23;
	v32 =	vmul.f32 v32, v25  }
0x2a3: {  	v50 =	vld [tilespmem:s0+$0x440];
	v38 =	vmul.f32 $1.442695020e+00, v26;
	v36 =	vmul.f32 $1.442695020e+00, v31  }
0x2a4: {  	v58 =	vmul.f32 $1.442695020e+00, v28;
	v39 =	vmul.f32 $1.442695020e+00, v32  }
0x2a5: {  	v48 =	vld [tilespmem:s0+$0x50];
	v30 =	vmul.f32 v30, v25;
	(erf) = vpow2.f32 v36  }
0x2a6: {  	(erf) = vpow2.f32 v38;
	v33 =	vmul.f32 v46, v25  }
0x2a7: {  	v37 =	vmul.f32 v37, v25;
	v40 =	vmul.f32 v40, v25  }
0x2a8: {  	v38 =	vmul.f32 v50, v25;
	(erf) = vpow2.f32 v29  }
0x2a9: {  	v49 =	vmul.f32 $1.442695020e+00, v30;
	(erf) = vpow2.f32 v34  }
0x2aa: {  	v29 =	vmul.f32 v48, v25;
	(erf) = vpow2.f32 v47  }
0x2ab: {  	v25 =	vmul.f32 v27, v25;
	(erf) = vpow2.f32 v35  }
0x2ac: {  	vm1 =	vgt.f32 v24, $0.0e+00;
	v41 =	vmul.f32 $1.442695020e+00, v33;
	(erf) = vpow2.f32 v39  }
0x2ad: {  	vm5 =	vgt.f32 v21, $0.0e+00;
	v51 =	vmul.f32 $1.442695020e+00, v37;
	(erf) = vpow2.f32 v49  }
0x2ae: {  	vm2 =	vgt.f32 v26, $0.0e+00;
	v52 =	vmul.f32 $1.442695020e+00, v40;
	v53 =	vpop (erf);
	(erf) = vpow2.f32 v41  }
0x2af: {  	vm3 =	vgt.f32 v31, $0.0e+00;
	v55 =	vmul.f32 $1.442695020e+00, v29;
	v54 =	vpop (erf);
	(erf) = vpow2.f32 v51  }
0x2b0: {  	v61 =	vmul.f32 $1.442695020e+00, v38;
	v34 =	vadd.f32 $-1.000000000e+00, v53;
	v56 =	vpop (erf);
	(erf) = vpow2.f32 v52  }
0x2b1: {  	v42 =	vmul.f32 $1.442695020e+00, v25;
	v57 =	vadd.f32 $-1.000000000e+00, v54;
	v59 =	vpop (erf);
	(erf) = vpow2.f32 v55  }
0x2b2: {  	v24 =	vsel vm1, v24, v34;
	v36 =	vadd.f32 $-1.000000000e+00, v56;
	v60 =	vpop (erf);
	(erf) = vpow2.f32 v58  }
0x2b3: {  	[tilespmem:s0+$0x430] =	vst v24;
	v27 =	vsel vm3, v31, v57;
	v47 =	vadd.f32 $-1.000000000e+00, v59;
	v62 =	vpop (erf);
	(erf) = vpow2.f32 v42  }
0x2b4: {  	vm4 =	vgt.f32 v23, $0.0e+00;
	[tilespmem:s0+$0x410] =	vst v27;
	v43 =	vadd.f32 $-1.000000000e+00, v60;
	v26 =	vsel vm2, v26, v36;
	v44 =	vpop (erf)  }
0x2b5: {  	[tilespmem:s0+$0x460] =	vst v26;
	(erf) = vpow2.f32 v61;
	v21 =	vsel vm5, v21, v47;
	v51 =	vadd.f32 $-1.000000000e+00, v62;
	v46 =	vpop (erf)  }
0x2b6: {  	vm7 =	vgt.f32 v20, $0.0e+00;
	v45 =	vadd.f32 $-1.000000000e+00, v44;
	v23 =	vsel vm4, v23, v43;
	[tilespmem:s0+$0x0] =	vst v21;
	v48 =	vpop (erf)  }
0x2b7: {  	vm0 =	vgt.f32 v22, $0.0e+00;
	v49 =	vadd.f32 $-1.000000000e+00, v46;
	[tilespmem:s0+$0x420] =	vst v23;
	v20 =	vsel vm7, v20, v51;
	v50 =	vpop (erf)  }
0x2b8: {  	vm6 =	vgt.f32 v32, $0.0e+00;
	v22 =	vsel vm0, v22, v45;
	v26 =	vadd.f32 $-1.000000000e+00, v48;
	[tilespmem:s0+$0x30] =	vst v20;
	v52 =	vpop (erf)  }
0x2b9: {  	vm9 =	vgt.f32 v30, $0.0e+00;
	[tilespmem:s0+$0x20] =	vst v22;
	v54 =	vsel vm6, v32, v49;
	v53 =	vadd.f32 $-1.000000000e+00, v52;
	v55 =	vpop (erf)  }
0x2ba: {  	vm8 =	vgt.f32 v37, $0.0e+00;
	v57 =	vadd.f32 $-1.000000000e+00, v50;
	[tilespmem:s0+$0x470] =	vst v54;
	v58 =	vsel vm9, v30, v26;
	v56 =	vpop (erf)  }
0x2bb: {  	vm11 =	vgt.f32 v33, $0.0e+00;
	[tilespmem:s0+$0x60] =	vst v58;
	v20 =	vadd.f32 $-1.000000000e+00, v56;
	v21 =	vsel vm8, v37, v53;
	v59 =	vpop (erf)  }
0x2bc: {  	vm10 =	vgt.f32 v29, $0.0e+00;
	v22 =	vsel vm11, v33, v57;
	[tilespmem:s0+$0x450] =	vst v21;
	v21 =	vadd.f32 $-1.000000000e+00, v59;
	v60 =	vpop (erf)  }
0x2bd: {  	vm12 =	vgt.f32 v28, $0.0e+00;
	[tilespmem:s0+$0x400] =	vst v22;
	v20 =	vsel vm10, v29, v20;
	v23 =	vadd.f32 $-1.000000000e+00, v60  }
0x2be: {  	vm13 =	vgt.f32 v25, $0.0e+00;
	v61 =	vpop (erf);
	[tilespmem:s0+$0x50] =	vst v20;
	v20 =	vadd.f32 $-1.000000000e+00, v55;
	v21 =	vsel vm12, v28, v21  }
0x2bf: {  	vm14 =	vgt.f32 v40, $0.0e+00;
	v22 =	vadd.f32 $-1.000000000e+00, v61;
	[tilespmem:s0+$0x10] =	vst v21;
	v62 =	vsel vm13, v25, v23  }
0x2c0: {  	vm15 =	vgt.f32 v38, $0.0e+00;
	v20 =	vsel vm14, v40, v20;
	[tilespmem:s0+$0x40] =	vst v62  }
0x2c1: {  	[tilespmem:s0+$0x70] =	vst v20;
	v20 =	vsel vm15, v38, v22  }
0x2c2: {  	s1 =	rddreg [dreg:$0x4];
	[tilespmem:s0+$0x440] =	vst v20;
	s0 =	simm.s32 @p0 $0x0  }
0x2c3: {  	[hbm4b:s1+s0] =	stream.linear.scatter @p0 [tilespmem:s0], [sflag:$0x4], $0x5000, $0x38;
	v63 =	vld [tilespmem:$0x0]  }
0x2c4: {  	s0 =	simm.s32 @p0 $0x4  }
0x2c5: {  	_ =	swait.ge @p0 [sflag:s0], $0x5000  }
0x2c6: {  	[sflag:s0] =	ssyncset.done @p0 $0x0  }
0x2c7: {  	[sflag:s0] =	ssyncadd.s32 @p0 $0xFFFFB000;
	s0 =	simm.s32 @!p0 $0x0  }
0x2c8: {  	[hbm4b:s1+s0] =	stream.linear.scatter @!p0 [tilespmem:s0], [sflag:$0x4], $0x14000, $0x38;
	v63 =	vld [tilespmem:$0x0]  }
0x2c9: {  	s0 =	simm.s32 @!p0 $0x4  }
0x2ca: {  	_ =	swait.ge @!p0 [sflag:s0], $0x14000  }
0x2cb: {  	s22 =	sadd.s32 $0x1, s22;
	s31 =	rddreg [dreg:$0x5]  }
0x2cc: {  	p1 =	sne.s32 s22, s31  }
.Ltmp27:
0x2cd: {  	_ = 	snop;
	(pc) =	sbr.rel @p1 .LBB2_1-.Ltmp27, $3  }
0x2ce: {  	_ =	sdelay $0x1  }
0x2cf: {  	[sflag:s0] =	ssyncset.done @!p0 $0x0  }
0x2d0: {  	[sflag:s0] =	ssyncadd.s32 @!p0 $0xFFFEC000  }
0x2d1: {  	_ =	sfence.sel $0x180000  }
0x2d2: {  	[bflag:$0x0] =	sbarrier.arrive $0xFFFF  }
0x2d3: {  	_ =	strace $0x90000047  }
0x2d4: {  	s0 =	stileid.u32;
	[bflag:$0x2] =	sbarrier.arrive $0xFFFF  }
0x2d5: {  	p0 =	sne.s32 s0, $0x0;
	s0 =	rddreg [dreg:$0x2]  }
0x2d6: {  	s0 =	sadd.s32 @!p0 $0x100000, s0  }
0x2d7: {  	[sflag:s0] =	ssyncadd.tile.s32 @!p0 $0x1;
	_ =	shalt  }
.Lfunc_end2:
_tile_overlayer_lowered:
.L_overlay_start_2:
0x2d8: {  	(tag) =	ssettag $0x2  }
0x2d9: {  	s0 =	rddreg [dreg:$0x0];
	s2 =	stileid.u32  }
0x2da: {  	s1 =	rddreg [dreg:$0x1];
	p0 =	sne.s32 s2, $0x0  }
0x2db: {  	s3 =	rddreg [dreg:$0x2];
	[bflag:$0x3] =	sbarrier.arrive $0xFFFF;
	s2 =	simm.s32 @!p0 $0x1C04  }
0x2dc: {  	[timem:s3], [sflag:s2] =	dma.local @!p0 [hbm:s0], s1  }
0x2dd: {  	s0 =	simm.s32 @!p0 $0x4  }
0x2de: {  	_ =	swait.ge @!p0 [sflag:s0], s1  }
0x2df: {  	s1 =	ssub.s32 @!p0 $0x0, s1;
	[sflag:s0] =	ssyncset.done @!p0 $0x0  }
0x2e0: {  	[sflag:s0] =	ssyncadd.s32 @!p0 s1  }
0x2e1: {  	[bflag:$0x3] =	sbarrier.arrive $0xFFFF  }
0x2e2: {  	_ =	shalt  }

</sc_bundles>
